<compile_context>
chip_gen: v7x
topology: tpu7x:2x2x1
jax: 0.10.2.dev20260603
libtpu: 0.0.44.dev20260713+nightly
codegen_flags: <defaults>
</compile_context>

<pallas_src>
import functools

import jax
import jax.numpy as jnp
from jax import lax
from jax.experimental import pallas as pl
from jax.experimental.pallas import tpu as pltpu
from jax.experimental.pallas import tpu_sc as plsc

N = 10000
F = 256
FH = 128
E = 160000
EPAD = 163840
G = 64
NC = 2
NS = 16
CHUNK = 64
EPW = EPAD // NS
NCHUNK = EPW // CHUNK
PCH = NCHUNK // 4
NBUF = 4
TRASH = 8
RB = 1000
NB = N // RB



def _sc_agg_body(h_hbm, src_hbm, dst_hbm, out_hbm, shared, src_v, dst_v,
                 rows_v, gsem):
    c = lax.axis_index("c")
    s = lax.axis_index("s")
    rps = 624
    tail_lo = rps * NS
    tail_n = N - tail_lo

    pltpu.sync_copy(src_hbm.at[pl.ds(c * (EPAD // CHUNK) + s * NCHUNK, PCH)],
                    src_v)
    pltpu.sync_copy(dst_hbm.at[pl.ds(s * NCHUNK, PCH)], dst_v)

    for b in range(NBUF - 1):
        pltpu.async_copy(h_hbm.at[src_v.at[b]], rows_v.at[b], gsem.at[b])

    init_lo = s * rps
    pltpu.sync_copy(h_hbm.at[pl.ds(c * N + init_lo, rps)],
                    shared.at[pl.ds(init_lo, rps)])

    @pl.when(s == NS - 1)
    def _():
        pltpu.sync_copy(h_hbm.at[pl.ds(c * N + tail_lo, tail_n)],
                        shared.at[pl.ds(tail_lo, tail_n)])

    plsc.subcore_barrier()

    for ph in range(NCHUNK // PCH):
        if ph > 0:
            pltpu.sync_copy(
                src_hbm.at[pl.ds(c * (EPAD // CHUNK) + s * NCHUNK + ph * PCH,
                                 PCH)], src_v)
            pltpu.sync_copy(dst_hbm.at[pl.ds(s * NCHUNK + ph * PCH, PCH)],
                            dst_v)
            for b in range(NBUF - 1):
                pltpu.async_copy(h_hbm.at[src_v.at[b]], rows_v.at[b],
                                 gsem.at[b])

        @pl.loop(0, PCH, step=NBUF)
        def _(jo):
            for b in range(NBUF):
                j = jo + b
                b3 = (b + NBUF - 1) % NBUF
                pltpu.make_async_copy(h_hbm.at[src_v.at[j]], rows_v.at[b],
                                      gsem.at[b]).wait()

                @pl.when(j + NBUF - 1 < PCH)
                def _():
                    pltpu.async_copy(h_hbm.at[src_v.at[j + NBUF - 1]],
                                     rows_v.at[b3], gsem.at[b3])

                pltpu.sync_copy(rows_v.at[b], shared.at[dst_v.at[j]],
                                add=True)

    plsc.subcore_barrier()

    out_lo = s * rps
    pltpu.sync_copy(shared.at[pl.ds(out_lo, rps)],
                    out_hbm.at[pl.ds(c * N + out_lo, rps)])

    @pl.when(s == NS - 1)
    def _():
        pltpu.sync_copy(shared.at[pl.ds(tail_lo, tail_n)],
                        out_hbm.at[pl.ds(c * N + tail_lo, tail_n)])


@functools.partial(jax.jit, static_argnames=())
def _sc_agg(h_flat, src2, dst3):
    mesh = plsc.VectorSubcoreMesh(core_axis_name="c", subcore_axis_name="s")
    f = pl.kernel(
        _sc_agg_body,
        out_type=jax.ShapeDtypeStruct((NC * N, FH), jnp.float32),
        mesh=mesh,
        scratch_types=[
            pltpu.VMEM_SHARED((N + TRASH, FH), jnp.float32),
            pltpu.VMEM((PCH, CHUNK), jnp.int32),
            pltpu.VMEM((PCH, CHUNK), jnp.int32),
            pltpu.VMEM((NBUF, CHUNK, FH), jnp.float32),
            pltpu.SemaphoreType.DMA((NBUF,)),
        ],
    )
    return f(h_flat, src2, dst3)



def _mat_a_body(h_ref, wa_ref, ba_ref, h1_ref, s1_ref, s2_ref):
    i = pl.program_id(0)
    h1 = (jnp.dot(h_ref[0], wa_ref[0], preferred_element_type=jnp.float32)
          + jnp.dot(h_ref[1], wa_ref[1], preferred_element_type=jnp.float32)
          + ba_ref[...])
    h1_ref[...] = h1

    @pl.when(i == 0)
    def _():
        s1_ref[...] = jnp.zeros_like(s1_ref)
        s2_ref[...] = jnp.zeros_like(s2_ref)

    s1_ref[...] += jnp.sum(h1, axis=0, keepdims=True)
    s2_ref[...] += jnp.sum(h1 * h1, axis=0, keepdims=True)


def _mat_a(h_split, wa_split, ba):
    return pl.pallas_call(
        _mat_a_body,
        grid=(NB,),
        in_specs=[
            pl.BlockSpec((NC, RB, FH), lambda i: (0, i, 0)),
            pl.BlockSpec((NC, FH, F), lambda i: (0, 0, 0)),
            pl.BlockSpec((1, F), lambda i: (0, 0)),
        ],
        out_specs=[
            pl.BlockSpec((RB, F), lambda i: (i, 0)),
            pl.BlockSpec((1, F), lambda i: (0, 0)),
            pl.BlockSpec((1, F), lambda i: (0, 0)),
        ],
        out_shape=[
            jax.ShapeDtypeStruct((N, F), jnp.float32),
            jax.ShapeDtypeStruct((1, F), jnp.float32),
            jax.ShapeDtypeStruct((1, F), jnp.float32),
        ],
        compiler_params=pltpu.CompilerParams(
            dimension_semantics=("arbitrary",)),
    )(h_split, wa_split, ba)


def _bn_scale_shift(s1_ref, s2_ref, g_ref, be_ref):
    mu = s1_ref[...] * (1.0 / N)
    var = s2_ref[...] * (1.0 / N) - mu * mu
    scale = g_ref[...] * lax.rsqrt(var + 1e-5)
    shift = be_ref[...] - mu * scale
    return scale, shift


def _mat_b_body(h1_ref, s1_ref, s2_ref, g_ref, be_ref, wb_ref, bb_ref, o_ref):
    scale, shift = _bn_scale_shift(s1_ref, s2_ref, g_ref, be_ref)
    t = jnp.maximum(h1_ref[...] * scale + shift, 0.0)
    r = jnp.dot(t, wb_ref[...], preferred_element_type=jnp.float32)
    r = jnp.maximum(r + bb_ref[...], 0.0)
    o_ref[0] = r[:, :FH]
    o_ref[1] = r[:, FH:]


def _mat_b(h1, s1, s2, g, be, wb, bb):
    return pl.pallas_call(
        _mat_b_body,
        grid=(NB,),
        in_specs=[
            pl.BlockSpec((RB, F), lambda i: (i, 0)),
            pl.BlockSpec((1, F), lambda i: (0, 0)),
            pl.BlockSpec((1, F), lambda i: (0, 0)),
            pl.BlockSpec((1, F), lambda i: (0, 0)),
            pl.BlockSpec((1, F), lambda i: (0, 0)),
            pl.BlockSpec((F, F), lambda i: (0, 0)),
            pl.BlockSpec((1, F), lambda i: (0, 0)),
        ],
        out_specs=pl.BlockSpec((NC, RB, FH), lambda i: (0, i, 0)),
        out_shape=jax.ShapeDtypeStruct((NC, N, FH), jnp.float32),
        compiler_params=pltpu.CompilerParams(
            dimension_semantics=("arbitrary",)),
    )(h1, s1, s2, g, be, wb, bb)


def _mat_b3_body(h1_ref, s1_ref, s2_ref, g_ref, be_ref, wb_ref, bb_ref,
                 batch_ref, wl_ref, bl_ref, out_ref, pool_scr, cnt_scr):
    i = pl.program_id(0)
    scale, shift = _bn_scale_shift(s1_ref, s2_ref, g_ref, be_ref)
    t = jnp.maximum(h1_ref[...] * scale + shift, 0.0)
    r = jnp.dot(t, wb_ref[...], preferred_element_type=jnp.float32)
    r = jnp.maximum(r + bb_ref[...], 0.0)

    gid = lax.broadcasted_iota(jnp.int32, (G, RB), 0)
    rows = batch_ref[...].reshape(1, RB)
    mask_t = (gid == rows).astype(jnp.float32)

    @pl.when(i == 0)
    def _():
        pool_scr[...] = jnp.zeros_like(pool_scr)
        cnt_scr[...] = jnp.zeros_like(cnt_scr)

    pool_scr[...] += jnp.dot(mask_t, r, preferred_element_type=jnp.float32)
    cnt_scr[...] += jnp.sum(mask_t, axis=1, keepdims=True)

    @pl.when(i == NB - 1)
    def _():
        pooled = pool_scr[...] / jnp.maximum(cnt_scr[...], 1.0)
        out_ref[...] = (jnp.dot(pooled, wl_ref[...],
                                preferred_element_type=jnp.float32)
                        + bl_ref[...])


def _mat_b3(h1, s1, s2, g, be, wb, bb, batch3, wl, bl):
    return pl.pallas_call(
        _mat_b3_body,
        grid=(NB,),
        in_specs=[
            pl.BlockSpec((RB, F), lambda i: (i, 0)),
            pl.BlockSpec((1, F), lambda i: (0, 0)),
            pl.BlockSpec((1, F), lambda i: (0, 0)),
            pl.BlockSpec((1, F), lambda i: (0, 0)),
            pl.BlockSpec((1, F), lambda i: (0, 0)),
            pl.BlockSpec((F, F), lambda i: (0, 0)),
            pl.BlockSpec((1, F), lambda i: (0, 0)),
            pl.BlockSpec((1, 1, RB), lambda i: (i, 0, 0)),
            pl.BlockSpec((F, F), lambda i: (0, 0)),
            pl.BlockSpec((1, F), lambda i: (0, 0)),
        ],
        out_specs=pl.BlockSpec((G, F), lambda i: (0, 0)),
        out_shape=jax.ShapeDtypeStruct((G, F), jnp.float32),
        scratch_shapes=[
            pltpu.VMEM((G, F), jnp.float32),
            pltpu.VMEM((G, 1), jnp.float32),
        ],
        compiler_params=pltpu.CompilerParams(
            dimension_semantics=("arbitrary",)),
    )(h1, s1, s2, g, be, wb, bb, batch3, wl, bl)



def kernel(x, adj, batch, W1a, b1a, g1, be1, W1b, b1b, W2a, b2a, g2, be2,
           W2b, b2b, W3a, b3a, g3, be3, W3b, b3b, Wl, bl):
    src = adj[0]
    dst = adj[1]
    npad = EPAD - E
    srcp = jnp.concatenate([src, jnp.zeros((npad,), jnp.int32)])
    dstp = jnp.concatenate([dst, jnp.full((npad,), N, jnp.int32)])
    src2 = jnp.concatenate([srcp, srcp + N]).reshape(2 * EPAD // CHUNK, CHUNK)
    dst3 = dstp.reshape(EPAD // CHUNK, CHUNK)
    batch3 = batch.reshape(NB, 1, RB)

    h = jnp.concatenate([x[:, :FH], x[:, FH:]], axis=0)

    params = [
        (W1a, b1a, g1, be1, W1b, b1b),
        (W2a, b2a, g2, be2, W2b, b2b),
        (W3a, b3a, g3, be3, W3b, b3b),
    ]
    for l, (wa, ba, g, be, wb, bb) in enumerate(params):
        hs = _sc_agg(h, src2, dst3)
        h1, s1, s2 = _mat_a(hs.reshape(NC, N, FH), wa.reshape(NC, FH, F),
                            ba.reshape(1, F))
        if l < 2:
            h = _mat_b(h1, s1, s2, g.reshape(1, F), be.reshape(1, F), wb,
                       bb.reshape(1, F)).reshape(NC * N, FH)
        else:
            out = _mat_b3(h1, s1, s2, g.reshape(1, F), be.reshape(1, F), wb,
                          bb.reshape(1, F), batch3, Wl, bl.reshape(1, F))
    return out

# --- scband reference (transcript-rebuilt; emitter-appended) ---
"""Pipeline reference for scband-gin-9783935500635 (READ-ONLY COPY).

The authoritative reference and input builder live on the scoring server;
editing this copy changes nothing except your own understanding.
"""

import jax, jax.numpy as jnp
import numpy as np


def setup_inputs(seed: int = 0) -> dict:
    key = jax.random.key(seed)
    ks = jax.random.split(key, 32)
    d = {}
    d["x"] = jax.random.normal(ks[0], (10000, 256), dtype=jnp.float32)
    d["adj"] = jax.random.randint(ks[1], (2, 160000), 0, 10000, dtype=jnp.int32)
    d["batch"] = jnp.sort(jax.random.randint(ks[2], (10000,), 0, 64, dtype=jnp.int32))
    i = 3
    for l in (1, 2, 3):
        d[f"W{l}a"] = jax.random.normal(ks[i], (256, 256), dtype=jnp.float32) * 0.05; i += 1
        d[f"b{l}a"] = jnp.zeros((256,), dtype=jnp.float32)
        d[f"g{l}"] = jnp.ones((256,), dtype=jnp.float32)
        d[f"be{l}"] = jnp.zeros((256,), dtype=jnp.float32)
        d[f"W{l}b"] = jax.random.normal(ks[i], (256, 256), dtype=jnp.float32) * 0.05; i += 1
        d[f"b{l}b"] = jnp.zeros((256,), dtype=jnp.float32)
    d["Wl"] = jax.random.normal(ks[i], (256, 256), dtype=jnp.float32) * 0.05
    d["bl"] = jnp.zeros((256,), dtype=jnp.float32)
    return d


def _gin_conv(x, src, dst, Wa, ba, g, be, Wb, bb):
    # GINConv with eps=0: MLP((1+eps)*x + sum_{j in N(i)} x_j)
    agg = jnp.zeros_like(x).at[dst].add(x[src])
    h = x + agg
    h = h @ Wa + ba
    # BatchNorm1d in training mode (batch statistics, biased variance)
    mu = h.mean(axis=0)
    var = h.var(axis=0)
    h = (h - mu) / jnp.sqrt(var + 1e-5) * g + be
    h = jax.nn.relu(h)
    h = h @ Wb + bb
    return jax.nn.relu(h)


def reference(x, adj, batch, W1a, b1a, g1, be1, W1b, b1b, W2a, b2a, g2, be2, W2b, b2b, W3a, b3a, g3, be3, W3b, b3b, Wl, bl):
    src = adj[0]
    dst = adj[1]
    h = jax.nn.relu(_gin_conv(x, src, dst, W1a, b1a, g1, be1, W1b, b1b))
    h = jax.nn.relu(_gin_conv(h, src, dst, W2a, b2a, g2, be2, W2b, b2b))
    h = _gin_conv(h, src, dst, W3a, b3a, g3, be3, W3b, b3b)
    # global_mean_pool over 64 graphs
    ones = jnp.ones((h.shape[0],), dtype=h.dtype)
    cnt = jax.ops.segment_sum(ones, batch, num_segments=64)
    summ = jax.ops.segment_sum(h, batch, num_segments=64)
    pooled = summ / jnp.maximum(cnt, 1.0)[:, None]
    return pooled @ Wl + bl

if __name__ == "__main__":
    import jax
    _d = setup_inputs()
    print(jax.jit(kernel)(*tuple(_d.values())))

</pallas_src>

<mosaic_0001>
#map = affine_map<(d0, d1) -> (0, 0)>
module attributes {stable_mosaic.version = 14 : i64} {
  func.func @_sc_agg_body(%arg0: i32, %arg1: i32, %arg2: memref<20000x128xf32, #tpu.memory_space<hbm>>, %arg3: memref<5120x64xi32, #tpu.memory_space<hbm>>, %arg4: memref<2560x64xi32, #tpu.memory_space<hbm>>, %arg5: memref<20000x128xf32, #tpu.memory_space<hbm>>, %arg6: memref<10008x128xf32, #tpu.memory_space<vmem_shared>>, %arg7: memref<40x64xi32, #tpu.memory_space<vmem>>, %arg8: memref<40x64xi32, #tpu.memory_space<vmem>>, %arg9: memref<4x64x128xf32, #tpu.memory_space<vmem>>, %arg10: memref<4x!tpu.dma_semaphore, #tpu.memory_space<semaphore_mem>>) attributes {dimension_semantics = [#tpu.dimension_semantics<core_parallel>, #tpu.dimension_semantics<subcore_parallel>], iteration_bounds = array<i64: 2, 16>, scalar_prefetch = 0 : i64, scratch_operands = 5 : i64, tpu.core_type = #tpu.core_type<sc_vector_subcore>, window_params = [{transform_indices = #map}, {transform_indices = #map}, {transform_indices = #map}, {transform_indices = #map}]} {
    %mul3A = arith.constant 2560 : i32
    %mul3A_0 = arith.muli %arg0, %mul3A : i32
    %mul3A_1 = arith.constant 160 : i32
    %mul3A_2 = arith.muli %arg1, %mul3A_1 : i32
    %add3A = arith.addi %mul3A_0, %mul3A_2 : i32
    "tpu.region"() ({
      %run_scoped3A = tpu.sem_alloc : memref<!tpu.dma_semaphore, #tpu.memory_space<semaphore_mem>>
      %dma_start3A_254 = arith.constant 0 : i32
      %dma_start3A_255 = tpu.memref_slice %arg3[%add3A, %dma_start3A_254] : memref<5120x64xi32, #tpu.memory_space<hbm>> -> memref<40x64xi32, #tpu.memory_space<hbm>>
      %dma_start3A_256 = arith.constant 0 : i32
      %dma_start3A_257 = tpu.memref_slice %arg3[%add3A, %dma_start3A_256] : memref<5120x64xi32, #tpu.memory_space<hbm>> -> memref<40x64xi32, #tpu.memory_space<hbm>>
      tpu.enqueue_dma source(%dma_start3A_257 : memref<40x64xi32, #tpu.memory_space<hbm>>) target(%arg7 : memref<40x64xi32, #tpu.memory_space<vmem>>) target_semaphore(%run_scoped3A : memref<!tpu.dma_semaphore, #tpu.memory_space<semaphore_mem>>)
      %dma_wait3A = arith.constant 0 : i32
      %dma_wait3A_258 = tpu.memref_slice %arg3[%add3A, %dma_wait3A] : memref<5120x64xi32, #tpu.memory_space<hbm>> -> memref<40x64xi32, #tpu.memory_space<hbm>>
      %dma_wait3A_259 = arith.constant 0 : i32
      %dma_wait3A_260 = tpu.memref_slice %arg3[%add3A, %dma_wait3A_259] : memref<5120x64xi32, #tpu.memory_space<hbm>> -> memref<40x64xi32, #tpu.memory_space<hbm>>
      tpu.wait_dma2 semaphore(%run_scoped3A : memref<!tpu.dma_semaphore, #tpu.memory_space<semaphore_mem>>) src(%dma_wait3A_260 : memref<40x64xi32, #tpu.memory_space<hbm>>) dst(%arg7 : memref<40x64xi32, #tpu.memory_space<vmem>>)
      tpu.yield
    }) : () -> ()
    %mul3A_3 = arith.constant 160 : i32
    %mul3A_4 = arith.muli %arg1, %mul3A_3 : i32
    "tpu.region"() ({
      %run_scoped3A = tpu.sem_alloc : memref<!tpu.dma_semaphore, #tpu.memory_space<semaphore_mem>>
      %dma_start3A_254 = arith.constant 0 : i32
      %dma_start3A_255 = tpu.memref_slice %arg4[%mul3A_4, %dma_start3A_254] : memref<2560x64xi32, #tpu.memory_space<hbm>> -> memref<40x64xi32, #tpu.memory_space<hbm>>
      %dma_start3A_256 = arith.constant 0 : i32
      %dma_start3A_257 = tpu.memref_slice %arg4[%mul3A_4, %dma_start3A_256] : memref<2560x64xi32, #tpu.memory_space<hbm>> -> memref<40x64xi32, #tpu.memory_space<hbm>>
      tpu.enqueue_dma source(%dma_start3A_257 : memref<40x64xi32, #tpu.memory_space<hbm>>) target(%arg8 : memref<40x64xi32, #tpu.memory_space<vmem>>) target_semaphore(%run_scoped3A : memref<!tpu.dma_semaphore, #tpu.memory_space<semaphore_mem>>)
      %dma_wait3A = arith.constant 0 : i32
      %dma_wait3A_258 = tpu.memref_slice %arg4[%mul3A_4, %dma_wait3A] : memref<2560x64xi32, #tpu.memory_space<hbm>> -> memref<40x64xi32, #tpu.memory_space<hbm>>
      %dma_wait3A_259 = arith.constant 0 : i32
      %dma_wait3A_260 = tpu.memref_slice %arg4[%mul3A_4, %dma_wait3A_259] : memref<2560x64xi32, #tpu.memory_space<hbm>> -> memref<40x64xi32, #tpu.memory_space<hbm>>
      tpu.wait_dma2 semaphore(%run_scoped3A : memref<!tpu.dma_semaphore, #tpu.memory_space<semaphore_mem>>) src(%dma_wait3A_260 : memref<40x64xi32, #tpu.memory_space<hbm>>) dst(%arg8 : memref<40x64xi32, #tpu.memory_space<vmem>>)
      tpu.yield
    }) : () -> ()
    %dma_start3A = arith.constant 0 : i32
    %dma_start3A_5 = arith.constant 0 : i32
    %dma_start3A_6 = arith.constant 0 : i32
    %dma_start3A_7 = arith.constant 0 : i32
    %dma_start3A_8 = arith.constant 0 : i32
    %dma_start3A_9 = tpu.memref_slice %arg9[%dma_start3A_5, %dma_start3A_7, %dma_start3A_8] : memref<4x64x128xf32, #tpu.memory_space<vmem>> -> memref<1x64x128xf32, #tpu.memory_space<vmem>>
    %dma_start3A_10 = tpu.memref_squeeze %dma_start3A_9 : memref<1x64x128xf32, #tpu.memory_space<vmem>> -> memref<64x128xf32, #tpu.memory_space<vmem>>
    %dma_start3A_11 = arith.constant 0 : i32
    %dma_start3A_12 = tpu.memref_slice %arg7[%dma_start3A, %dma_start3A_11] : memref<40x64xi32, #tpu.memory_space<vmem>> -> memref<1x64xi32, #tpu.memory_space<vmem>>
    %dma_start3A_13 = tpu.memref_squeeze %dma_start3A_12 : memref<1x64xi32, #tpu.memory_space<vmem>> -> memref<64xi32, #tpu.memory_space<vmem>>
    %dma_start3A_14 = arith.constant 0 : i32
    %dma_start3A_15 = arith.constant 0 : i32
    %dma_start3A_16 = tpu.memref_slice %arg2[%dma_start3A_14, %dma_start3A_15] : memref<20000x128xf32, #tpu.memory_space<hbm>> -> memref<20000x128xf32, #tpu.memory_space<hbm>>
    %dma_start3A_17 = tpu.memref_slice %arg10[%dma_start3A_6] : memref<4x!tpu.dma_semaphore, #tpu.memory_space<semaphore_mem>> -> memref<1x!tpu.dma_semaphore, #tpu.memory_space<semaphore_mem>>
    %dma_start3A_18 = tpu.memref_squeeze %dma_start3A_17 : memref<1x!tpu.dma_semaphore, #tpu.memory_space<semaphore_mem>> -> memref<!tpu.dma_semaphore, #tpu.memory_space<semaphore_mem>>
    tpu.enqueue_indirect_dma source(%dma_start3A_16 : memref<20000x128xf32, #tpu.memory_space<hbm>>) target(%dma_start3A_10 : memref<64x128xf32, #tpu.memory_space<vmem>>) offsets(%dma_start3A_13 : memref<64xi32, #tpu.memory_space<vmem>>) semaphore(%dma_start3A_18 : memref<!tpu.dma_semaphore, #tpu.memory_space<semaphore_mem>>)
    %dma_start3A_19 = arith.constant 1 : i32
    %dma_start3A_20 = arith.constant 1 : i32
    %dma_start3A_21 = arith.constant 1 : i32
    %dma_start3A_22 = arith.constant 0 : i32
    %dma_start3A_23 = arith.constant 0 : i32
    %dma_start3A_24 = tpu.memref_slice %arg9[%dma_start3A_20, %dma_start3A_22, %dma_start3A_23] : memref<4x64x128xf32, #tpu.memory_space<vmem>> -> memref<1x64x128xf32, #tpu.memory_space<vmem>>
    %dma_start3A_25 = tpu.memref_squeeze %dma_start3A_24 : memref<1x64x128xf32, #tpu.memory_space<vmem>> -> memref<64x128xf32, #tpu.memory_space<vmem>>
    %dma_start3A_26 = arith.constant 0 : i32
    %dma_start3A_27 = tpu.memref_slice %arg7[%dma_start3A_19, %dma_start3A_26] : memref<40x64xi32, #tpu.memory_space<vmem>> -> memref<1x64xi32, #tpu.memory_space<vmem>>
    %dma_start3A_28 = tpu.memref_squeeze %dma_start3A_27 : memref<1x64xi32, #tpu.memory_space<vmem>> -> memref<64xi32, #tpu.memory_space<vmem>>
    %dma_start3A_29 = arith.constant 0 : i32
    %dma_start3A_30 = arith.constant 0 : i32
    %dma_start3A_31 = tpu.memref_slice %arg2[%dma_start3A_29, %dma_start3A_30] : memref<20000x128xf32, #tpu.memory_space<hbm>> -> memref<20000x128xf32, #tpu.memory_space<hbm>>
    %dma_start3A_32 = tpu.memref_slice %arg10[%dma_start3A_21] : memref<4x!tpu.dma_semaphore, #tpu.memory_space<semaphore_mem>> -> memref<1x!tpu.dma_semaphore, #tpu.memory_space<semaphore_mem>>
    %dma_start3A_33 = tpu.memref_squeeze %dma_start3A_32 : memref<1x!tpu.dma_semaphore, #tpu.memory_space<semaphore_mem>> -> memref<!tpu.dma_semaphore, #tpu.memory_space<semaphore_mem>>
    tpu.enqueue_indirect_dma source(%dma_start3A_31 : memref<20000x128xf32, #tpu.memory_space<hbm>>) target(%dma_start3A_25 : memref<64x128xf32, #tpu.memory_space<vmem>>) offsets(%dma_start3A_28 : memref<64xi32, #tpu.memory_space<vmem>>) semaphore(%dma_start3A_33 : memref<!tpu.dma_semaphore, #tpu.memory_space<semaphore_mem>>)
    %dma_start3A_34 = arith.constant 2 : i32
    %dma_start3A_35 = arith.constant 2 : i32
    %dma_start3A_36 = arith.constant 2 : i32
    %dma_start3A_37 = arith.constant 0 : i32
    %dma_start3A_38 = arith.constant 0 : i32
    %dma_start3A_39 = tpu.memref_slice %arg9[%dma_start3A_35, %dma_start3A_37, %dma_start3A_38] : memref<4x64x128xf32, #tpu.memory_space<vmem>> -> memref<1x64x128xf32, #tpu.memory_space<vmem>>
    %dma_start3A_40 = tpu.memref_squeeze %dma_start3A_39 : memref<1x64x128xf32, #tpu.memory_space<vmem>> -> memref<64x128xf32, #tpu.memory_space<vmem>>
    %dma_start3A_41 = arith.constant 0 : i32
    %dma_start3A_42 = tpu.memref_slice %arg7[%dma_start3A_34, %dma_start3A_41] : memref<40x64xi32, #tpu.memory_space<vmem>> -> memref<1x64xi32, #tpu.memory_space<vmem>>
    %dma_start3A_43 = tpu.memref_squeeze %dma_start3A_42 : memref<1x64xi32, #tpu.memory_space<vmem>> -> memref<64xi32, #tpu.memory_space<vmem>>
    %dma_start3A_44 = arith.constant 0 : i32
    %dma_start3A_45 = arith.constant 0 : i32
    %dma_start3A_46 = tpu.memref_slice %arg2[%dma_start3A_44, %dma_start3A_45] : memref<20000x128xf32, #tpu.memory_space<hbm>> -> memref<20000x128xf32, #tpu.memory_space<hbm>>
    %dma_start3A_47 = tpu.memref_slice %arg10[%dma_start3A_36] : memref<4x!tpu.dma_semaphore, #tpu.memory_space<semaphore_mem>> -> memref<1x!tpu.dma_semaphore, #tpu.memory_space<semaphore_mem>>
    %dma_start3A_48 = tpu.memref_squeeze %dma_start3A_47 : memref<1x!tpu.dma_semaphore, #tpu.memory_space<semaphore_mem>> -> memref<!tpu.dma_semaphore, #tpu.memory_space<semaphore_mem>>
    tpu.enqueue_indirect_dma source(%dma_start3A_46 : memref<20000x128xf32, #tpu.memory_space<hbm>>) target(%dma_start3A_40 : memref<64x128xf32, #tpu.memory_space<vmem>>) offsets(%dma_start3A_43 : memref<64xi32, #tpu.memory_space<vmem>>) semaphore(%dma_start3A_48 : memref<!tpu.dma_semaphore, #tpu.memory_space<semaphore_mem>>)
    %mul3A_49 = arith.constant 624 : i32
    %mul3A_50 = arith.muli %arg1, %mul3A_49 : i32
    %mul3A_51 = arith.constant 10000 : i32
    %mul3A_52 = arith.muli %arg0, %mul3A_51 : i32
    %add3A_53 = arith.addi %mul3A_52, %mul3A_50 : i32
    "tpu.region"() ({
      %run_scoped3A = tpu.sem_alloc : memref<!tpu.dma_semaphore, #tpu.memory_space<semaphore_mem>>
      %dma_start3A_254 = arith.constant 0 : i32
      %dma_start3A_255 = tpu.memref_slice %arg6[%mul3A_50, %dma_start3A_254] : memref<10008x128xf32, #tpu.memory_space<vmem_shared>> -> memref<624x128xf32, #tpu.memory_space<vmem_shared>>
      %dma_start3A_256 = arith.constant 0 : i32
      %dma_start3A_257 = tpu.memref_slice %arg2[%add3A_53, %dma_start3A_256] : memref<20000x128xf32, #tpu.memory_space<hbm>> -> memref<624x128xf32, #tpu.memory_space<hbm>>
      tpu.enqueue_dma source(%dma_start3A_257 : memref<624x128xf32, #tpu.memory_space<hbm>>) target(%dma_start3A_255 : memref<624x128xf32, #tpu.memory_space<vmem_shared>>) target_semaphore(%run_scoped3A : memref<!tpu.dma_semaphore, #tpu.memory_space<semaphore_mem>>)
      %dma_wait3A = arith.constant 0 : i32
      %dma_wait3A_258 = tpu.memref_slice %arg6[%mul3A_50, %dma_wait3A] : memref<10008x128xf32, #tpu.memory_space<vmem_shared>> -> memref<624x128xf32, #tpu.memory_space<vmem_shared>>
      %dma_wait3A_259 = arith.constant 0 : i32
      %dma_wait3A_260 = tpu.memref_slice %arg2[%add3A_53, %dma_wait3A_259] : memref<20000x128xf32, #tpu.memory_space<hbm>> -> memref<624x128xf32, #tpu.memory_space<hbm>>
      tpu.wait_dma2 semaphore(%run_scoped3A : memref<!tpu.dma_semaphore, #tpu.memory_space<semaphore_mem>>) src(%dma_wait3A_260 : memref<624x128xf32, #tpu.memory_space<hbm>>) dst(%dma_wait3A_258 : memref<624x128xf32, #tpu.memory_space<vmem_shared>>)
      tpu.yield
    }) : () -> ()
    %eq3A = arith.constant 15 : i32
    %eq3A_54 = arith.cmpi eq, %arg1, %eq3A : i32
    %convert_element_type3A = arith.extui %eq3A_54 : i1 to i32
    %cond3A = arith.constant 0 : i32
    %cond3A_55 = arith.cmpi ne, %convert_element_type3A, %cond3A : i32
    scf.if %cond3A_55 {
      %mul3A_254 = arith.constant 10000 : i32
      %mul3A_255 = arith.muli %arg0, %mul3A_254 : i32
      %add3A_256 = arith.constant 9984 : i32
      %add3A_257 = arith.addi %mul3A_255, %add3A_256 : i32
      "tpu.region"() ({
        %run_scoped3A = tpu.sem_alloc : memref<!tpu.dma_semaphore, #tpu.memory_space<semaphore_mem>>
        %dma_start3A_258 = arith.constant 9984 : i32
        %dma_start3A_259 = arith.constant 0 : i32
        %dma_start3A_260 = tpu.memref_slice %arg6[%dma_start3A_258, %dma_start3A_259] : memref<10008x128xf32, #tpu.memory_space<vmem_shared>> -> memref<16x128xf32, #tpu.memory_space<vmem_shared>>
        %dma_start3A_261 = arith.constant 0 : i32
        %dma_start3A_262 = tpu.memref_slice %arg2[%add3A_257, %dma_start3A_261] : memref<20000x128xf32, #tpu.memory_space<hbm>> -> memref<16x128xf32, #tpu.memory_space<hbm>>
        tpu.enqueue_dma source(%dma_start3A_262 : memref<16x128xf32, #tpu.memory_space<hbm>>) target(%dma_start3A_260 : memref<16x128xf32, #tpu.memory_space<vmem_shared>>) target_semaphore(%run_scoped3A : memref<!tpu.dma_semaphore, #tpu.memory_space<semaphore_mem>>)
        %dma_wait3A = arith.constant 9984 : i32
        %dma_wait3A_263 = arith.constant 0 : i32
        %dma_wait3A_264 = tpu.memref_slice %arg6[%dma_wait3A, %dma_wait3A_263] : memref<10008x128xf32, #tpu.memory_space<vmem_shared>> -> memref<16x128xf32, #tpu.memory_space<vmem_shared>>
        %dma_wait3A_265 = arith.constant 0 : i32
        %dma_wait3A_266 = tpu.memref_slice %arg2[%add3A_257, %dma_wait3A_265] : memref<20000x128xf32, #tpu.memory_space<hbm>> -> memref<16x128xf32, #tpu.memory_space<hbm>>
        tpu.wait_dma2 semaphore(%run_scoped3A : memref<!tpu.dma_semaphore, #tpu.memory_space<semaphore_mem>>) src(%dma_wait3A_266 : memref<16x128xf32, #tpu.memory_space<hbm>>) dst(%dma_wait3A_264 : memref<16x128xf32, #tpu.memory_space<vmem_shared>>)
        tpu.yield
      }) : () -> ()
    } else {
    }
    %barrier3A = arith.constant 0 : index
    tpu.barrier barrier_id(%barrier3A)
    %scan3A = arith.constant 0 : i32
    %scan3A_56 = arith.constant 10 : i32
    %scan3A_57 = arith.addi %scan3A, %scan3A_56 : i32
    %scan3A_58 = arith.constant 1 : i32
    scf.for %scan3A_254 = %scan3A to %scan3A_57 step %scan3A_58  : i32 {
      %mul3A_255 = arith.constant 4 : i32
      %mul3A_256 = arith.muli %scan3A_254, %mul3A_255 : i32
      %add3A_257 = arith.constant 0 : i32
      %add3A_258 = arith.addi %add3A_257, %mul3A_256 : i32
      %add3A_259 = arith.constant 0 : i32
      %add3A_260 = arith.addi %add3A_258, %add3A_259 : i32
      %dma_wait3A = arith.constant 0 : i32
      %dma_wait3A_261 = arith.constant 0 : i32
      %dma_wait3A_262 = arith.constant 0 : i32
      %dma_wait3A_263 = arith.constant 0 : i32
      %dma_wait3A_264 = tpu.memref_slice %arg9[%dma_wait3A, %dma_wait3A_262, %dma_wait3A_263] : memref<4x64x128xf32, #tpu.memory_space<vmem>> -> memref<1x64x128xf32, #tpu.memory_space<vmem>>
      %dma_wait3A_265 = tpu.memref_squeeze %dma_wait3A_264 : memref<1x64x128xf32, #tpu.memory_space<vmem>> -> memref<64x128xf32, #tpu.memory_space<vmem>>
      %dma_wait3A_266 = arith.constant 0 : i32
      %dma_wait3A_267 = tpu.memref_slice %arg7[%add3A_260, %dma_wait3A_266] : memref<40x64xi32, #tpu.memory_space<vmem>> -> memref<1x64xi32, #tpu.memory_space<vmem>>
      %dma_wait3A_268 = tpu.memref_squeeze %dma_wait3A_267 : memref<1x64xi32, #tpu.memory_space<vmem>> -> memref<64xi32, #tpu.memory_space<vmem>>
      %dma_wait3A_269 = arith.constant 0 : i32
      %dma_wait3A_270 = arith.constant 0 : i32
      %dma_wait3A_271 = tpu.memref_slice %arg2[%dma_wait3A_269, %dma_wait3A_270] : memref<20000x128xf32, #tpu.memory_space<hbm>> -> memref<20000x128xf32, #tpu.memory_space<hbm>>
      %dma_wait3A_272 = tpu.memref_slice %arg10[%dma_wait3A_261] : memref<4x!tpu.dma_semaphore, #tpu.memory_space<semaphore_mem>> -> memref<1x!tpu.dma_semaphore, #tpu.memory_space<semaphore_mem>>
      %dma_wait3A_273 = tpu.memref_squeeze %dma_wait3A_272 : memref<1x!tpu.dma_semaphore, #tpu.memory_space<semaphore_mem>> -> memref<!tpu.dma_semaphore, #tpu.memory_space<semaphore_mem>>
      tpu.wait_indirect_dma semaphore(%dma_wait3A_273 : memref<!tpu.dma_semaphore, #tpu.memory_space<semaphore_mem>>) src(%dma_wait3A_271 : memref<20000x128xf32, #tpu.memory_space<hbm>>) dst(%dma_wait3A_265 : memref<64x128xf32, #tpu.memory_space<vmem>>)
      %add3A_274 = arith.constant 4 : i32
      %add3A_275 = arith.addi %add3A_260, %add3A_274 : i32
      %sub3A = arith.constant 1 : i32
      %sub3A_276 = arith.subi %add3A_275, %sub3A : i32
      %lt3A = arith.constant 40 : i32
      %lt3A_277 = arith.cmpi slt, %sub3A_276, %lt3A : i32
      %convert_element_type3A_278 = arith.extui %lt3A_277 : i1 to i32
      %cond3A_279 = arith.constant 0 : i32
      %cond3A_280 = arith.cmpi ne, %convert_element_type3A_278, %cond3A_279 : i32
      scf.if %cond3A_280 {
        %add3A_359 = arith.constant 4 : i32
        %add3A_360 = arith.addi %add3A_260, %add3A_359 : i32
        %sub3A_361 = arith.constant 1 : i32
        %sub3A_362 = arith.subi %add3A_360, %sub3A_361 : i32
        %dma_start3A_363 = arith.constant 3 : i32
        %dma_start3A_364 = arith.constant 3 : i32
        %dma_start3A_365 = arith.constant 0 : i32
        %dma_start3A_366 = arith.constant 0 : i32
        %dma_start3A_367 = tpu.memref_slice %arg9[%dma_start3A_363, %dma_start3A_365, %dma_start3A_366] : memref<4x64x128xf32, #tpu.memory_space<vmem>> -> memref<1x64x128xf32, #tpu.memory_space<vmem>>
        %dma_start3A_368 = tpu.memref_squeeze %dma_start3A_367 : memref<1x64x128xf32, #tpu.memory_space<vmem>> -> memref<64x128xf32, #tpu.memory_space<vmem>>
        %dma_start3A_369 = arith.constant 0 : i32
        %dma_start3A_370 = tpu.memref_slice %arg7[%sub3A_362, %dma_start3A_369] : memref<40x64xi32, #tpu.memory_space<vmem>> -> memref<1x64xi32, #tpu.memory_space<vmem>>
        %dma_start3A_371 = tpu.memref_squeeze %dma_start3A_370 : memref<1x64xi32, #tpu.memory_space<vmem>> -> memref<64xi32, #tpu.memory_space<vmem>>
        %dma_start3A_372 = arith.constant 0 : i32
        %dma_start3A_373 = arith.constant 0 : i32
        %dma_start3A_374 = tpu.memref_slice %arg2[%dma_start3A_372, %dma_start3A_373] : memref<20000x128xf32, #tpu.memory_space<hbm>> -> memref<20000x128xf32, #tpu.memory_space<hbm>>
        %dma_start3A_375 = tpu.memref_slice %arg10[%dma_start3A_364] : memref<4x!tpu.dma_semaphore, #tpu.memory_space<semaphore_mem>> -> memref<1x!tpu.dma_semaphore, #tpu.memory_space<semaphore_mem>>
        %dma_start3A_376 = tpu.memref_squeeze %dma_start3A_375 : memref<1x!tpu.dma_semaphore, #tpu.memory_space<semaphore_mem>> -> memref<!tpu.dma_semaphore, #tpu.memory_space<semaphore_mem>>
        tpu.enqueue_indirect_dma source(%dma_start3A_374 : memref<20000x128xf32, #tpu.memory_space<hbm>>) target(%dma_start3A_368 : memref<64x128xf32, #tpu.memory_space<vmem>>) offsets(%dma_start3A_371 : memref<64xi32, #tpu.memory_space<vmem>>) semaphore(%dma_start3A_376 : memref<!tpu.dma_semaphore, #tpu.memory_space<semaphore_mem>>)
      } else {
      }
      %run_scoped3A = arith.constant 0 : i32
      "tpu.region"() ({
        %run_scoped3A_359 = tpu.sem_alloc : memref<!tpu.dma_semaphore, #tpu.memory_space<semaphore_mem>>
        %dma_start3A_360 = arith.constant 0 : i32
        %dma_start3A_361 = arith.constant 0 : i32
        %dma_start3A_362 = tpu.memref_slice %arg9[%run_scoped3A, %dma_start3A_360, %dma_start3A_361] : memref<4x64x128xf32, #tpu.memory_space<vmem>> -> memref<1x64x128xf32, #tpu.memory_space<vmem>>
        %dma_start3A_363 = tpu.memref_squeeze %dma_start3A_362 : memref<1x64x128xf32, #tpu.memory_space<vmem>> -> memref<64x128xf32, #tpu.memory_space<vmem>>
        %dma_start3A_364 = arith.constant 0 : i32
        %dma_start3A_365 = tpu.memref_slice %arg8[%add3A_260, %dma_start3A_364] : memref<40x64xi32, #tpu.memory_space<vmem>> -> memref<1x64xi32, #tpu.memory_space<vmem>>
        %dma_start3A_366 = tpu.memref_squeeze %dma_start3A_365 : memref<1x64xi32, #tpu.memory_space<vmem>> -> memref<64xi32, #tpu.memory_space<vmem>>
        %dma_start3A_367 = arith.constant 0 : i32
        %dma_start3A_368 = arith.constant 0 : i32
        %dma_start3A_369 = tpu.memref_slice %arg6[%dma_start3A_367, %dma_start3A_368] : memref<10008x128xf32, #tpu.memory_space<vmem_shared>> -> memref<10008x128xf32, #tpu.memory_space<vmem_shared>>
        tpu.enqueue_indirect_dma source(%dma_start3A_363 : memref<64x128xf32, #tpu.memory_space<vmem>>) target(%dma_start3A_369 : memref<10008x128xf32, #tpu.memory_space<vmem_shared>>) offsets(%dma_start3A_366 : memref<64xi32, #tpu.memory_space<vmem>>) semaphore(%run_scoped3A_359 : memref<!tpu.dma_semaphore, #tpu.memory_space<semaphore_mem>>) {add = true}
        %dma_wait3A_370 = arith.constant 0 : i32
        %dma_wait3A_371 = arith.constant 0 : i32
        %dma_wait3A_372 = tpu.memref_slice %arg9[%run_scoped3A, %dma_wait3A_370, %dma_wait3A_371] : memref<4x64x128xf32, #tpu.memory_space<vmem>> -> memref<1x64x128xf32, #tpu.memory_space<vmem>>
        %dma_wait3A_373 = tpu.memref_squeeze %dma_wait3A_372 : memref<1x64x128xf32, #tpu.memory_space<vmem>> -> memref<64x128xf32, #tpu.memory_space<vmem>>
        %dma_wait3A_374 = arith.constant 0 : i32
        %dma_wait3A_375 = tpu.memref_slice %arg8[%add3A_260, %dma_wait3A_374] : memref<40x64xi32, #tpu.memory_space<vmem>> -> memref<1x64xi32, #tpu.memory_space<vmem>>
        %dma_wait3A_376 = tpu.memref_squeeze %dma_wait3A_375 : memref<1x64xi32, #tpu.memory_space<vmem>> -> memref<64xi32, #tpu.memory_space<vmem>>
        %dma_wait3A_377 = arith.constant 0 : i32
        %dma_wait3A_378 = arith.constant 0 : i32
        %dma_wait3A_379 = tpu.memref_slice %arg6[%dma_wait3A_377, %dma_wait3A_378] : memref<10008x128xf32, #tpu.memory_space<vmem_shared>> -> memref<10008x128xf32, #tpu.memory_space<vmem_shared>>
        tpu.wait_indirect_dma semaphore(%run_scoped3A_359 : memref<!tpu.dma_semaphore, #tpu.memory_space<semaphore_mem>>) src(%dma_wait3A_373 : memref<64x128xf32, #tpu.memory_space<vmem>>) dst(%dma_wait3A_379 : memref<10008x128xf32, #tpu.memory_space<vmem_shared>>)
        tpu.yield
      }) : () -> ()
      %add3A_281 = arith.constant 1 : i32
      %add3A_282 = arith.addi %add3A_258, %add3A_281 : i32
      %dma_wait3A_283 = arith.constant 1 : i32
      %dma_wait3A_284 = arith.constant 1 : i32
      %dma_wait3A_285 = arith.constant 0 : i32
      %dma_wait3A_286 = arith.constant 0 : i32
      %dma_wait3A_287 = tpu.memref_slice %arg9[%dma_wait3A_283, %dma_wait3A_285, %dma_wait3A_286] : memref<4x64x128xf32, #tpu.memory_space<vmem>> -> memref<1x64x128xf32, #tpu.memory_space<vmem>>
      %dma_wait3A_288 = tpu.memref_squeeze %dma_wait3A_287 : memref<1x64x128xf32, #tpu.memory_space<vmem>> -> memref<64x128xf32, #tpu.memory_space<vmem>>
      %dma_wait3A_289 = arith.constant 0 : i32
      %dma_wait3A_290 = tpu.memref_slice %arg7[%add3A_282, %dma_wait3A_289] : memref<40x64xi32, #tpu.memory_space<vmem>> -> memref<1x64xi32, #tpu.memory_space<vmem>>
      %dma_wait3A_291 = tpu.memref_squeeze %dma_wait3A_290 : memref<1x64xi32, #tpu.memory_space<vmem>> -> memref<64xi32, #tpu.memory_space<vmem>>
      %dma_wait3A_292 = arith.constant 0 : i32
      %dma_wait3A_293 = arith.constant 0 : i32
      %dma_wait3A_294 = tpu.memref_slice %arg2[%dma_wait3A_292, %dma_wait3A_293] : memref<20000x128xf32, #tpu.memory_space<hbm>> -> memref<20000x128xf32, #tpu.memory_space<hbm>>
      %dma_wait3A_295 = tpu.memref_slice %arg10[%dma_wait3A_284] : memref<4x!tpu.dma_semaphore, #tpu.memory_space<semaphore_mem>> -> memref<1x!tpu.dma_semaphore, #tpu.memory_space<semaphore_mem>>
      %dma_wait3A_296 = tpu.memref_squeeze %dma_wait3A_295 : memref<1x!tpu.dma_semaphore, #tpu.memory_space<semaphore_mem>> -> memref<!tpu.dma_semaphore, #tpu.memory_space<semaphore_mem>>
      tpu.wait_indirect_dma semaphore(%dma_wait3A_296 : memref<!tpu.dma_semaphore, #tpu.memory_space<semaphore_mem>>) src(%dma_wait3A_294 : memref<20000x128xf32, #tpu.memory_space<hbm>>) dst(%dma_wait3A_288 : memref<64x128xf32, #tpu.memory_space<vmem>>)
      %add3A_297 = arith.constant 4 : i32
      %add3A_298 = arith.addi %add3A_282, %add3A_297 : i32
      %sub3A_299 = arith.constant 1 : i32
      %sub3A_300 = arith.subi %add3A_298, %sub3A_299 : i32
      %lt3A_301 = arith.constant 40 : i32
      %lt3A_302 = arith.cmpi slt, %sub3A_300, %lt3A_301 : i32
      %convert_element_type3A_303 = arith.extui %lt3A_302 : i1 to i32
      %cond3A_304 = arith.constant 0 : i32
      %cond3A_305 = arith.cmpi ne, %convert_element_type3A_303, %cond3A_304 : i32
      scf.if %cond3A_305 {
        %add3A_359 = arith.constant 4 : i32
        %add3A_360 = arith.addi %add3A_282, %add3A_359 : i32
        %sub3A_361 = arith.constant 1 : i32
        %sub3A_362 = arith.subi %add3A_360, %sub3A_361 : i32
        %dma_start3A_363 = arith.constant 0 : i32
        %dma_start3A_364 = arith.constant 0 : i32
        %dma_start3A_365 = arith.constant 0 : i32
        %dma_start3A_366 = arith.constant 0 : i32
        %dma_start3A_367 = tpu.memref_slice %arg9[%dma_start3A_363, %dma_start3A_365, %dma_start3A_366] : memref<4x64x128xf32, #tpu.memory_space<vmem>> -> memref<1x64x128xf32, #tpu.memory_space<vmem>>
        %dma_start3A_368 = tpu.memref_squeeze %dma_start3A_367 : memref<1x64x128xf32, #tpu.memory_space<vmem>> -> memref<64x128xf32, #tpu.memory_space<vmem>>
        %dma_start3A_369 = arith.constant 0 : i32
        %dma_start3A_370 = tpu.memref_slice %arg7[%sub3A_362, %dma_start3A_369] : memref<40x64xi32, #tpu.memory_space<vmem>> -> memref<1x64xi32, #tpu.memory_space<vmem>>
        %dma_start3A_371 = tpu.memref_squeeze %dma_start3A_370 : memref<1x64xi32, #tpu.memory_space<vmem>> -> memref<64xi32, #tpu.memory_space<vmem>>
        %dma_start3A_372 = arith.constant 0 : i32
        %dma_start3A_373 = arith.constant 0 : i32
        %dma_start3A_374 = tpu.memref_slice %arg2[%dma_start3A_372, %dma_start3A_373] : memref<20000x128xf32, #tpu.memory_space<hbm>> -> memref<20000x128xf32, #tpu.memory_space<hbm>>
        %dma_start3A_375 = tpu.memref_slice %arg10[%dma_start3A_364] : memref<4x!tpu.dma_semaphore, #tpu.memory_space<semaphore_mem>> -> memref<1x!tpu.dma_semaphore, #tpu.memory_space<semaphore_mem>>
        %dma_start3A_376 = tpu.memref_squeeze %dma_start3A_375 : memref<1x!tpu.dma_semaphore, #tpu.memory_space<semaphore_mem>> -> memref<!tpu.dma_semaphore, #tpu.memory_space<semaphore_mem>>
        tpu.enqueue_indirect_dma source(%dma_start3A_374 : memref<20000x128xf32, #tpu.memory_space<hbm>>) target(%dma_start3A_368 : memref<64x128xf32, #tpu.memory_space<vmem>>) offsets(%dma_start3A_371 : memref<64xi32, #tpu.memory_space<vmem>>) semaphore(%dma_start3A_376 : memref<!tpu.dma_semaphore, #tpu.memory_space<semaphore_mem>>)
      } else {
      }
      %run_scoped3A_306 = arith.constant 1 : i32
      "tpu.region"() ({
        %run_scoped3A_359 = tpu.sem_alloc : memref<!tpu.dma_semaphore, #tpu.memory_space<semaphore_mem>>
        %dma_start3A_360 = arith.constant 0 : i32
        %dma_start3A_361 = arith.constant 0 : i32
        %dma_start3A_362 = tpu.memref_slice %arg9[%run_scoped3A_306, %dma_start3A_360, %dma_start3A_361] : memref<4x64x128xf32, #tpu.memory_space<vmem>> -> memref<1x64x128xf32, #tpu.memory_space<vmem>>
        %dma_start3A_363 = tpu.memref_squeeze %dma_start3A_362 : memref<1x64x128xf32, #tpu.memory_space<vmem>> -> memref<64x128xf32, #tpu.memory_space<vmem>>
        %dma_start3A_364 = arith.constant 0 : i32
        %dma_start3A_365 = tpu.memref_slice %arg8[%add3A_282, %dma_start3A_364] : memref<40x64xi32, #tpu.memory_space<vmem>> -> memref<1x64xi32, #tpu.memory_space<vmem>>
        %dma_start3A_366 = tpu.memref_squeeze %dma_start3A_365 : memref<1x64xi32, #tpu.memory_space<vmem>> -> memref<64xi32, #tpu.memory_space<vmem>>
        %dma_start3A_367 = arith.constant 0 : i32
        %dma_start3A_368 = arith.constant 0 : i32
        %dma_start3A_369 = tpu.memref_slice %arg6[%dma_start3A_367, %dma_start3A_368] : memref<10008x128xf32, #tpu.memory_space<vmem_shared>> -> memref<10008x128xf32, #tpu.memory_space<vmem_shared>>
        tpu.enqueue_indirect_dma source(%dma_start3A_363 : memref<64x128xf32, #tpu.memory_space<vmem>>) target(%dma_start3A_369 : memref<10008x128xf32, #tpu.memory_space<vmem_shared>>) offsets(%dma_start3A_366 : memref<64xi32, #tpu.memory_space<vmem>>) semaphore(%run_scoped3A_359 : memref<!tpu.dma_semaphore, #tpu.memory_space<semaphore_mem>>) {add = true}
        %dma_wait3A_370 = arith.constant 0 : i32
        %dma_wait3A_371 = arith.constant 0 : i32
        %dma_wait3A_372 = tpu.memref_slice %arg9[%run_scoped3A_306, %dma_wait3A_370, %dma_wait3A_371] : memref<4x64x128xf32, #tpu.memory_space<vmem>> -> memref<1x64x128xf32, #tpu.memory_space<vmem>>
        %dma_wait3A_373 = tpu.memref_squeeze %dma_wait3A_372 : memref<1x64x128xf32, #tpu.memory_space<vmem>> -> memref<64x128xf32, #tpu.memory_space<vmem>>
        %dma_wait3A_374 = arith.constant 0 : i32
        %dma_wait3A_375 = tpu.memref_slice %arg8[%add3A_282, %dma_wait3A_374] : memref<40x64xi32, #tpu.memory_space<vmem>> -> memref<1x64xi32, #tpu.memory_space<vmem>>
        %dma_wait3A_376 = tpu.memref_squeeze %dma_wait3A_375 : memref<1x64xi32, #tpu.memory_space<vmem>> -> memref<64xi32, #tpu.memory_space<vmem>>
        %dma_wait3A_377 = arith.constant 0 : i32
        %dma_wait3A_378 = arith.constant 0 : i32
        %dma_wait3A_379 = tpu.memref_slice %arg6[%dma_wait3A_377, %dma_wait3A_378] : memref<10008x128xf32, #tpu.memory_space<vmem_shared>> -> memref<10008x128xf32, #tpu.memory_space<vmem_shared>>
        tpu.wait_indirect_dma semaphore(%run_scoped3A_359 : memref<!tpu.dma_semaphore, #tpu.memory_space<semaphore_mem>>) src(%dma_wait3A_373 : memref<64x128xf32, #tpu.memory_space<vmem>>) dst(%dma_wait3A_379 : memref<10008x128xf32, #tpu.memory_space<vmem_shared>>)
        tpu.yield
      }) : () -> ()
      %add3A_307 = arith.constant 2 : i32
      %add3A_308 = arith.addi %add3A_258, %add3A_307 : i32
      %dma_wait3A_309 = arith.constant 2 : i32
      %dma_wait3A_310 = arith.constant 2 : i32
      %dma_wait3A_311 = arith.constant 0 : i32
      %dma_wait3A_312 = arith.constant 0 : i32
      %dma_wait3A_313 = tpu.memref_slice %arg9[%dma_wait3A_309, %dma_wait3A_311, %dma_wait3A_312] : memref<4x64x128xf32, #tpu.memory_space<vmem>> -> memref<1x64x128xf32, #tpu.memory_space<vmem>>
      %dma_wait3A_314 = tpu.memref_squeeze %dma_wait3A_313 : memref<1x64x128xf32, #tpu.memory_space<vmem>> -> memref<64x128xf32, #tpu.memory_space<vmem>>
      %dma_wait3A_315 = arith.constant 0 : i32
      %dma_wait3A_316 = tpu.memref_slice %arg7[%add3A_308, %dma_wait3A_315] : memref<40x64xi32, #tpu.memory_space<vmem>> -> memref<1x64xi32, #tpu.memory_space<vmem>>
      %dma_wait3A_317 = tpu.memref_squeeze %dma_wait3A_316 : memref<1x64xi32, #tpu.memory_space<vmem>> -> memref<64xi32, #tpu.memory_space<vmem>>
      %dma_wait3A_318 = arith.constant 0 : i32
      %dma_wait3A_319 = arith.constant 0 : i32
      %dma_wait3A_320 = tpu.memref_slice %arg2[%dma_wait3A_318, %dma_wait3A_319] : memref<20000x128xf32, #tpu.memory_space<hbm>> -> memref<20000x128xf32, #tpu.memory_space<hbm>>
      %dma_wait3A_321 = tpu.memref_slice %arg10[%dma_wait3A_310] : memref<4x!tpu.dma_semaphore, #tpu.memory_space<semaphore_mem>> -> memref<1x!tpu.dma_semaphore, #tpu.memory_space<semaphore_mem>>
      %dma_wait3A_322 = tpu.memref_squeeze %dma_wait3A_321 : memref<1x!tpu.dma_semaphore, #tpu.memory_space<semaphore_mem>> -> memref<!tpu.dma_semaphore, #tpu.memory_space<semaphore_mem>>
      tpu.wait_indirect_dma semaphore(%dma_wait3A_322 : memref<!tpu.dma_semaphore, #tpu.memory_space<semaphore_mem>>) src(%dma_wait3A_320 : memref<20000x128xf32, #tpu.memory_space<hbm>>) dst(%dma_wait3A_314 : memref<64x128xf32, #tpu.memory_space<vmem>>)
      %add3A_323 = arith.constant 4 : i32
      %add3A_324 = arith.addi %add3A_308, %add3A_323 : i32
      %sub3A_325 = arith.constant 1 : i32
      %sub3A_326 = arith.subi %add3A_324, %sub3A_325 : i32
      %lt3A_327 = arith.constant 40 : i32
      %lt3A_328 = arith.cmpi slt, %sub3A_326, %lt3A_327 : i32
      %convert_element_type3A_329 = arith.extui %lt3A_328 : i1 to i32
      %cond3A_330 = arith.constant 0 : i32
      %cond3A_331 = arith.cmpi ne, %convert_element_type3A_329, %cond3A_330 : i32
      scf.if %cond3A_331 {
        %add3A_359 = arith.constant 4 : i32
        %add3A_360 = arith.addi %add3A_308, %add3A_359 : i32
        %sub3A_361 = arith.constant 1 : i32
        %sub3A_362 = arith.subi %add3A_360, %sub3A_361 : i32
        %dma_start3A_363 = arith.constant 1 : i32
        %dma_start3A_364 = arith.constant 1 : i32
        %dma_start3A_365 = arith.constant 0 : i32
        %dma_start3A_366 = arith.constant 0 : i32
        %dma_start3A_367 = tpu.memref_slice %arg9[%dma_start3A_363, %dma_start3A_365, %dma_start3A_366] : memref<4x64x128xf32, #tpu.memory_space<vmem>> -> memref<1x64x128xf32, #tpu.memory_space<vmem>>
        %dma_start3A_368 = tpu.memref_squeeze %dma_start3A_367 : memref<1x64x128xf32, #tpu.memory_space<vmem>> -> memref<64x128xf32, #tpu.memory_space<vmem>>
        %dma_start3A_369 = arith.constant 0 : i32
        %dma_start3A_370 = tpu.memref_slice %arg7[%sub3A_362, %dma_start3A_369] : memref<40x64xi32, #tpu.memory_space<vmem>> -> memref<1x64xi32, #tpu.memory_space<vmem>>
        %dma_start3A_371 = tpu.memref_squeeze %dma_start3A_370 : memref<1x64xi32, #tpu.memory_space<vmem>> -> memref<64xi32, #tpu.memory_space<vmem>>
        %dma_start3A_372 = arith.constant 0 : i32
        %dma_start3A_373 = arith.constant 0 : i32
        %dma_start3A_374 = tpu.memref_slice %arg2[%dma_start3A_372, %dma_start3A_373] : memref<20000x128xf32, #tpu.memory_space<hbm>> -> memref<20000x128xf32, #tpu.memory_space<hbm>>
        %dma_start3A_375 = tpu.memref_slice %arg10[%dma_start3A_364] : memref<4x!tpu.dma_semaphore, #tpu.memory_space<semaphore_mem>> -> memref<1x!tpu.dma_semaphore, #tpu.memory_space<semaphore_mem>>
        %dma_start3A_376 = tpu.memref_squeeze %dma_start3A_375 : memref<1x!tpu.dma_semaphore, #tpu.memory_space<semaphore_mem>> -> memref<!tpu.dma_semaphore, #tpu.memory_space<semaphore_mem>>
        tpu.enqueue_indirect_dma source(%dma_start3A_374 : memref<20000x128xf32, #tpu.memory_space<hbm>>) target(%dma_start3A_368 : memref<64x128xf32, #tpu.memory_space<vmem>>) offsets(%dma_start3A_371 : memref<64xi32, #tpu.memory_space<vmem>>) semaphore(%dma_start3A_376 : memref<!tpu.dma_semaphore, #tpu.memory_space<semaphore_mem>>)
      } else {
      }
      %run_scoped3A_332 = arith.constant 2 : i32
      "tpu.region"() ({
        %run_scoped3A_359 = tpu.sem_alloc : memref<!tpu.dma_semaphore, #tpu.memory_space<semaphore_mem>>
        %dma_start3A_360 = arith.constant 0 : i32
        %dma_start3A_361 = arith.constant 0 : i32
        %dma_start3A_362 = tpu.memref_slice %arg9[%run_scoped3A_332, %dma_start3A_360, %dma_start3A_361] : memref<4x64x128xf32, #tpu.memory_space<vmem>> -> memref<1x64x128xf32, #tpu.memory_space<vmem>>
        %dma_start3A_363 = tpu.memref_squeeze %dma_start3A_362 : memref<1x64x128xf32, #tpu.memory_space<vmem>> -> memref<64x128xf32, #tpu.memory_space<vmem>>
        %dma_start3A_364 = arith.constant 0 : i32
        %dma_start3A_365 = tpu.memref_slice %arg8[%add3A_308, %dma_start3A_364] : memref<40x64xi32, #tpu.memory_space<vmem>> -> memref<1x64xi32, #tpu.memory_space<vmem>>
        %dma_start3A_366 = tpu.memref_squeeze %dma_start3A_365 : memref<1x64xi32, #tpu.memory_space<vmem>> -> memref<64xi32, #tpu.memory_space<vmem>>
        %dma_start3A_367 = arith.constant 0 : i32
        %dma_start3A_368 = arith.constant 0 : i32
        %dma_start3A_369 = tpu.memref_slice %arg6[%dma_start3A_367, %dma_start3A_368] : memref<10008x128xf32, #tpu.memory_space<vmem_shared>> -> memref<10008x128xf32, #tpu.memory_space<vmem_shared>>
        tpu.enqueue_indirect_dma source(%dma_start3A_363 : memref<64x128xf32, #tpu.memory_space<vmem>>) target(%dma_start3A_369 : memref<10008x128xf32, #tpu.memory_space<vmem_shared>>) offsets(%dma_start3A_366 : memref<64xi32, #tpu.memory_space<vmem>>) semaphore(%run_scoped3A_359 : memref<!tpu.dma_semaphore, #tpu.memory_space<semaphore_mem>>) {add = true}
        %dma_wait3A_370 = arith.constant 0 : i32
        %dma_wait3A_371 = arith.constant 0 : i32
        %dma_wait3A_372 = tpu.memref_slice %arg9[%run_scoped3A_332, %dma_wait3A_370, %dma_wait3A_371] : memref<4x64x128xf32, #tpu.memory_space<vmem>> -> memref<1x64x128xf32, #tpu.memory_space<vmem>>
        %dma_wait3A_373 = tpu.memref_squeeze %dma_wait3A_372 : memref<1x64x128xf32, #tpu.memory_space<vmem>> -> memref<64x128xf32, #tpu.memory_space<vmem>>
        %dma_wait3A_374 = arith.constant 0 : i32
        %dma_wait3A_375 = tpu.memref_slice %arg8[%add3A_308, %dma_wait3A_374] : memref<40x64xi32, #tpu.memory_space<vmem>> -> memref<1x64xi32, #tpu.memory_space<vmem>>
        %dma_wait3A_376 = tpu.memref_squeeze %dma_wait3A_375 : memref<1x64xi32, #tpu.memory_space<vmem>> -> memref<64xi32, #tpu.memory_space<vmem>>
        %dma_wait3A_377 = arith.constant 0 : i32
        %dma_wait3A_378 = arith.constant 0 : i32
        %dma_wait3A_379 = tpu.memref_slice %arg6[%dma_wait3A_377, %dma_wait3A_378] : memref<10008x128xf32, #tpu.memory_space<vmem_shared>> -> memref<10008x128xf32, #tpu.memory_space<vmem_shared>>
        tpu.wait_indirect_dma semaphore(%run_scoped3A_359 : memref<!tpu.dma_semaphore, #tpu.memory_space<semaphore_mem>>) src(%dma_wait3A_373 : memref<64x128xf32, #tpu.memory_space<vmem>>) dst(%dma_wait3A_379 : memref<10008x128xf32, #tpu.memory_space<vmem_shared>>)
        tpu.yield
      }) : () -> ()
      %add3A_333 = arith.constant 3 : i32
      %add3A_334 = arith.addi %add3A_258, %add3A_333 : i32
      %dma_wait3A_335 = arith.constant 3 : i32
      %dma_wait3A_336 = arith.constant 3 : i32
      %dma_wait3A_337 = arith.constant 0 : i32
      %dma_wait3A_338 = arith.constant 0 : i32
      %dma_wait3A_339 = tpu.memref_slice %arg9[%dma_wait3A_335, %dma_wait3A_337, %dma_wait3A_338] : memref<4x64x128xf32, #tpu.memory_space<vmem>> -> memref<1x64x128xf32, #tpu.memory_space<vmem>>
      %dma_wait3A_340 = tpu.memref_squeeze %dma_wait3A_339 : memref<1x64x128xf32, #tpu.memory_space<vmem>> -> memref<64x128xf32, #tpu.memory_space<vmem>>
      %dma_wait3A_341 = arith.constant 0 : i32
      %dma_wait3A_342 = tpu.memref_slice %arg7[%add3A_334, %dma_wait3A_341] : memref<40x64xi32, #tpu.memory_space<vmem>> -> memref<1x64xi32, #tpu.memory_space<vmem>>
      %dma_wait3A_343 = tpu.memref_squeeze %dma_wait3A_342 : memref<1x64xi32, #tpu.memory_space<vmem>> -> memref<64xi32, #tpu.memory_space<vmem>>
      %dma_wait3A_344 = arith.constant 0 : i32
      %dma_wait3A_345 = arith.constant 0 : i32
      %dma_wait3A_346 = tpu.memref_slice %arg2[%dma_wait3A_344, %dma_wait3A_345] : memref<20000x128xf32, #tpu.memory_space<hbm>> -> memref<20000x128xf32, #tpu.memory_space<hbm>>
      %dma_wait3A_347 = tpu.memref_slice %arg10[%dma_wait3A_336] : memref<4x!tpu.dma_semaphore, #tpu.memory_space<semaphore_mem>> -> memref<1x!tpu.dma_semaphore, #tpu.memory_space<semaphore_mem>>
      %dma_wait3A_348 = tpu.memref_squeeze %dma_wait3A_347 : memref<1x!tpu.dma_semaphore, #tpu.memory_space<semaphore_mem>> -> memref<!tpu.dma_semaphore, #tpu.memory_space<semaphore_mem>>
      tpu.wait_indirect_dma semaphore(%dma_wait3A_348 : memref<!tpu.dma_semaphore, #tpu.memory_space<semaphore_mem>>) src(%dma_wait3A_346 : memref<20000x128xf32, #tpu.memory_space<hbm>>) dst(%dma_wait3A_340 : memref<64x128xf32, #tpu.memory_space<vmem>>)
      %add3A_349 = arith.constant 4 : i32
      %add3A_350 = arith.addi %add3A_334, %add3A_349 : i32
      %sub3A_351 = arith.constant 1 : i32
      %sub3A_352 = arith.subi %add3A_350, %sub3A_351 : i32
      %lt3A_353 = arith.constant 40 : i32
      %lt3A_354 = arith.cmpi slt, %sub3A_352, %lt3A_353 : i32
      %convert_element_type3A_355 = arith.extui %lt3A_354 : i1 to i32
      %cond3A_356 = arith.constant 0 : i32
      %cond3A_357 = arith.cmpi ne, %convert_element_type3A_355, %cond3A_356 : i32
      scf.if %cond3A_357 {
        %add3A_359 = arith.constant 4 : i32
        %add3A_360 = arith.addi %add3A_334, %add3A_359 : i32
        %sub3A_361 = arith.constant 1 : i32
        %sub3A_362 = arith.subi %add3A_360, %sub3A_361 : i32
        %dma_start3A_363 = arith.constant 2 : i32
        %dma_start3A_364 = arith.constant 2 : i32
        %dma_start3A_365 = arith.constant 0 : i32
        %dma_start3A_366 = arith.constant 0 : i32
        %dma_start3A_367 = tpu.memref_slice %arg9[%dma_start3A_363, %dma_start3A_365, %dma_start3A_366] : memref<4x64x128xf32, #tpu.memory_space<vmem>> -> memref<1x64x128xf32, #tpu.memory_space<vmem>>
        %dma_start3A_368 = tpu.memref_squeeze %dma_start3A_367 : memref<1x64x128xf32, #tpu.memory_space<vmem>> -> memref<64x128xf32, #tpu.memory_space<vmem>>
        %dma_start3A_369 = arith.constant 0 : i32
        %dma_start3A_370 = tpu.memref_slice %arg7[%sub3A_362, %dma_start3A_369] : memref<40x64xi32, #tpu.memory_space<vmem>> -> memref<1x64xi32, #tpu.memory_space<vmem>>
        %dma_start3A_371 = tpu.memref_squeeze %dma_start3A_370 : memref<1x64xi32, #tpu.memory_space<vmem>> -> memref<64xi32, #tpu.memory_space<vmem>>
        %dma_start3A_372 = arith.constant 0 : i32
        %dma_start3A_373 = arith.constant 0 : i32
        %dma_start3A_374 = tpu.memref_slice %arg2[%dma_start3A_372, %dma_start3A_373] : memref<20000x128xf32, #tpu.memory_space<hbm>> -> memref<20000x128xf32, #tpu.memory_space<hbm>>
        %dma_start3A_375 = tpu.memref_slice %arg10[%dma_start3A_364] : memref<4x!tpu.dma_semaphore, #tpu.memory_space<semaphore_mem>> -> memref<1x!tpu.dma_semaphore, #tpu.memory_space<semaphore_mem>>
        %dma_start3A_376 = tpu.memref_squeeze %dma_start3A_375 : memref<1x!tpu.dma_semaphore, #tpu.memory_space<semaphore_mem>> -> memref<!tpu.dma_semaphore, #tpu.memory_space<semaphore_mem>>
        tpu.enqueue_indirect_dma source(%dma_start3A_374 : memref<20000x128xf32, #tpu.memory_space<hbm>>) target(%dma_start3A_368 : memref<64x128xf32, #tpu.memory_space<vmem>>) offsets(%dma_start3A_371 : memref<64xi32, #tpu.memory_space<vmem>>) semaphore(%dma_start3A_376 : memref<!tpu.dma_semaphore, #tpu.memory_space<semaphore_mem>>)
      } else {
      }
      %run_scoped3A_358 = arith.constant 3 : i32
      "tpu.region"() ({
        %run_scoped3A_359 = tpu.sem_alloc : memref<!tpu.dma_semaphore, #tpu.memory_space<semaphore_mem>>
        %dma_start3A_360 = arith.constant 0 : i32
        %dma_start3A_361 = arith.constant 0 : i32
        %dma_start3A_362 = tpu.memref_slice %arg9[%run_scoped3A_358, %dma_start3A_360, %dma_start3A_361] : memref<4x64x128xf32, #tpu.memory_space<vmem>> -> memref<1x64x128xf32, #tpu.memory_space<vmem>>
        %dma_start3A_363 = tpu.memref_squeeze %dma_start3A_362 : memref<1x64x128xf32, #tpu.memory_space<vmem>> -> memref<64x128xf32, #tpu.memory_space<vmem>>
        %dma_start3A_364 = arith.constant 0 : i32
        %dma_start3A_365 = tpu.memref_slice %arg8[%add3A_334, %dma_start3A_364] : memref<40x64xi32, #tpu.memory_space<vmem>> -> memref<1x64xi32, #tpu.memory_space<vmem>>
        %dma_start3A_366 = tpu.memref_squeeze %dma_start3A_365 : memref<1x64xi32, #tpu.memory_space<vmem>> -> memref<64xi32, #tpu.memory_space<vmem>>
        %dma_start3A_367 = arith.constant 0 : i32
        %dma_start3A_368 = arith.constant 0 : i32
        %dma_start3A_369 = tpu.memref_slice %arg6[%dma_start3A_367, %dma_start3A_368] : memref<10008x128xf32, #tpu.memory_space<vmem_shared>> -> memref<10008x128xf32, #tpu.memory_space<vmem_shared>>
        tpu.enqueue_indirect_dma source(%dma_start3A_363 : memref<64x128xf32, #tpu.memory_space<vmem>>) target(%dma_start3A_369 : memref<10008x128xf32, #tpu.memory_space<vmem_shared>>) offsets(%dma_start3A_366 : memref<64xi32, #tpu.memory_space<vmem>>) semaphore(%run_scoped3A_359 : memref<!tpu.dma_semaphore, #tpu.memory_space<semaphore_mem>>) {add = true}
        %dma_wait3A_370 = arith.constant 0 : i32
        %dma_wait3A_371 = arith.constant 0 : i32
        %dma_wait3A_372 = tpu.memref_slice %arg9[%run_scoped3A_358, %dma_wait3A_370, %dma_wait3A_371] : memref<4x64x128xf32, #tpu.memory_space<vmem>> -> memref<1x64x128xf32, #tpu.memory_space<vmem>>
        %dma_wait3A_373 = tpu.memref_squeeze %dma_wait3A_372 : memref<1x64x128xf32, #tpu.memory_space<vmem>> -> memref<64x128xf32, #tpu.memory_space<vmem>>
        %dma_wait3A_374 = arith.constant 0 : i32
        %dma_wait3A_375 = tpu.memref_slice %arg8[%add3A_334, %dma_wait3A_374] : memref<40x64xi32, #tpu.memory_space<vmem>> -> memref<1x64xi32, #tpu.memory_space<vmem>>
        %dma_wait3A_376 = tpu.memref_squeeze %dma_wait3A_375 : memref<1x64xi32, #tpu.memory_space<vmem>> -> memref<64xi32, #tpu.memory_space<vmem>>
        %dma_wait3A_377 = arith.constant 0 : i32
        %dma_wait3A_378 = arith.constant 0 : i32
        %dma_wait3A_379 = tpu.memref_slice %arg6[%dma_wait3A_377, %dma_wait3A_378] : memref<10008x128xf32, #tpu.memory_space<vmem_shared>> -> memref<10008x128xf32, #tpu.memory_space<vmem_shared>>
        tpu.wait_indirect_dma semaphore(%run_scoped3A_359 : memref<!tpu.dma_semaphore, #tpu.memory_space<semaphore_mem>>) src(%dma_wait3A_373 : memref<64x128xf32, #tpu.memory_space<vmem>>) dst(%dma_wait3A_379 : memref<10008x128xf32, #tpu.memory_space<vmem_shared>>)
        tpu.yield
      }) : () -> ()
    }
    %scan3A_59 = arith.constant 10 : i32
    %mul3A_60 = arith.constant 2560 : i32
    %mul3A_61 = arith.muli %arg0, %mul3A_60 : i32
    %mul3A_62 = arith.constant 160 : i32
    %mul3A_63 = arith.muli %arg1, %mul3A_62 : i32
    %add3A_64 = arith.addi %mul3A_61, %mul3A_63 : i32
    %add3A_65 = arith.constant 40 : i32
    %add3A_66 = arith.addi %add3A_64, %add3A_65 : i32
    "tpu.region"() ({
      %run_scoped3A = tpu.sem_alloc : memref<!tpu.dma_semaphore, #tpu.memory_space<semaphore_mem>>
      %dma_start3A_254 = arith.constant 0 : i32
      %dma_start3A_255 = tpu.memref_slice %arg3[%add3A_66, %dma_start3A_254] : memref<5120x64xi32, #tpu.memory_space<hbm>> -> memref<40x64xi32, #tpu.memory_space<hbm>>
      %dma_start3A_256 = arith.constant 0 : i32
      %dma_start3A_257 = tpu.memref_slice %arg3[%add3A_66, %dma_start3A_256] : memref<5120x64xi32, #tpu.memory_space<hbm>> -> memref<40x64xi32, #tpu.memory_space<hbm>>
      tpu.enqueue_dma source(%dma_start3A_257 : memref<40x64xi32, #tpu.memory_space<hbm>>) target(%arg7 : memref<40x64xi32, #tpu.memory_space<vmem>>) target_semaphore(%run_scoped3A : memref<!tpu.dma_semaphore, #tpu.memory_space<semaphore_mem>>)
      %dma_wait3A = arith.constant 0 : i32
      %dma_wait3A_258 = tpu.memref_slice %arg3[%add3A_66, %dma_wait3A] : memref<5120x64xi32, #tpu.memory_space<hbm>> -> memref<40x64xi32, #tpu.memory_space<hbm>>
      %dma_wait3A_259 = arith.constant 0 : i32
      %dma_wait3A_260 = tpu.memref_slice %arg3[%add3A_66, %dma_wait3A_259] : memref<5120x64xi32, #tpu.memory_space<hbm>> -> memref<40x64xi32, #tpu.memory_space<hbm>>
      tpu.wait_dma2 semaphore(%run_scoped3A : memref<!tpu.dma_semaphore, #tpu.memory_space<semaphore_mem>>) src(%dma_wait3A_260 : memref<40x64xi32, #tpu.memory_space<hbm>>) dst(%arg7 : memref<40x64xi32, #tpu.memory_space<vmem>>)
      tpu.yield
    }) : () -> ()
    %mul3A_67 = arith.constant 160 : i32
    %mul3A_68 = arith.muli %arg1, %mul3A_67 : i32
    %add3A_69 = arith.constant 40 : i32
    %add3A_70 = arith.addi %mul3A_68, %add3A_69 : i32
    "tpu.region"() ({
      %run_scoped3A = tpu.sem_alloc : memref<!tpu.dma_semaphore, #tpu.memory_space<semaphore_mem>>
      %dma_start3A_254 = arith.constant 0 : i32
      %dma_start3A_255 = tpu.memref_slice %arg4[%add3A_70, %dma_start3A_254] : memref<2560x64xi32, #tpu.memory_space<hbm>> -> memref<40x64xi32, #tpu.memory_space<hbm>>
      %dma_start3A_256 = arith.constant 0 : i32
      %dma_start3A_257 = tpu.memref_slice %arg4[%add3A_70, %dma_start3A_256] : memref<2560x64xi32, #tpu.memory_space<hbm>> -> memref<40x64xi32, #tpu.memory_space<hbm>>
      tpu.enqueue_dma source(%dma_start3A_257 : memref<40x64xi32, #tpu.memory_space<hbm>>) target(%arg8 : memref<40x64xi32, #tpu.memory_space<vmem>>) target_semaphore(%run_scoped3A : memref<!tpu.dma_semaphore, #tpu.memory_space<semaphore_mem>>)
      %dma_wait3A = arith.constant 0 : i32
      %dma_wait3A_258 = tpu.memref_slice %arg4[%add3A_70, %dma_wait3A] : memref<2560x64xi32, #tpu.memory_space<hbm>> -> memref<40x64xi32, #tpu.memory_space<hbm>>
      %dma_wait3A_259 = arith.constant 0 : i32
      %dma_wait3A_260 = tpu.memref_slice %arg4[%add3A_70, %dma_wait3A_259] : memref<2560x64xi32, #tpu.memory_space<hbm>> -> memref<40x64xi32, #tpu.memory_space<hbm>>
      tpu.wait_dma2 semaphore(%run_scoped3A : memref<!tpu.dma_semaphore, #tpu.memory_space<semaphore_mem>>) src(%dma_wait3A_260 : memref<40x64xi32, #tpu.memory_space<hbm>>) dst(%arg8 : memref<40x64xi32, #tpu.memory_space<vmem>>)
      tpu.yield
    }) : () -> ()
    %dma_start3A_71 = arith.constant 0 : i32
    %dma_start3A_72 = arith.constant 0 : i32
    %dma_start3A_73 = arith.constant 0 : i32
    %dma_start3A_74 = arith.constant 0 : i32
    %dma_start3A_75 = arith.constant 0 : i32
    %dma_start3A_76 = tpu.memref_slice %arg9[%dma_start3A_72, %dma_start3A_74, %dma_start3A_75] : memref<4x64x128xf32, #tpu.memory_space<vmem>> -> memref<1x64x128xf32, #tpu.memory_space<vmem>>
    %dma_start3A_77 = tpu.memref_squeeze %dma_start3A_76 : memref<1x64x128xf32, #tpu.memory_space<vmem>> -> memref<64x128xf32, #tpu.memory_space<vmem>>
    %dma_start3A_78 = arith.constant 0 : i32
    %dma_start3A_79 = tpu.memref_slice %arg7[%dma_start3A_71, %dma_start3A_78] : memref<40x64xi32, #tpu.memory_space<vmem>> -> memref<1x64xi32, #tpu.memory_space<vmem>>
    %dma_start3A_80 = tpu.memref_squeeze %dma_start3A_79 : memref<1x64xi32, #tpu.memory_space<vmem>> -> memref<64xi32, #tpu.memory_space<vmem>>
    %dma_start3A_81 = arith.constant 0 : i32
    %dma_start3A_82 = arith.constant 0 : i32
    %dma_start3A_83 = tpu.memref_slice %arg2[%dma_start3A_81, %dma_start3A_82] : memref<20000x128xf32, #tpu.memory_space<hbm>> -> memref<20000x128xf32, #tpu.memory_space<hbm>>
    %dma_start3A_84 = tpu.memref_slice %arg10[%dma_start3A_73] : memref<4x!tpu.dma_semaphore, #tpu.memory_space<semaphore_mem>> -> memref<1x!tpu.dma_semaphore, #tpu.memory_space<semaphore_mem>>
    %dma_start3A_85 = tpu.memref_squeeze %dma_start3A_84 : memref<1x!tpu.dma_semaphore, #tpu.memory_space<semaphore_mem>> -> memref<!tpu.dma_semaphore, #tpu.memory_space<semaphore_mem>>
    tpu.enqueue_indirect_dma source(%dma_start3A_83 : memref<20000x128xf32, #tpu.memory_space<hbm>>) target(%dma_start3A_77 : memref<64x128xf32, #tpu.memory_space<vmem>>) offsets(%dma_start3A_80 : memref<64xi32, #tpu.memory_space<vmem>>) semaphore(%dma_start3A_85 : memref<!tpu.dma_semaphore, #tpu.memory_space<semaphore_mem>>)
    %dma_start3A_86 = arith.constant 1 : i32
    %dma_start3A_87 = arith.constant 1 : i32
    %dma_start3A_88 = arith.constant 1 : i32
    %dma_start3A_89 = arith.constant 0 : i32
    %dma_start3A_90 = arith.constant 0 : i32
    %dma_start3A_91 = tpu.memref_slice %arg9[%dma_start3A_87, %dma_start3A_89, %dma_start3A_90] : memref<4x64x128xf32, #tpu.memory_space<vmem>> -> memref<1x64x128xf32, #tpu.memory_space<vmem>>
    %dma_start3A_92 = tpu.memref_squeeze %dma_start3A_91 : memref<1x64x128xf32, #tpu.memory_space<vmem>> -> memref<64x128xf32, #tpu.memory_space<vmem>>
    %dma_start3A_93 = arith.constant 0 : i32
    %dma_start3A_94 = tpu.memref_slice %arg7[%dma_start3A_86, %dma_start3A_93] : memref<40x64xi32, #tpu.memory_space<vmem>> -> memref<1x64xi32, #tpu.memory_space<vmem>>
    %dma_start3A_95 = tpu.memref_squeeze %dma_start3A_94 : memref<1x64xi32, #tpu.memory_space<vmem>> -> memref<64xi32, #tpu.memory_space<vmem>>
    %dma_start3A_96 = arith.constant 0 : i32
    %dma_start3A_97 = arith.constant 0 : i32
    %dma_start3A_98 = tpu.memref_slice %arg2[%dma_start3A_96, %dma_start3A_97] : memref<20000x128xf32, #tpu.memory_space<hbm>> -> memref<20000x128xf32, #tpu.memory_space<hbm>>
    %dma_start3A_99 = tpu.memref_slice %arg10[%dma_start3A_88] : memref<4x!tpu.dma_semaphore, #tpu.memory_space<semaphore_mem>> -> memref<1x!tpu.dma_semaphore, #tpu.memory_space<semaphore_mem>>
    %dma_start3A_100 = tpu.memref_squeeze %dma_start3A_99 : memref<1x!tpu.dma_semaphore, #tpu.memory_space<semaphore_mem>> -> memref<!tpu.dma_semaphore, #tpu.memory_space<semaphore_mem>>
    tpu.enqueue_indirect_dma source(%dma_start3A_98 : memref<20000x128xf32, #tpu.memory_space<hbm>>) target(%dma_start3A_92 : memref<64x128xf32, #tpu.memory_space<vmem>>) offsets(%dma_start3A_95 : memref<64xi32, #tpu.memory_space<vmem>>) semaphore(%dma_start3A_100 : memref<!tpu.dma_semaphore, #tpu.memory_space<semaphore_mem>>)
    %dma_start3A_101 = arith.constant 2 : i32
    %dma_start3A_102 = arith.constant 2 : i32
    %dma_start3A_103 = arith.constant 2 : i32
    %dma_start3A_104 = arith.constant 0 : i32
    %dma_start3A_105 = arith.constant 0 : i32
    %dma_start3A_106 = tpu.memref_slice %arg9[%dma_start3A_102, %dma_start3A_104, %dma_start3A_105] : memref<4x64x128xf32, #tpu.memory_space<vmem>> -> memref<1x64x128xf32, #tpu.memory_space<vmem>>
    %dma_start3A_107 = tpu.memref_squeeze %dma_start3A_106 : memref<1x64x128xf32, #tpu.memory_space<vmem>> -> memref<64x128xf32, #tpu.memory_space<vmem>>
    %dma_start3A_108 = arith.constant 0 : i32
    %dma_start3A_109 = tpu.memref_slice %arg7[%dma_start3A_101, %dma_start3A_108] : memref<40x64xi32, #tpu.memory_space<vmem>> -> memref<1x64xi32, #tpu.memory_space<vmem>>
    %dma_start3A_110 = tpu.memref_squeeze %dma_start3A_109 : memref<1x64xi32, #tpu.memory_space<vmem>> -> memref<64xi32, #tpu.memory_space<vmem>>
    %dma_start3A_111 = arith.constant 0 : i32
    %dma_start3A_112 = arith.constant 0 : i32
    %dma_start3A_113 = tpu.memref_slice %arg2[%dma_start3A_111, %dma_start3A_112] : memref<20000x128xf32, #tpu.memory_space<hbm>> -> memref<20000x128xf32, #tpu.memory_space<hbm>>
    %dma_start3A_114 = tpu.memref_slice %arg10[%dma_start3A_103] : memref<4x!tpu.dma_semaphore, #tpu.memory_space<semaphore_mem>> -> memref<1x!tpu.dma_semaphore, #tpu.memory_space<semaphore_mem>>
    %dma_start3A_115 = tpu.memref_squeeze %dma_start3A_114 : memref<1x!tpu.dma_semaphore, #tpu.memory_space<semaphore_mem>> -> memref<!tpu.dma_semaphore, #tpu.memory_space<semaphore_mem>>
    tpu.enqueue_indirect_dma source(%dma_start3A_113 : memref<20000x128xf32, #tpu.memory_space<hbm>>) target(%dma_start3A_107 : memref<64x128xf32, #tpu.memory_space<vmem>>) offsets(%dma_start3A_110 : memref<64xi32, #tpu.memory_space<vmem>>) semaphore(%dma_start3A_115 : memref<!tpu.dma_semaphore, #tpu.memory_space<semaphore_mem>>)
    %scan3A_116 = arith.constant 0 : i32
    %scan3A_117 = arith.constant 10 : i32
    %scan3A_118 = arith.addi %scan3A_116, %scan3A_117 : i32
    %scan3A_119 = arith.constant 1 : i32
    scf.for %scan3A_254 = %scan3A_116 to %scan3A_118 step %scan3A_119  : i32 {
      %mul3A_255 = arith.constant 4 : i32
      %mul3A_256 = arith.muli %scan3A_254, %mul3A_255 : i32
      %add3A_257 = arith.constant 0 : i32
      %add3A_258 = arith.addi %add3A_257, %mul3A_256 : i32
      %add3A_259 = arith.constant 0 : i32
      %add3A_260 = arith.addi %add3A_258, %add3A_259 : i32
      %dma_wait3A = arith.constant 0 : i32
      %dma_wait3A_261 = arith.constant 0 : i32
      %dma_wait3A_262 = arith.constant 0 : i32
      %dma_wait3A_263 = arith.constant 0 : i32
      %dma_wait3A_264 = tpu.memref_slice %arg9[%dma_wait3A, %dma_wait3A_262, %dma_wait3A_263] : memref<4x64x128xf32, #tpu.memory_space<vmem>> -> memref<1x64x128xf32, #tpu.memory_space<vmem>>
      %dma_wait3A_265 = tpu.memref_squeeze %dma_wait3A_264 : memref<1x64x128xf32, #tpu.memory_space<vmem>> -> memref<64x128xf32, #tpu.memory_space<vmem>>
      %dma_wait3A_266 = arith.constant 0 : i32
      %dma_wait3A_267 = tpu.memref_slice %arg7[%add3A_260, %dma_wait3A_266] : memref<40x64xi32, #tpu.memory_space<vmem>> -> memref<1x64xi32, #tpu.memory_space<vmem>>
      %dma_wait3A_268 = tpu.memref_squeeze %dma_wait3A_267 : memref<1x64xi32, #tpu.memory_space<vmem>> -> memref<64xi32, #tpu.memory_space<vmem>>
      %dma_wait3A_269 = arith.constant 0 : i32
      %dma_wait3A_270 = arith.constant 0 : i32
      %dma_wait3A_271 = tpu.memref_slice %arg2[%dma_wait3A_269, %dma_wait3A_270] : memref<20000x128xf32, #tpu.memory_space<hbm>> -> memref<20000x128xf32, #tpu.memory_space<hbm>>
      %dma_wait3A_272 = tpu.memref_slice %arg10[%dma_wait3A_261] : memref<4x!tpu.dma_semaphore, #tpu.memory_space<semaphore_mem>> -> memref<1x!tpu.dma_semaphore, #tpu.memory_space<semaphore_mem>>
      %dma_wait3A_273 = tpu.memref_squeeze %dma_wait3A_272 : memref<1x!tpu.dma_semaphore, #tpu.memory_space<semaphore_mem>> -> memref<!tpu.dma_semaphore, #tpu.memory_space<semaphore_mem>>
      tpu.wait_indirect_dma semaphore(%dma_wait3A_273 : memref<!tpu.dma_semaphore, #tpu.memory_space<semaphore_mem>>) src(%dma_wait3A_271 : memref<20000x128xf32, #tpu.memory_space<hbm>>) dst(%dma_wait3A_265 : memref<64x128xf32, #tpu.memory_space<vmem>>)
      %add3A_274 = arith.constant 4 : i32
      %add3A_275 = arith.addi %add3A_260, %add3A_274 : i32
      %sub3A = arith.constant 1 : i32
      %sub3A_276 = arith.subi %add3A_275, %sub3A : i32
      %lt3A = arith.constant 40 : i32
      %lt3A_277 = arith.cmpi slt, %sub3A_276, %lt3A : i32
      %convert_element_type3A_278 = arith.extui %lt3A_277 : i1 to i32
      %cond3A_279 = arith.constant 0 : i32
      %cond3A_280 = arith.cmpi ne, %convert_element_type3A_278, %cond3A_279 : i32
      scf.if %cond3A_280 {
        %add3A_359 = arith.constant 4 : i32
        %add3A_360 = arith.addi %add3A_260, %add3A_359 : i32
        %sub3A_361 = arith.constant 1 : i32
        %sub3A_362 = arith.subi %add3A_360, %sub3A_361 : i32
        %dma_start3A_363 = arith.constant 3 : i32
        %dma_start3A_364 = arith.constant 3 : i32
        %dma_start3A_365 = arith.constant 0 : i32
        %dma_start3A_366 = arith.constant 0 : i32
        %dma_start3A_367 = tpu.memref_slice %arg9[%dma_start3A_363, %dma_start3A_365, %dma_start3A_366] : memref<4x64x128xf32, #tpu.memory_space<vmem>> -> memref<1x64x128xf32, #tpu.memory_space<vmem>>
        %dma_start3A_368 = tpu.memref_squeeze %dma_start3A_367 : memref<1x64x128xf32, #tpu.memory_space<vmem>> -> memref<64x128xf32, #tpu.memory_space<vmem>>
        %dma_start3A_369 = arith.constant 0 : i32
        %dma_start3A_370 = tpu.memref_slice %arg7[%sub3A_362, %dma_start3A_369] : memref<40x64xi32, #tpu.memory_space<vmem>> -> memref<1x64xi32, #tpu.memory_space<vmem>>
        %dma_start3A_371 = tpu.memref_squeeze %dma_start3A_370 : memref<1x64xi32, #tpu.memory_space<vmem>> -> memref<64xi32, #tpu.memory_space<vmem>>
        %dma_start3A_372 = arith.constant 0 : i32
        %dma_start3A_373 = arith.constant 0 : i32
        %dma_start3A_374 = tpu.memref_slice %arg2[%dma_start3A_372, %dma_start3A_373] : memref<20000x128xf32, #tpu.memory_space<hbm>> -> memref<20000x128xf32, #tpu.memory_space<hbm>>
        %dma_start3A_375 = tpu.memref_slice %arg10[%dma_start3A_364] : memref<4x!tpu.dma_semaphore, #tpu.memory_space<semaphore_mem>> -> memref<1x!tpu.dma_semaphore, #tpu.memory_space<semaphore_mem>>
        %dma_start3A_376 = tpu.memref_squeeze %dma_start3A_375 : memref<1x!tpu.dma_semaphore, #tpu.memory_space<semaphore_mem>> -> memref<!tpu.dma_semaphore, #tpu.memory_space<semaphore_mem>>
        tpu.enqueue_indirect_dma source(%dma_start3A_374 : memref<20000x128xf32, #tpu.memory_space<hbm>>) target(%dma_start3A_368 : memref<64x128xf32, #tpu.memory_space<vmem>>) offsets(%dma_start3A_371 : memref<64xi32, #tpu.memory_space<vmem>>) semaphore(%dma_start3A_376 : memref<!tpu.dma_semaphore, #tpu.memory_space<semaphore_mem>>)
      } else {
      }
      %run_scoped3A = arith.constant 0 : i32
      "tpu.region"() ({
        %run_scoped3A_359 = tpu.sem_alloc : memref<!tpu.dma_semaphore, #tpu.memory_space<semaphore_mem>>
        %dma_start3A_360 = arith.constant 0 : i32
        %dma_start3A_361 = arith.constant 0 : i32
        %dma_start3A_362 = tpu.memref_slice %arg9[%run_scoped3A, %dma_start3A_360, %dma_start3A_361] : memref<4x64x128xf32, #tpu.memory_space<vmem>> -> memref<1x64x128xf32, #tpu.memory_space<vmem>>
        %dma_start3A_363 = tpu.memref_squeeze %dma_start3A_362 : memref<1x64x128xf32, #tpu.memory_space<vmem>> -> memref<64x128xf32, #tpu.memory_space<vmem>>
        %dma_start3A_364 = arith.constant 0 : i32
        %dma_start3A_365 = tpu.memref_slice %arg8[%add3A_260, %dma_start3A_364] : memref<40x64xi32, #tpu.memory_space<vmem>> -> memref<1x64xi32, #tpu.memory_space<vmem>>
        %dma_start3A_366 = tpu.memref_squeeze %dma_start3A_365 : memref<1x64xi32, #tpu.memory_space<vmem>> -> memref<64xi32, #tpu.memory_space<vmem>>
        %dma_start3A_367 = arith.constant 0 : i32
        %dma_start3A_368 = arith.constant 0 : i32
        %dma_start3A_369 = tpu.memref_slice %arg6[%dma_start3A_367, %dma_start3A_368] : memref<10008x128xf32, #tpu.memory_space<vmem_shared>> -> memref<10008x128xf32, #tpu.memory_space<vmem_shared>>
        tpu.enqueue_indirect_dma source(%dma_start3A_363 : memref<64x128xf32, #tpu.memory_space<vmem>>) target(%dma_start3A_369 : memref<10008x128xf32, #tpu.memory_space<vmem_shared>>) offsets(%dma_start3A_366 : memref<64xi32, #tpu.memory_space<vmem>>) semaphore(%run_scoped3A_359 : memref<!tpu.dma_semaphore, #tpu.memory_space<semaphore_mem>>) {add = true}
        %dma_wait3A_370 = arith.constant 0 : i32
        %dma_wait3A_371 = arith.constant 0 : i32
        %dma_wait3A_372 = tpu.memref_slice %arg9[%run_scoped3A, %dma_wait3A_370, %dma_wait3A_371] : memref<4x64x128xf32, #tpu.memory_space<vmem>> -> memref<1x64x128xf32, #tpu.memory_space<vmem>>
        %dma_wait3A_373 = tpu.memref_squeeze %dma_wait3A_372 : memref<1x64x128xf32, #tpu.memory_space<vmem>> -> memref<64x128xf32, #tpu.memory_space<vmem>>
        %dma_wait3A_374 = arith.constant 0 : i32
        %dma_wait3A_375 = tpu.memref_slice %arg8[%add3A_260, %dma_wait3A_374] : memref<40x64xi32, #tpu.memory_space<vmem>> -> memref<1x64xi32, #tpu.memory_space<vmem>>
        %dma_wait3A_376 = tpu.memref_squeeze %dma_wait3A_375 : memref<1x64xi32, #tpu.memory_space<vmem>> -> memref<64xi32, #tpu.memory_space<vmem>>
        %dma_wait3A_377 = arith.constant 0 : i32
        %dma_wait3A_378 = arith.constant 0 : i32
        %dma_wait3A_379 = tpu.memref_slice %arg6[%dma_wait3A_377, %dma_wait3A_378] : memref<10008x128xf32, #tpu.memory_space<vmem_shared>> -> memref<10008x128xf32, #tpu.memory_space<vmem_shared>>
        tpu.wait_indirect_dma semaphore(%run_scoped3A_359 : memref<!tpu.dma_semaphore, #tpu.memory_space<semaphore_mem>>) src(%dma_wait3A_373 : memref<64x128xf32, #tpu.memory_space<vmem>>) dst(%dma_wait3A_379 : memref<10008x128xf32, #tpu.memory_space<vmem_shared>>)
        tpu.yield
      }) : () -> ()
      %add3A_281 = arith.constant 1 : i32
      %add3A_282 = arith.addi %add3A_258, %add3A_281 : i32
      %dma_wait3A_283 = arith.constant 1 : i32
      %dma_wait3A_284 = arith.constant 1 : i32
      %dma_wait3A_285 = arith.constant 0 : i32
      %dma_wait3A_286 = arith.constant 0 : i32
      %dma_wait3A_287 = tpu.memref_slice %arg9[%dma_wait3A_283, %dma_wait3A_285, %dma_wait3A_286] : memref<4x64x128xf32, #tpu.memory_space<vmem>> -> memref<1x64x128xf32, #tpu.memory_space<vmem>>
      %dma_wait3A_288 = tpu.memref_squeeze %dma_wait3A_287 : memref<1x64x128xf32, #tpu.memory_space<vmem>> -> memref<64x128xf32, #tpu.memory_space<vmem>>
      %dma_wait3A_289 = arith.constant 0 : i32
      %dma_wait3A_290 = tpu.memref_slice %arg7[%add3A_282, %dma_wait3A_289] : memref<40x64xi32, #tpu.memory_space<vmem>> -> memref<1x64xi32, #tpu.memory_space<vmem>>
      %dma_wait3A_291 = tpu.memref_squeeze %dma_wait3A_290 : memref<1x64xi32, #tpu.memory_space<vmem>> -> memref<64xi32, #tpu.memory_space<vmem>>
      %dma_wait3A_292 = arith.constant 0 : i32
      %dma_wait3A_293 = arith.constant 0 : i32
      %dma_wait3A_294 = tpu.memref_slice %arg2[%dma_wait3A_292, %dma_wait3A_293] : memref<20000x128xf32, #tpu.memory_space<hbm>> -> memref<20000x128xf32, #tpu.memory_space<hbm>>
      %dma_wait3A_295 = tpu.memref_slice %arg10[%dma_wait3A_284] : memref<4x!tpu.dma_semaphore, #tpu.memory_space<semaphore_mem>> -> memref<1x!tpu.dma_semaphore, #tpu.memory_space<semaphore_mem>>
      %dma_wait3A_296 = tpu.memref_squeeze %dma_wait3A_295 : memref<1x!tpu.dma_semaphore, #tpu.memory_space<semaphore_mem>> -> memref<!tpu.dma_semaphore, #tpu.memory_space<semaphore_mem>>
      tpu.wait_indirect_dma semaphore(%dma_wait3A_296 : memref<!tpu.dma_semaphore, #tpu.memory_space<semaphore_mem>>) src(%dma_wait3A_294 : memref<20000x128xf32, #tpu.memory_space<hbm>>) dst(%dma_wait3A_288 : memref<64x128xf32, #tpu.memory_space<vmem>>)
      %add3A_297 = arith.constant 4 : i32
      %add3A_298 = arith.addi %add3A_282, %add3A_297 : i32
      %sub3A_299 = arith.constant 1 : i32
      %sub3A_300 = arith.subi %add3A_298, %sub3A_299 : i32
      %lt3A_301 = arith.constant 40 : i32
      %lt3A_302 = arith.cmpi slt, %sub3A_300, %lt3A_301 : i32
      %convert_element_type3A_303 = arith.extui %lt3A_302 : i1 to i32
      %cond3A_304 = arith.constant 0 : i32
      %cond3A_305 = arith.cmpi ne, %convert_element_type3A_303, %cond3A_304 : i32
      scf.if %cond3A_305 {
        %add3A_359 = arith.constant 4 : i32
        %add3A_360 = arith.addi %add3A_282, %add3A_359 : i32
        %sub3A_361 = arith.constant 1 : i32
        %sub3A_362 = arith.subi %add3A_360, %sub3A_361 : i32
        %dma_start3A_363 = arith.constant 0 : i32
        %dma_start3A_364 = arith.constant 0 : i32
        %dma_start3A_365 = arith.constant 0 : i32
        %dma_start3A_366 = arith.constant 0 : i32
        %dma_start3A_367 = tpu.memref_slice %arg9[%dma_start3A_363, %dma_start3A_365, %dma_start3A_366] : memref<4x64x128xf32, #tpu.memory_space<vmem>> -> memref<1x64x128xf32, #tpu.memory_space<vmem>>
        %dma_start3A_368 = tpu.memref_squeeze %dma_start3A_367 : memref<1x64x128xf32, #tpu.memory_space<vmem>> -> memref<64x128xf32, #tpu.memory_space<vmem>>
        %dma_start3A_369 = arith.constant 0 : i32
        %dma_start3A_370 = tpu.memref_slice %arg7[%sub3A_362, %dma_start3A_369] : memref<40x64xi32, #tpu.memory_space<vmem>> -> memref<1x64xi32, #tpu.memory_space<vmem>>
        %dma_start3A_371 = tpu.memref_squeeze %dma_start3A_370 : memref<1x64xi32, #tpu.memory_space<vmem>> -> memref<64xi32, #tpu.memory_space<vmem>>
        %dma_start3A_372 = arith.constant 0 : i32
        %dma_start3A_373 = arith.constant 0 : i32
        %dma_start3A_374 = tpu.memref_slice %arg2[%dma_start3A_372, %dma_start3A_373] : memref<20000x128xf32, #tpu.memory_space<hbm>> -> memref<20000x128xf32, #tpu.memory_space<hbm>>
        %dma_start3A_375 = tpu.memref_slice %arg10[%dma_start3A_364] : memref<4x!tpu.dma_semaphore, #tpu.memory_space<semaphore_mem>> -> memref<1x!tpu.dma_semaphore, #tpu.memory_space<semaphore_mem>>
        %dma_start3A_376 = tpu.memref_squeeze %dma_start3A_375 : memref<1x!tpu.dma_semaphore, #tpu.memory_space<semaphore_mem>> -> memref<!tpu.dma_semaphore, #tpu.memory_space<semaphore_mem>>
        tpu.enqueue_indirect_dma source(%dma_start3A_374 : memref<20000x128xf32, #tpu.memory_space<hbm>>) target(%dma_start3A_368 : memref<64x128xf32, #tpu.memory_space<vmem>>) offsets(%dma_start3A_371 : memref<64xi32, #tpu.memory_space<vmem>>) semaphore(%dma_start3A_376 : memref<!tpu.dma_semaphore, #tpu.memory_space<semaphore_mem>>)
      } else {
      }
      %run_scoped3A_306 = arith.constant 1 : i32
      "tpu.region"() ({
        %run_scoped3A_359 = tpu.sem_alloc : memref<!tpu.dma_semaphore, #tpu.memory_space<semaphore_mem>>
        %dma_start3A_360 = arith.constant 0 : i32
        %dma_start3A_361 = arith.constant 0 : i32
        %dma_start3A_362 = tpu.memref_slice %arg9[%run_scoped3A_306, %dma_start3A_360, %dma_start3A_361] : memref<4x64x128xf32, #tpu.memory_space<vmem>> -> memref<1x64x128xf32, #tpu.memory_space<vmem>>
        %dma_start3A_363 = tpu.memref_squeeze %dma_start3A_362 : memref<1x64x128xf32, #tpu.memory_space<vmem>> -> memref<64x128xf32, #tpu.memory_space<vmem>>
        %dma_start3A_364 = arith.constant 0 : i32
        %dma_start3A_365 = tpu.memref_slice %arg8[%add3A_282, %dma_start3A_364] : memref<40x64xi32, #tpu.memory_space<vmem>> -> memref<1x64xi32, #tpu.memory_space<vmem>>
        %dma_start3A_366 = tpu.memref_squeeze %dma_start3A_365 : memref<1x64xi32, #tpu.memory_space<vmem>> -> memref<64xi32, #tpu.memory_space<vmem>>
        %dma_start3A_367 = arith.constant 0 : i32
        %dma_start3A_368 = arith.constant 0 : i32
        %dma_start3A_369 = tpu.memref_slice %arg6[%dma_start3A_367, %dma_start3A_368] : memref<10008x128xf32, #tpu.memory_space<vmem_shared>> -> memref<10008x128xf32, #tpu.memory_space<vmem_shared>>
        tpu.enqueue_indirect_dma source(%dma_start3A_363 : memref<64x128xf32, #tpu.memory_space<vmem>>) target(%dma_start3A_369 : memref<10008x128xf32, #tpu.memory_space<vmem_shared>>) offsets(%dma_start3A_366 : memref<64xi32, #tpu.memory_space<vmem>>) semaphore(%run_scoped3A_359 : memref<!tpu.dma_semaphore, #tpu.memory_space<semaphore_mem>>) {add = true}
        %dma_wait3A_370 = arith.constant 0 : i32
        %dma_wait3A_371 = arith.constant 0 : i32
        %dma_wait3A_372 = tpu.memref_slice %arg9[%run_scoped3A_306, %dma_wait3A_370, %dma_wait3A_371] : memref<4x64x128xf32, #tpu.memory_space<vmem>> -> memref<1x64x128xf32, #tpu.memory_space<vmem>>
        %dma_wait3A_373 = tpu.memref_squeeze %dma_wait3A_372 : memref<1x64x128xf32, #tpu.memory_space<vmem>> -> memref<64x128xf32, #tpu.memory_space<vmem>>
        %dma_wait3A_374 = arith.constant 0 : i32
        %dma_wait3A_375 = tpu.memref_slice %arg8[%add3A_282, %dma_wait3A_374] : memref<40x64xi32, #tpu.memory_space<vmem>> -> memref<1x64xi32, #tpu.memory_space<vmem>>
        %dma_wait3A_376 = tpu.memref_squeeze %dma_wait3A_375 : memref<1x64xi32, #tpu.memory_space<vmem>> -> memref<64xi32, #tpu.memory_space<vmem>>
        %dma_wait3A_377 = arith.constant 0 : i32
        %dma_wait3A_378 = arith.constant 0 : i32
        %dma_wait3A_379 = tpu.memref_slice %arg6[%dma_wait3A_377, %dma_wait3A_378] : memref<10008x128xf32, #tpu.memory_space<vmem_shared>> -> memref<10008x128xf32, #tpu.memory_space<vmem_shared>>
        tpu.wait_indirect_dma semaphore(%run_scoped3A_359 : memref<!tpu.dma_semaphore, #tpu.memory_space<semaphore_mem>>) src(%dma_wait3A_373 : memref<64x128xf32, #tpu.memory_space<vmem>>) dst(%dma_wait3A_379 : memref<10008x128xf32, #tpu.memory_space<vmem_shared>>)
        tpu.yield
      }) : () -> ()
      %add3A_307 = arith.constant 2 : i32
      %add3A_308 = arith.addi %add3A_258, %add3A_307 : i32
      %dma_wait3A_309 = arith.constant 2 : i32
      %dma_wait3A_310 = arith.constant 2 : i32
      %dma_wait3A_311 = arith.constant 0 : i32
      %dma_wait3A_312 = arith.constant 0 : i32
      %dma_wait3A_313 = tpu.memref_slice %arg9[%dma_wait3A_309, %dma_wait3A_311, %dma_wait3A_312] : memref<4x64x128xf32, #tpu.memory_space<vmem>> -> memref<1x64x128xf32, #tpu.memory_space<vmem>>
      %dma_wait3A_314 = tpu.memref_squeeze %dma_wait3A_313 : memref<1x64x128xf32, #tpu.memory_space<vmem>> -> memref<64x128xf32, #tpu.memory_space<vmem>>
      %dma_wait3A_315 = arith.constant 0 : i32
      %dma_wait3A_316 = tpu.memref_slice %arg7[%add3A_308, %dma_wait3A_315] : memref<40x64xi32, #tpu.memory_space<vmem>> -> memref<1x64xi32, #tpu.memory_space<vmem>>
      %dma_wait3A_317 = tpu.memref_squeeze %dma_wait3A_316 : memref<1x64xi32, #tpu.memory_space<vmem>> -> memref<64xi32, #tpu.memory_space<vmem>>
      %dma_wait3A_318 = arith.constant 0 : i32
      %dma_wait3A_319 = arith.constant 0 : i32
      %dma_wait3A_320 = tpu.memref_slice %arg2[%dma_wait3A_318, %dma_wait3A_319] : memref<20000x128xf32, #tpu.memory_space<hbm>> -> memref<20000x128xf32, #tpu.memory_space<hbm>>
      %dma_wait3A_321 = tpu.memref_slice %arg10[%dma_wait3A_310] : memref<4x!tpu.dma_semaphore, #tpu.memory_space<semaphore_mem>> -> memref<1x!tpu.dma_semaphore, #tpu.memory_space<semaphore_mem>>
      %dma_wait3A_322 = tpu.memref_squeeze %dma_wait3A_321 : memref<1x!tpu.dma_semaphore, #tpu.memory_space<semaphore_mem>> -> memref<!tpu.dma_semaphore, #tpu.memory_space<semaphore_mem>>
      tpu.wait_indirect_dma semaphore(%dma_wait3A_322 : memref<!tpu.dma_semaphore, #tpu.memory_space<semaphore_mem>>) src(%dma_wait3A_320 : memref<20000x128xf32, #tpu.memory_space<hbm>>) dst(%dma_wait3A_314 : memref<64x128xf32, #tpu.memory_space<vmem>>)
      %add3A_323 = arith.constant 4 : i32
      %add3A_324 = arith.addi %add3A_308, %add3A_323 : i32
      %sub3A_325 = arith.constant 1 : i32
      %sub3A_326 = arith.subi %add3A_324, %sub3A_325 : i32
      %lt3A_327 = arith.constant 40 : i32
      %lt3A_328 = arith.cmpi slt, %sub3A_326, %lt3A_327 : i32
      %convert_element_type3A_329 = arith.extui %lt3A_328 : i1 to i32
      %cond3A_330 = arith.constant 0 : i32
      %cond3A_331 = arith.cmpi ne, %convert_element_type3A_329, %cond3A_330 : i32
      scf.if %cond3A_331 {
        %add3A_359 = arith.constant 4 : i32
        %add3A_360 = arith.addi %add3A_308, %add3A_359 : i32
        %sub3A_361 = arith.constant 1 : i32
        %sub3A_362 = arith.subi %add3A_360, %sub3A_361 : i32
        %dma_start3A_363 = arith.constant 1 : i32
        %dma_start3A_364 = arith.constant 1 : i32
        %dma_start3A_365 = arith.constant 0 : i32
        %dma_start3A_366 = arith.constant 0 : i32
        %dma_start3A_367 = tpu.memref_slice %arg9[%dma_start3A_363, %dma_start3A_365, %dma_start3A_366] : memref<4x64x128xf32, #tpu.memory_space<vmem>> -> memref<1x64x128xf32, #tpu.memory_space<vmem>>
        %dma_start3A_368 = tpu.memref_squeeze %dma_start3A_367 : memref<1x64x128xf32, #tpu.memory_space<vmem>> -> memref<64x128xf32, #tpu.memory_space<vmem>>
        %dma_start3A_369 = arith.constant 0 : i32
        %dma_start3A_370 = tpu.memref_slice %arg7[%sub3A_362, %dma_start3A_369] : memref<40x64xi32, #tpu.memory_space<vmem>> -> memref<1x64xi32, #tpu.memory_space<vmem>>
        %dma_start3A_371 = tpu.memref_squeeze %dma_start3A_370 : memref<1x64xi32, #tpu.memory_space<vmem>> -> memref<64xi32, #tpu.memory_space<vmem>>
        %dma_start3A_372 = arith.constant 0 : i32
        %dma_start3A_373 = arith.constant 0 : i32
        %dma_start3A_374 = tpu.memref_slice %arg2[%dma_start3A_372, %dma_start3A_373] : memref<20000x128xf32, #tpu.memory_space<hbm>> -> memref<20000x128xf32, #tpu.memory_space<hbm>>
        %dma_start3A_375 = tpu.memref_slice %arg10[%dma_start3A_364] : memref<4x!tpu.dma_semaphore, #tpu.memory_space<semaphore_mem>> -> memref<1x!tpu.dma_semaphore, #tpu.memory_space<semaphore_mem>>
        %dma_start3A_376 = tpu.memref_squeeze %dma_start3A_375 : memref<1x!tpu.dma_semaphore, #tpu.memory_space<semaphore_mem>> -> memref<!tpu.dma_semaphore, #tpu.memory_space<semaphore_mem>>
        tpu.enqueue_indirect_dma source(%dma_start3A_374 : memref<20000x128xf32, #tpu.memory_space<hbm>>) target(%dma_start3A_368 : memref<64x128xf32, #tpu.memory_space<vmem>>) offsets(%dma_start3A_371 : memref<64xi32, #tpu.memory_space<vmem>>) semaphore(%dma_start3A_376 : memref<!tpu.dma_semaphore, #tpu.memory_space<semaphore_mem>>)
      } else {
      }
      %run_scoped3A_332 = arith.constant 2 : i32
      "tpu.region"() ({
        %run_scoped3A_359 = tpu.sem_alloc : memref<!tpu.dma_semaphore, #tpu.memory_space<semaphore_mem>>
        %dma_start3A_360 = arith.constant 0 : i32
        %dma_start3A_361 = arith.constant 0 : i32
        %dma_start3A_362 = tpu.memref_slice %arg9[%run_scoped3A_332, %dma_start3A_360, %dma_start3A_361] : memref<4x64x128xf32, #tpu.memory_space<vmem>> -> memref<1x64x128xf32, #tpu.memory_space<vmem>>
        %dma_start3A_363 = tpu.memref_squeeze %dma_start3A_362 : memref<1x64x128xf32, #tpu.memory_space<vmem>> -> memref<64x128xf32, #tpu.memory_space<vmem>>
        %dma_start3A_364 = arith.constant 0 : i32
        %dma_start3A_365 = tpu.memref_slice %arg8[%add3A_308, %dma_start3A_364] : memref<40x64xi32, #tpu.memory_space<vmem>> -> memref<1x64xi32, #tpu.memory_space<vmem>>
        %dma_start3A_366 = tpu.memref_squeeze %dma_start3A_365 : memref<1x64xi32, #tpu.memory_space<vmem>> -> memref<64xi32, #tpu.memory_space<vmem>>
        %dma_start3A_367 = arith.constant 0 : i32
        %dma_start3A_368 = arith.constant 0 : i32
        %dma_start3A_369 = tpu.memref_slice %arg6[%dma_start3A_367, %dma_start3A_368] : memref<10008x128xf32, #tpu.memory_space<vmem_shared>> -> memref<10008x128xf32, #tpu.memory_space<vmem_shared>>
        tpu.enqueue_indirect_dma source(%dma_start3A_363 : memref<64x128xf32, #tpu.memory_space<vmem>>) target(%dma_start3A_369 : memref<10008x128xf32, #tpu.memory_space<vmem_shared>>) offsets(%dma_start3A_366 : memref<64xi32, #tpu.memory_space<vmem>>) semaphore(%run_scoped3A_359 : memref<!tpu.dma_semaphore, #tpu.memory_space<semaphore_mem>>) {add = true}
        %dma_wait3A_370 = arith.constant 0 : i32
        %dma_wait3A_371 = arith.constant 0 : i32
        %dma_wait3A_372 = tpu.memref_slice %arg9[%run_scoped3A_332, %dma_wait3A_370, %dma_wait3A_371] : memref<4x64x128xf32, #tpu.memory_space<vmem>> -> memref<1x64x128xf32, #tpu.memory_space<vmem>>
        %dma_wait3A_373 = tpu.memref_squeeze %dma_wait3A_372 : memref<1x64x128xf32, #tpu.memory_space<vmem>> -> memref<64x128xf32, #tpu.memory_space<vmem>>
        %dma_wait3A_374 = arith.constant 0 : i32
        %dma_wait3A_375 = tpu.memref_slice %arg8[%add3A_308, %dma_wait3A_374] : memref<40x64xi32, #tpu.memory_space<vmem>> -> memref<1x64xi32, #tpu.memory_space<vmem>>
        %dma_wait3A_376 = tpu.memref_squeeze %dma_wait3A_375 : memref<1x64xi32, #tpu.memory_space<vmem>> -> memref<64xi32, #tpu.memory_space<vmem>>
        %dma_wait3A_377 = arith.constant 0 : i32
        %dma_wait3A_378 = arith.constant 0 : i32
        %dma_wait3A_379 = tpu.memref_slice %arg6[%dma_wait3A_377, %dma_wait3A_378] : memref<10008x128xf32, #tpu.memory_space<vmem_shared>> -> memref<10008x128xf32, #tpu.memory_space<vmem_shared>>
        tpu.wait_indirect_dma semaphore(%run_scoped3A_359 : memref<!tpu.dma_semaphore, #tpu.memory_space<semaphore_mem>>) src(%dma_wait3A_373 : memref<64x128xf32, #tpu.memory_space<vmem>>) dst(%dma_wait3A_379 : memref<10008x128xf32, #tpu.memory_space<vmem_shared>>)
        tpu.yield
      }) : () -> ()
      %add3A_333 = arith.constant 3 : i32
      %add3A_334 = arith.addi %add3A_258, %add3A_333 : i32
      %dma_wait3A_335 = arith.constant 3 : i32
      %dma_wait3A_336 = arith.constant 3 : i32
      %dma_wait3A_337 = arith.constant 0 : i32
      %dma_wait3A_338 = arith.constant 0 : i32
      %dma_wait3A_339 = tpu.memref_slice %arg9[%dma_wait3A_335, %dma_wait3A_337, %dma_wait3A_338] : memref<4x64x128xf32, #tpu.memory_space<vmem>> -> memref<1x64x128xf32, #tpu.memory_space<vmem>>
      %dma_wait3A_340 = tpu.memref_squeeze %dma_wait3A_339 : memref<1x64x128xf32, #tpu.memory_space<vmem>> -> memref<64x128xf32, #tpu.memory_space<vmem>>
      %dma_wait3A_341 = arith.constant 0 : i32
      %dma_wait3A_342 = tpu.memref_slice %arg7[%add3A_334, %dma_wait3A_341] : memref<40x64xi32, #tpu.memory_space<vmem>> -> memref<1x64xi32, #tpu.memory_space<vmem>>
      %dma_wait3A_343 = tpu.memref_squeeze %dma_wait3A_342 : memref<1x64xi32, #tpu.memory_space<vmem>> -> memref<64xi32, #tpu.memory_space<vmem>>
      %dma_wait3A_344 = arith.constant 0 : i32
      %dma_wait3A_345 = arith.constant 0 : i32
      %dma_wait3A_346 = tpu.memref_slice %arg2[%dma_wait3A_344, %dma_wait3A_345] : memref<20000x128xf32, #tpu.memory_space<hbm>> -> memref<20000x128xf32, #tpu.memory_space<hbm>>
      %dma_wait3A_347 = tpu.memref_slice %arg10[%dma_wait3A_336] : memref<4x!tpu.dma_semaphore, #tpu.memory_space<semaphore_mem>> -> memref<1x!tpu.dma_semaphore, #tpu.memory_space<semaphore_mem>>
      %dma_wait3A_348 = tpu.memref_squeeze %dma_wait3A_347 : memref<1x!tpu.dma_semaphore, #tpu.memory_space<semaphore_mem>> -> memref<!tpu.dma_semaphore, #tpu.memory_space<semaphore_mem>>
      tpu.wait_indirect_dma semaphore(%dma_wait3A_348 : memref<!tpu.dma_semaphore, #tpu.memory_space<semaphore_mem>>) src(%dma_wait3A_346 : memref<20000x128xf32, #tpu.memory_space<hbm>>) dst(%dma_wait3A_340 : memref<64x128xf32, #tpu.memory_space<vmem>>)
      %add3A_349 = arith.constant 4 : i32
      %add3A_350 = arith.addi %add3A_334, %add3A_349 : i32
      %sub3A_351 = arith.constant 1 : i32
      %sub3A_352 = arith.subi %add3A_350, %sub3A_351 : i32
      %lt3A_353 = arith.constant 40 : i32
      %lt3A_354 = arith.cmpi slt, %sub3A_352, %lt3A_353 : i32
      %convert_element_type3A_355 = arith.extui %lt3A_354 : i1 to i32
      %cond3A_356 = arith.constant 0 : i32
      %cond3A_357 = arith.cmpi ne, %convert_element_type3A_355, %cond3A_356 : i32
      scf.if %cond3A_357 {
        %add3A_359 = arith.constant 4 : i32
        %add3A_360 = arith.addi %add3A_334, %add3A_359 : i32
        %sub3A_361 = arith.constant 1 : i32
        %sub3A_362 = arith.subi %add3A_360, %sub3A_361 : i32
        %dma_start3A_363 = arith.constant 2 : i32
        %dma_start3A_364 = arith.constant 2 : i32
        %dma_start3A_365 = arith.constant 0 : i32
        %dma_start3A_366 = arith.constant 0 : i32
        %dma_start3A_367 = tpu.memref_slice %arg9[%dma_start3A_363, %dma_start3A_365, %dma_start3A_366] : memref<4x64x128xf32, #tpu.memory_space<vmem>> -> memref<1x64x128xf32, #tpu.memory_space<vmem>>
        %dma_start3A_368 = tpu.memref_squeeze %dma_start3A_367 : memref<1x64x128xf32, #tpu.memory_space<vmem>> -> memref<64x128xf32, #tpu.memory_space<vmem>>
        %dma_start3A_369 = arith.constant 0 : i32
        %dma_start3A_370 = tpu.memref_slice %arg7[%sub3A_362, %dma_start3A_369] : memref<40x64xi32, #tpu.memory_space<vmem>> -> memref<1x64xi32, #tpu.memory_space<vmem>>
        %dma_start3A_371 = tpu.memref_squeeze %dma_start3A_370 : memref<1x64xi32, #tpu.memory_space<vmem>> -> memref<64xi32, #tpu.memory_space<vmem>>
        %dma_start3A_372 = arith.constant 0 : i32
        %dma_start3A_373 = arith.constant 0 : i32
        %dma_start3A_374 = tpu.memref_slice %arg2[%dma_start3A_372, %dma_start3A_373] : memref<20000x128xf32, #tpu.memory_space<hbm>> -> memref<20000x128xf32, #tpu.memory_space<hbm>>
        %dma_start3A_375 = tpu.memref_slice %arg10[%dma_start3A_364] : memref<4x!tpu.dma_semaphore, #tpu.memory_space<semaphore_mem>> -> memref<1x!tpu.dma_semaphore, #tpu.memory_space<semaphore_mem>>
        %dma_start3A_376 = tpu.memref_squeeze %dma_start3A_375 : memref<1x!tpu.dma_semaphore, #tpu.memory_space<semaphore_mem>> -> memref<!tpu.dma_semaphore, #tpu.memory_space<semaphore_mem>>
        tpu.enqueue_indirect_dma source(%dma_start3A_374 : memref<20000x128xf32, #tpu.memory_space<hbm>>) target(%dma_start3A_368 : memref<64x128xf32, #tpu.memory_space<vmem>>) offsets(%dma_start3A_371 : memref<64xi32, #tpu.memory_space<vmem>>) semaphore(%dma_start3A_376 : memref<!tpu.dma_semaphore, #tpu.memory_space<semaphore_mem>>)
      } else {
      }
      %run_scoped3A_358 = arith.constant 3 : i32
      "tpu.region"() ({
        %run_scoped3A_359 = tpu.sem_alloc : memref<!tpu.dma_semaphore, #tpu.memory_space<semaphore_mem>>
        %dma_start3A_360 = arith.constant 0 : i32
        %dma_start3A_361 = arith.constant 0 : i32
        %dma_start3A_362 = tpu.memref_slice %arg9[%run_scoped3A_358, %dma_start3A_360, %dma_start3A_361] : memref<4x64x128xf32, #tpu.memory_space<vmem>> -> memref<1x64x128xf32, #tpu.memory_space<vmem>>
        %dma_start3A_363 = tpu.memref_squeeze %dma_start3A_362 : memref<1x64x128xf32, #tpu.memory_space<vmem>> -> memref<64x128xf32, #tpu.memory_space<vmem>>
        %dma_start3A_364 = arith.constant 0 : i32
        %dma_start3A_365 = tpu.memref_slice %arg8[%add3A_334, %dma_start3A_364] : memref<40x64xi32, #tpu.memory_space<vmem>> -> memref<1x64xi32, #tpu.memory_space<vmem>>
        %dma_start3A_366 = tpu.memref_squeeze %dma_start3A_365 : memref<1x64xi32, #tpu.memory_space<vmem>> -> memref<64xi32, #tpu.memory_space<vmem>>
        %dma_start3A_367 = arith.constant 0 : i32
        %dma_start3A_368 = arith.constant 0 : i32
        %dma_start3A_369 = tpu.memref_slice %arg6[%dma_start3A_367, %dma_start3A_368] : memref<10008x128xf32, #tpu.memory_space<vmem_shared>> -> memref<10008x128xf32, #tpu.memory_space<vmem_shared>>
        tpu.enqueue_indirect_dma source(%dma_start3A_363 : memref<64x128xf32, #tpu.memory_space<vmem>>) target(%dma_start3A_369 : memref<10008x128xf32, #tpu.memory_space<vmem_shared>>) offsets(%dma_start3A_366 : memref<64xi32, #tpu.memory_space<vmem>>) semaphore(%run_scoped3A_359 : memref<!tpu.dma_semaphore, #tpu.memory_space<semaphore_mem>>) {add = true}
        %dma_wait3A_370 = arith.constant 0 : i32
        %dma_wait3A_371 = arith.constant 0 : i32
        %dma_wait3A_372 = tpu.memref_slice %arg9[%run_scoped3A_358, %dma_wait3A_370, %dma_wait3A_371] : memref<4x64x128xf32, #tpu.memory_space<vmem>> -> memref<1x64x128xf32, #tpu.memory_space<vmem>>
        %dma_wait3A_373 = tpu.memref_squeeze %dma_wait3A_372 : memref<1x64x128xf32, #tpu.memory_space<vmem>> -> memref<64x128xf32, #tpu.memory_space<vmem>>
        %dma_wait3A_374 = arith.constant 0 : i32
        %dma_wait3A_375 = tpu.memref_slice %arg8[%add3A_334, %dma_wait3A_374] : memref<40x64xi32, #tpu.memory_space<vmem>> -> memref<1x64xi32, #tpu.memory_space<vmem>>
        %dma_wait3A_376 = tpu.memref_squeeze %dma_wait3A_375 : memref<1x64xi32, #tpu.memory_space<vmem>> -> memref<64xi32, #tpu.memory_space<vmem>>
        %dma_wait3A_377 = arith.constant 0 : i32
        %dma_wait3A_378 = arith.constant 0 : i32
        %dma_wait3A_379 = tpu.memref_slice %arg6[%dma_wait3A_377, %dma_wait3A_378] : memref<10008x128xf32, #tpu.memory_space<vmem_shared>> -> memref<10008x128xf32, #tpu.memory_space<vmem_shared>>
        tpu.wait_indirect_dma semaphore(%run_scoped3A_359 : memref<!tpu.dma_semaphore, #tpu.memory_space<semaphore_mem>>) src(%dma_wait3A_373 : memref<64x128xf32, #tpu.memory_space<vmem>>) dst(%dma_wait3A_379 : memref<10008x128xf32, #tpu.memory_space<vmem_shared>>)
        tpu.yield
      }) : () -> ()
    }
    %scan3A_120 = arith.constant 10 : i32
    %mul3A_121 = arith.constant 2560 : i32
    %mul3A_122 = arith.muli %arg0, %mul3A_121 : i32
    %mul3A_123 = arith.constant 160 : i32
    %mul3A_124 = arith.muli %arg1, %mul3A_123 : i32
    %add3A_125 = arith.addi %mul3A_122, %mul3A_124 : i32
    %add3A_126 = arith.constant 80 : i32
    %add3A_127 = arith.addi %add3A_125, %add3A_126 : i32
    "tpu.region"() ({
      %run_scoped3A = tpu.sem_alloc : memref<!tpu.dma_semaphore, #tpu.memory_space<semaphore_mem>>
      %dma_start3A_254 = arith.constant 0 : i32
      %dma_start3A_255 = tpu.memref_slice %arg3[%add3A_127, %dma_start3A_254] : memref<5120x64xi32, #tpu.memory_space<hbm>> -> memref<40x64xi32, #tpu.memory_space<hbm>>
      %dma_start3A_256 = arith.constant 0 : i32
      %dma_start3A_257 = tpu.memref_slice %arg3[%add3A_127, %dma_start3A_256] : memref<5120x64xi32, #tpu.memory_space<hbm>> -> memref<40x64xi32, #tpu.memory_space<hbm>>
      tpu.enqueue_dma source(%dma_start3A_257 : memref<40x64xi32, #tpu.memory_space<hbm>>) target(%arg7 : memref<40x64xi32, #tpu.memory_space<vmem>>) target_semaphore(%run_scoped3A : memref<!tpu.dma_semaphore, #tpu.memory_space<semaphore_mem>>)
      %dma_wait3A = arith.constant 0 : i32
      %dma_wait3A_258 = tpu.memref_slice %arg3[%add3A_127, %dma_wait3A] : memref<5120x64xi32, #tpu.memory_space<hbm>> -> memref<40x64xi32, #tpu.memory_space<hbm>>
      %dma_wait3A_259 = arith.constant 0 : i32
      %dma_wait3A_260 = tpu.memref_slice %arg3[%add3A_127, %dma_wait3A_259] : memref<5120x64xi32, #tpu.memory_space<hbm>> -> memref<40x64xi32, #tpu.memory_space<hbm>>
      tpu.wait_dma2 semaphore(%run_scoped3A : memref<!tpu.dma_semaphore, #tpu.memory_space<semaphore_mem>>) src(%dma_wait3A_260 : memref<40x64xi32, #tpu.memory_space<hbm>>) dst(%arg7 : memref<40x64xi32, #tpu.memory_space<vmem>>)
      tpu.yield
    }) : () -> ()
    %mul3A_128 = arith.constant 160 : i32
    %mul3A_129 = arith.muli %arg1, %mul3A_128 : i32
    %add3A_130 = arith.constant 80 : i32
    %add3A_131 = arith.addi %mul3A_129, %add3A_130 : i32
    "tpu.region"() ({
      %run_scoped3A = tpu.sem_alloc : memref<!tpu.dma_semaphore, #tpu.memory_space<semaphore_mem>>
      %dma_start3A_254 = arith.constant 0 : i32
      %dma_start3A_255 = tpu.memref_slice %arg4[%add3A_131, %dma_start3A_254] : memref<2560x64xi32, #tpu.memory_space<hbm>> -> memref<40x64xi32, #tpu.memory_space<hbm>>
      %dma_start3A_256 = arith.constant 0 : i32
      %dma_start3A_257 = tpu.memref_slice %arg4[%add3A_131, %dma_start3A_256] : memref<2560x64xi32, #tpu.memory_space<hbm>> -> memref<40x64xi32, #tpu.memory_space<hbm>>
      tpu.enqueue_dma source(%dma_start3A_257 : memref<40x64xi32, #tpu.memory_space<hbm>>) target(%arg8 : memref<40x64xi32, #tpu.memory_space<vmem>>) target_semaphore(%run_scoped3A : memref<!tpu.dma_semaphore, #tpu.memory_space<semaphore_mem>>)
      %dma_wait3A = arith.constant 0 : i32
      %dma_wait3A_258 = tpu.memref_slice %arg4[%add3A_131, %dma_wait3A] : memref<2560x64xi32, #tpu.memory_space<hbm>> -> memref<40x64xi32, #tpu.memory_space<hbm>>
      %dma_wait3A_259 = arith.constant 0 : i32
      %dma_wait3A_260 = tpu.memref_slice %arg4[%add3A_131, %dma_wait3A_259] : memref<2560x64xi32, #tpu.memory_space<hbm>> -> memref<40x64xi32, #tpu.memory_space<hbm>>
      tpu.wait_dma2 semaphore(%run_scoped3A : memref<!tpu.dma_semaphore, #tpu.memory_space<semaphore_mem>>) src(%dma_wait3A_260 : memref<40x64xi32, #tpu.memory_space<hbm>>) dst(%arg8 : memref<40x64xi32, #tpu.memory_space<vmem>>)
      tpu.yield
    }) : () -> ()
    %dma_start3A_132 = arith.constant 0 : i32
    %dma_start3A_133 = arith.constant 0 : i32
    %dma_start3A_134 = arith.constant 0 : i32
    %dma_start3A_135 = arith.constant 0 : i32
    %dma_start3A_136 = arith.constant 0 : i32
    %dma_start3A_137 = tpu.memref_slice %arg9[%dma_start3A_133, %dma_start3A_135, %dma_start3A_136] : memref<4x64x128xf32, #tpu.memory_space<vmem>> -> memref<1x64x128xf32, #tpu.memory_space<vmem>>
    %dma_start3A_138 = tpu.memref_squeeze %dma_start3A_137 : memref<1x64x128xf32, #tpu.memory_space<vmem>> -> memref<64x128xf32, #tpu.memory_space<vmem>>
    %dma_start3A_139 = arith.constant 0 : i32
    %dma_start3A_140 = tpu.memref_slice %arg7[%dma_start3A_132, %dma_start3A_139] : memref<40x64xi32, #tpu.memory_space<vmem>> -> memref<1x64xi32, #tpu.memory_space<vmem>>
    %dma_start3A_141 = tpu.memref_squeeze %dma_start3A_140 : memref<1x64xi32, #tpu.memory_space<vmem>> -> memref<64xi32, #tpu.memory_space<vmem>>
    %dma_start3A_142 = arith.constant 0 : i32
    %dma_start3A_143 = arith.constant 0 : i32
    %dma_start3A_144 = tpu.memref_slice %arg2[%dma_start3A_142, %dma_start3A_143] : memref<20000x128xf32, #tpu.memory_space<hbm>> -> memref<20000x128xf32, #tpu.memory_space<hbm>>
    %dma_start3A_145 = tpu.memref_slice %arg10[%dma_start3A_134] : memref<4x!tpu.dma_semaphore, #tpu.memory_space<semaphore_mem>> -> memref<1x!tpu.dma_semaphore, #tpu.memory_space<semaphore_mem>>
    %dma_start3A_146 = tpu.memref_squeeze %dma_start3A_145 : memref<1x!tpu.dma_semaphore, #tpu.memory_space<semaphore_mem>> -> memref<!tpu.dma_semaphore, #tpu.memory_space<semaphore_mem>>
    tpu.enqueue_indirect_dma source(%dma_start3A_144 : memref<20000x128xf32, #tpu.memory_space<hbm>>) target(%dma_start3A_138 : memref<64x128xf32, #tpu.memory_space<vmem>>) offsets(%dma_start3A_141 : memref<64xi32, #tpu.memory_space<vmem>>) semaphore(%dma_start3A_146 : memref<!tpu.dma_semaphore, #tpu.memory_space<semaphore_mem>>)
    %dma_start3A_147 = arith.constant 1 : i32
    %dma_start3A_148 = arith.constant 1 : i32
    %dma_start3A_149 = arith.constant 1 : i32
    %dma_start3A_150 = arith.constant 0 : i32
    %dma_start3A_151 = arith.constant 0 : i32
    %dma_start3A_152 = tpu.memref_slice %arg9[%dma_start3A_148, %dma_start3A_150, %dma_start3A_151] : memref<4x64x128xf32, #tpu.memory_space<vmem>> -> memref<1x64x128xf32, #tpu.memory_space<vmem>>
    %dma_start3A_153 = tpu.memref_squeeze %dma_start3A_152 : memref<1x64x128xf32, #tpu.memory_space<vmem>> -> memref<64x128xf32, #tpu.memory_space<vmem>>
    %dma_start3A_154 = arith.constant 0 : i32
    %dma_start3A_155 = tpu.memref_slice %arg7[%dma_start3A_147, %dma_start3A_154] : memref<40x64xi32, #tpu.memory_space<vmem>> -> memref<1x64xi32, #tpu.memory_space<vmem>>
    %dma_start3A_156 = tpu.memref_squeeze %dma_start3A_155 : memref<1x64xi32, #tpu.memory_space<vmem>> -> memref<64xi32, #tpu.memory_space<vmem>>
    %dma_start3A_157 = arith.constant 0 : i32
    %dma_start3A_158 = arith.constant 0 : i32
    %dma_start3A_159 = tpu.memref_slice %arg2[%dma_start3A_157, %dma_start3A_158] : memref<20000x128xf32, #tpu.memory_space<hbm>> -> memref<20000x128xf32, #tpu.memory_space<hbm>>
    %dma_start3A_160 = tpu.memref_slice %arg10[%dma_start3A_149] : memref<4x!tpu.dma_semaphore, #tpu.memory_space<semaphore_mem>> -> memref<1x!tpu.dma_semaphore, #tpu.memory_space<semaphore_mem>>
    %dma_start3A_161 = tpu.memref_squeeze %dma_start3A_160 : memref<1x!tpu.dma_semaphore, #tpu.memory_space<semaphore_mem>> -> memref<!tpu.dma_semaphore, #tpu.memory_space<semaphore_mem>>
    tpu.enqueue_indirect_dma source(%dma_start3A_159 : memref<20000x128xf32, #tpu.memory_space<hbm>>) target(%dma_start3A_153 : memref<64x128xf32, #tpu.memory_space<vmem>>) offsets(%dma_start3A_156 : memref<64xi32, #tpu.memory_space<vmem>>) semaphore(%dma_start3A_161 : memref<!tpu.dma_semaphore, #tpu.memory_space<semaphore_mem>>)
    %dma_start3A_162 = arith.constant 2 : i32
    %dma_start3A_163 = arith.constant 2 : i32
    %dma_start3A_164 = arith.constant 2 : i32
    %dma_start3A_165 = arith.constant 0 : i32
    %dma_start3A_166 = arith.constant 0 : i32
    %dma_start3A_167 = tpu.memref_slice %arg9[%dma_start3A_163, %dma_start3A_165, %dma_start3A_166] : memref<4x64x128xf32, #tpu.memory_space<vmem>> -> memref<1x64x128xf32, #tpu.memory_space<vmem>>
    %dma_start3A_168 = tpu.memref_squeeze %dma_start3A_167 : memref<1x64x128xf32, #tpu.memory_space<vmem>> -> memref<64x128xf32, #tpu.memory_space<vmem>>
    %dma_start3A_169 = arith.constant 0 : i32
    %dma_start3A_170 = tpu.memref_slice %arg7[%dma_start3A_162, %dma_start3A_169] : memref<40x64xi32, #tpu.memory_space<vmem>> -> memref<1x64xi32, #tpu.memory_space<vmem>>
    %dma_start3A_171 = tpu.memref_squeeze %dma_start3A_170 : memref<1x64xi32, #tpu.memory_space<vmem>> -> memref<64xi32, #tpu.memory_space<vmem>>
    %dma_start3A_172 = arith.constant 0 : i32
    %dma_start3A_173 = arith.constant 0 : i32
    %dma_start3A_174 = tpu.memref_slice %arg2[%dma_start3A_172, %dma_start3A_173] : memref<20000x128xf32, #tpu.memory_space<hbm>> -> memref<20000x128xf32, #tpu.memory_space<hbm>>
    %dma_start3A_175 = tpu.memref_slice %arg10[%dma_start3A_164] : memref<4x!tpu.dma_semaphore, #tpu.memory_space<semaphore_mem>> -> memref<1x!tpu.dma_semaphore, #tpu.memory_space<semaphore_mem>>
    %dma_start3A_176 = tpu.memref_squeeze %dma_start3A_175 : memref<1x!tpu.dma_semaphore, #tpu.memory_space<semaphore_mem>> -> memref<!tpu.dma_semaphore, #tpu.memory_space<semaphore_mem>>
    tpu.enqueue_indirect_dma source(%dma_start3A_174 : memref<20000x128xf32, #tpu.memory_space<hbm>>) target(%dma_start3A_168 : memref<64x128xf32, #tpu.memory_space<vmem>>) offsets(%dma_start3A_171 : memref<64xi32, #tpu.memory_space<vmem>>) semaphore(%dma_start3A_176 : memref<!tpu.dma_semaphore, #tpu.memory_space<semaphore_mem>>)
    %scan3A_177 = arith.constant 0 : i32
    %scan3A_178 = arith.constant 10 : i32
    %scan3A_179 = arith.addi %scan3A_177, %scan3A_178 : i32
    %scan3A_180 = arith.constant 1 : i32
    scf.for %scan3A_254 = %scan3A_177 to %scan3A_179 step %scan3A_180  : i32 {
      %mul3A_255 = arith.constant 4 : i32
      %mul3A_256 = arith.muli %scan3A_254, %mul3A_255 : i32
      %add3A_257 = arith.constant 0 : i32
      %add3A_258 = arith.addi %add3A_257, %mul3A_256 : i32
      %add3A_259 = arith.constant 0 : i32
      %add3A_260 = arith.addi %add3A_258, %add3A_259 : i32
      %dma_wait3A = arith.constant 0 : i32
      %dma_wait3A_261 = arith.constant 0 : i32
      %dma_wait3A_262 = arith.constant 0 : i32
      %dma_wait3A_263 = arith.constant 0 : i32
      %dma_wait3A_264 = tpu.memref_slice %arg9[%dma_wait3A, %dma_wait3A_262, %dma_wait3A_263] : memref<4x64x128xf32, #tpu.memory_space<vmem>> -> memref<1x64x128xf32, #tpu.memory_space<vmem>>
      %dma_wait3A_265 = tpu.memref_squeeze %dma_wait3A_264 : memref<1x64x128xf32, #tpu.memory_space<vmem>> -> memref<64x128xf32, #tpu.memory_space<vmem>>
      %dma_wait3A_266 = arith.constant 0 : i32
      %dma_wait3A_267 = tpu.memref_slice %arg7[%add3A_260, %dma_wait3A_266] : memref<40x64xi32, #tpu.memory_space<vmem>> -> memref<1x64xi32, #tpu.memory_space<vmem>>
      %dma_wait3A_268 = tpu.memref_squeeze %dma_wait3A_267 : memref<1x64xi32, #tpu.memory_space<vmem>> -> memref<64xi32, #tpu.memory_space<vmem>>
      %dma_wait3A_269 = arith.constant 0 : i32
      %dma_wait3A_270 = arith.constant 0 : i32
      %dma_wait3A_271 = tpu.memref_slice %arg2[%dma_wait3A_269, %dma_wait3A_270] : memref<20000x128xf32, #tpu.memory_space<hbm>> -> memref<20000x128xf32, #tpu.memory_space<hbm>>
      %dma_wait3A_272 = tpu.memref_slice %arg10[%dma_wait3A_261] : memref<4x!tpu.dma_semaphore, #tpu.memory_space<semaphore_mem>> -> memref<1x!tpu.dma_semaphore, #tpu.memory_space<semaphore_mem>>
      %dma_wait3A_273 = tpu.memref_squeeze %dma_wait3A_272 : memref<1x!tpu.dma_semaphore, #tpu.memory_space<semaphore_mem>> -> memref<!tpu.dma_semaphore, #tpu.memory_space<semaphore_mem>>
      tpu.wait_indirect_dma semaphore(%dma_wait3A_273 : memref<!tpu.dma_semaphore, #tpu.memory_space<semaphore_mem>>) src(%dma_wait3A_271 : memref<20000x128xf32, #tpu.memory_space<hbm>>) dst(%dma_wait3A_265 : memref<64x128xf32, #tpu.memory_space<vmem>>)
      %add3A_274 = arith.constant 4 : i32
      %add3A_275 = arith.addi %add3A_260, %add3A_274 : i32
      %sub3A = arith.constant 1 : i32
      %sub3A_276 = arith.subi %add3A_275, %sub3A : i32
      %lt3A = arith.constant 40 : i32
      %lt3A_277 = arith.cmpi slt, %sub3A_276, %lt3A : i32
      %convert_element_type3A_278 = arith.extui %lt3A_277 : i1 to i32
      %cond3A_279 = arith.constant 0 : i32
      %cond3A_280 = arith.cmpi ne, %convert_element_type3A_278, %cond3A_279 : i32
      scf.if %cond3A_280 {
        %add3A_359 = arith.constant 4 : i32
        %add3A_360 = arith.addi %add3A_260, %add3A_359 : i32
        %sub3A_361 = arith.constant 1 : i32
        %sub3A_362 = arith.subi %add3A_360, %sub3A_361 : i32
        %dma_start3A_363 = arith.constant 3 : i32
        %dma_start3A_364 = arith.constant 3 : i32
        %dma_start3A_365 = arith.constant 0 : i32
        %dma_start3A_366 = arith.constant 0 : i32
        %dma_start3A_367 = tpu.memref_slice %arg9[%dma_start3A_363, %dma_start3A_365, %dma_start3A_366] : memref<4x64x128xf32, #tpu.memory_space<vmem>> -> memref<1x64x128xf32, #tpu.memory_space<vmem>>
        %dma_start3A_368 = tpu.memref_squeeze %dma_start3A_367 : memref<1x64x128xf32, #tpu.memory_space<vmem>> -> memref<64x128xf32, #tpu.memory_space<vmem>>
        %dma_start3A_369 = arith.constant 0 : i32
        %dma_start3A_370 = tpu.memref_slice %arg7[%sub3A_362, %dma_start3A_369] : memref<40x64xi32, #tpu.memory_space<vmem>> -> memref<1x64xi32, #tpu.memory_space<vmem>>
        %dma_start3A_371 = tpu.memref_squeeze %dma_start3A_370 : memref<1x64xi32, #tpu.memory_space<vmem>> -> memref<64xi32, #tpu.memory_space<vmem>>
        %dma_start3A_372 = arith.constant 0 : i32
        %dma_start3A_373 = arith.constant 0 : i32
        %dma_start3A_374 = tpu.memref_slice %arg2[%dma_start3A_372, %dma_start3A_373] : memref<20000x128xf32, #tpu.memory_space<hbm>> -> memref<20000x128xf32, #tpu.memory_space<hbm>>
        %dma_start3A_375 = tpu.memref_slice %arg10[%dma_start3A_364] : memref<4x!tpu.dma_semaphore, #tpu.memory_space<semaphore_mem>> -> memref<1x!tpu.dma_semaphore, #tpu.memory_space<semaphore_mem>>
        %dma_start3A_376 = tpu.memref_squeeze %dma_start3A_375 : memref<1x!tpu.dma_semaphore, #tpu.memory_space<semaphore_mem>> -> memref<!tpu.dma_semaphore, #tpu.memory_space<semaphore_mem>>
        tpu.enqueue_indirect_dma source(%dma_start3A_374 : memref<20000x128xf32, #tpu.memory_space<hbm>>) target(%dma_start3A_368 : memref<64x128xf32, #tpu.memory_space<vmem>>) offsets(%dma_start3A_371 : memref<64xi32, #tpu.memory_space<vmem>>) semaphore(%dma_start3A_376 : memref<!tpu.dma_semaphore, #tpu.memory_space<semaphore_mem>>)
      } else {
      }
      %run_scoped3A = arith.constant 0 : i32
      "tpu.region"() ({
        %run_scoped3A_359 = tpu.sem_alloc : memref<!tpu.dma_semaphore, #tpu.memory_space<semaphore_mem>>
        %dma_start3A_360 = arith.constant 0 : i32
        %dma_start3A_361 = arith.constant 0 : i32
        %dma_start3A_362 = tpu.memref_slice %arg9[%run_scoped3A, %dma_start3A_360, %dma_start3A_361] : memref<4x64x128xf32, #tpu.memory_space<vmem>> -> memref<1x64x128xf32, #tpu.memory_space<vmem>>
        %dma_start3A_363 = tpu.memref_squeeze %dma_start3A_362 : memref<1x64x128xf32, #tpu.memory_space<vmem>> -> memref<64x128xf32, #tpu.memory_space<vmem>>
        %dma_start3A_364 = arith.constant 0 : i32
        %dma_start3A_365 = tpu.memref_slice %arg8[%add3A_260, %dma_start3A_364] : memref<40x64xi32, #tpu.memory_space<vmem>> -> memref<1x64xi32, #tpu.memory_space<vmem>>
        %dma_start3A_366 = tpu.memref_squeeze %dma_start3A_365 : memref<1x64xi32, #tpu.memory_space<vmem>> -> memref<64xi32, #tpu.memory_space<vmem>>
        %dma_start3A_367 = arith.constant 0 : i32
        %dma_start3A_368 = arith.constant 0 : i32
        %dma_start3A_369 = tpu.memref_slice %arg6[%dma_start3A_367, %dma_start3A_368] : memref<10008x128xf32, #tpu.memory_space<vmem_shared>> -> memref<10008x128xf32, #tpu.memory_space<vmem_shared>>
        tpu.enqueue_indirect_dma source(%dma_start3A_363 : memref<64x128xf32, #tpu.memory_space<vmem>>) target(%dma_start3A_369 : memref<10008x128xf32, #tpu.memory_space<vmem_shared>>) offsets(%dma_start3A_366 : memref<64xi32, #tpu.memory_space<vmem>>) semaphore(%run_scoped3A_359 : memref<!tpu.dma_semaphore, #tpu.memory_space<semaphore_mem>>) {add = true}
        %dma_wait3A_370 = arith.constant 0 : i32
        %dma_wait3A_371 = arith.constant 0 : i32
        %dma_wait3A_372 = tpu.memref_slice %arg9[%run_scoped3A, %dma_wait3A_370, %dma_wait3A_371] : memref<4x64x128xf32, #tpu.memory_space<vmem>> -> memref<1x64x128xf32, #tpu.memory_space<vmem>>
        %dma_wait3A_373 = tpu.memref_squeeze %dma_wait3A_372 : memref<1x64x128xf32, #tpu.memory_space<vmem>> -> memref<64x128xf32, #tpu.memory_space<vmem>>
        %dma_wait3A_374 = arith.constant 0 : i32
        %dma_wait3A_375 = tpu.memref_slice %arg8[%add3A_260, %dma_wait3A_374] : memref<40x64xi32, #tpu.memory_space<vmem>> -> memref<1x64xi32, #tpu.memory_space<vmem>>
        %dma_wait3A_376 = tpu.memref_squeeze %dma_wait3A_375 : memref<1x64xi32, #tpu.memory_space<vmem>> -> memref<64xi32, #tpu.memory_space<vmem>>
        %dma_wait3A_377 = arith.constant 0 : i32
        %dma_wait3A_378 = arith.constant 0 : i32
        %dma_wait3A_379 = tpu.memref_slice %arg6[%dma_wait3A_377, %dma_wait3A_378] : memref<10008x128xf32, #tpu.memory_space<vmem_shared>> -> memref<10008x128xf32, #tpu.memory_space<vmem_shared>>
        tpu.wait_indirect_dma semaphore(%run_scoped3A_359 : memref<!tpu.dma_semaphore, #tpu.memory_space<semaphore_mem>>) src(%dma_wait3A_373 : memref<64x128xf32, #tpu.memory_space<vmem>>) dst(%dma_wait3A_379 : memref<10008x128xf32, #tpu.memory_space<vmem_shared>>)
        tpu.yield
      }) : () -> ()
      %add3A_281 = arith.constant 1 : i32
      %add3A_282 = arith.addi %add3A_258, %add3A_281 : i32
      %dma_wait3A_283 = arith.constant 1 : i32
      %dma_wait3A_284 = arith.constant 1 : i32
      %dma_wait3A_285 = arith.constant 0 : i32
      %dma_wait3A_286 = arith.constant 0 : i32
      %dma_wait3A_287 = tpu.memref_slice %arg9[%dma_wait3A_283, %dma_wait3A_285, %dma_wait3A_286] : memref<4x64x128xf32, #tpu.memory_space<vmem>> -> memref<1x64x128xf32, #tpu.memory_space<vmem>>
      %dma_wait3A_288 = tpu.memref_squeeze %dma_wait3A_287 : memref<1x64x128xf32, #tpu.memory_space<vmem>> -> memref<64x128xf32, #tpu.memory_space<vmem>>
      %dma_wait3A_289 = arith.constant 0 : i32
      %dma_wait3A_290 = tpu.memref_slice %arg7[%add3A_282, %dma_wait3A_289] : memref<40x64xi32, #tpu.memory_space<vmem>> -> memref<1x64xi32, #tpu.memory_space<vmem>>
      %dma_wait3A_291 = tpu.memref_squeeze %dma_wait3A_290 : memref<1x64xi32, #tpu.memory_space<vmem>> -> memref<64xi32, #tpu.memory_space<vmem>>
      %dma_wait3A_292 = arith.constant 0 : i32
      %dma_wait3A_293 = arith.constant 0 : i32
      %dma_wait3A_294 = tpu.memref_slice %arg2[%dma_wait3A_292, %dma_wait3A_293] : memref<20000x128xf32, #tpu.memory_space<hbm>> -> memref<20000x128xf32, #tpu.memory_space<hbm>>
      %dma_wait3A_295 = tpu.memref_slice %arg10[%dma_wait3A_284] : memref<4x!tpu.dma_semaphore, #tpu.memory_space<semaphore_mem>> -> memref<1x!tpu.dma_semaphore, #tpu.memory_space<semaphore_mem>>
      %dma_wait3A_296 = tpu.memref_squeeze %dma_wait3A_295 : memref<1x!tpu.dma_semaphore, #tpu.memory_space<semaphore_mem>> -> memref<!tpu.dma_semaphore, #tpu.memory_space<semaphore_mem>>
      tpu.wait_indirect_dma semaphore(%dma_wait3A_296 : memref<!tpu.dma_semaphore, #tpu.memory_space<semaphore_mem>>) src(%dma_wait3A_294 : memref<20000x128xf32, #tpu.memory_space<hbm>>) dst(%dma_wait3A_288 : memref<64x128xf32, #tpu.memory_space<vmem>>)
      %add3A_297 = arith.constant 4 : i32
      %add3A_298 = arith.addi %add3A_282, %add3A_297 : i32
      %sub3A_299 = arith.constant 1 : i32
      %sub3A_300 = arith.subi %add3A_298, %sub3A_299 : i32
      %lt3A_301 = arith.constant 40 : i32
      %lt3A_302 = arith.cmpi slt, %sub3A_300, %lt3A_301 : i32
      %convert_element_type3A_303 = arith.extui %lt3A_302 : i1 to i32
      %cond3A_304 = arith.constant 0 : i32
      %cond3A_305 = arith.cmpi ne, %convert_element_type3A_303, %cond3A_304 : i32
      scf.if %cond3A_305 {
        %add3A_359 = arith.constant 4 : i32
        %add3A_360 = arith.addi %add3A_282, %add3A_359 : i32
        %sub3A_361 = arith.constant 1 : i32
        %sub3A_362 = arith.subi %add3A_360, %sub3A_361 : i32
        %dma_start3A_363 = arith.constant 0 : i32
        %dma_start3A_364 = arith.constant 0 : i32
        %dma_start3A_365 = arith.constant 0 : i32
        %dma_start3A_366 = arith.constant 0 : i32
        %dma_start3A_367 = tpu.memref_slice %arg9[%dma_start3A_363, %dma_start3A_365, %dma_start3A_366] : memref<4x64x128xf32, #tpu.memory_space<vmem>> -> memref<1x64x128xf32, #tpu.memory_space<vmem>>
        %dma_start3A_368 = tpu.memref_squeeze %dma_start3A_367 : memref<1x64x128xf32, #tpu.memory_space<vmem>> -> memref<64x128xf32, #tpu.memory_space<vmem>>
        %dma_start3A_369 = arith.constant 0 : i32
        %dma_start3A_370 = tpu.memref_slice %arg7[%sub3A_362, %dma_start3A_369] : memref<40x64xi32, #tpu.memory_space<vmem>> -> memref<1x64xi32, #tpu.memory_space<vmem>>
        %dma_start3A_371 = tpu.memref_squeeze %dma_start3A_370 : memref<1x64xi32, #tpu.memory_space<vmem>> -> memref<64xi32, #tpu.memory_space<vmem>>
        %dma_start3A_372 = arith.constant 0 : i32
        %dma_start3A_373 = arith.constant 0 : i32
        %dma_start3A_374 = tpu.memref_slice %arg2[%dma_start3A_372, %dma_start3A_373] : memref<20000x128xf32, #tpu.memory_space<hbm>> -> memref<20000x128xf32, #tpu.memory_space<hbm>>
        %dma_start3A_375 = tpu.memref_slice %arg10[%dma_start3A_364] : memref<4x!tpu.dma_semaphore, #tpu.memory_space<semaphore_mem>> -> memref<1x!tpu.dma_semaphore, #tpu.memory_space<semaphore_mem>>
        %dma_start3A_376 = tpu.memref_squeeze %dma_start3A_375 : memref<1x!tpu.dma_semaphore, #tpu.memory_space<semaphore_mem>> -> memref<!tpu.dma_semaphore, #tpu.memory_space<semaphore_mem>>
        tpu.enqueue_indirect_dma source(%dma_start3A_374 : memref<20000x128xf32, #tpu.memory_space<hbm>>) target(%dma_start3A_368 : memref<64x128xf32, #tpu.memory_space<vmem>>) offsets(%dma_start3A_371 : memref<64xi32, #tpu.memory_space<vmem>>) semaphore(%dma_start3A_376 : memref<!tpu.dma_semaphore, #tpu.memory_space<semaphore_mem>>)
      } else {
      }
      %run_scoped3A_306 = arith.constant 1 : i32
      "tpu.region"() ({
        %run_scoped3A_359 = tpu.sem_alloc : memref<!tpu.dma_semaphore, #tpu.memory_space<semaphore_mem>>
        %dma_start3A_360 = arith.constant 0 : i32
        %dma_start3A_361 = arith.constant 0 : i32
        %dma_start3A_362 = tpu.memref_slice %arg9[%run_scoped3A_306, %dma_start3A_360, %dma_start3A_361] : memref<4x64x128xf32, #tpu.memory_space<vmem>> -> memref<1x64x128xf32, #tpu.memory_space<vmem>>
        %dma_start3A_363 = tpu.memref_squeeze %dma_start3A_362 : memref<1x64x128xf32, #tpu.memory_space<vmem>> -> memref<64x128xf32, #tpu.memory_space<vmem>>
        %dma_start3A_364 = arith.constant 0 : i32
        %dma_start3A_365 = tpu.memref_slice %arg8[%add3A_282, %dma_start3A_364] : memref<40x64xi32, #tpu.memory_space<vmem>> -> memref<1x64xi32, #tpu.memory_space<vmem>>
        %dma_start3A_366 = tpu.memref_squeeze %dma_start3A_365 : memref<1x64xi32, #tpu.memory_space<vmem>> -> memref<64xi32, #tpu.memory_space<vmem>>
        %dma_start3A_367 = arith.constant 0 : i32
        %dma_start3A_368 = arith.constant 0 : i32
        %dma_start3A_369 = tpu.memref_slice %arg6[%dma_start3A_367, %dma_start3A_368] : memref<10008x128xf32, #tpu.memory_space<vmem_shared>> -> memref<10008x128xf32, #tpu.memory_space<vmem_shared>>
        tpu.enqueue_indirect_dma source(%dma_start3A_363 : memref<64x128xf32, #tpu.memory_space<vmem>>) target(%dma_start3A_369 : memref<10008x128xf32, #tpu.memory_space<vmem_shared>>) offsets(%dma_start3A_366 : memref<64xi32, #tpu.memory_space<vmem>>) semaphore(%run_scoped3A_359 : memref<!tpu.dma_semaphore, #tpu.memory_space<semaphore_mem>>) {add = true}
        %dma_wait3A_370 = arith.constant 0 : i32
        %dma_wait3A_371 = arith.constant 0 : i32
        %dma_wait3A_372 = tpu.memref_slice %arg9[%run_scoped3A_306, %dma_wait3A_370, %dma_wait3A_371] : memref<4x64x128xf32, #tpu.memory_space<vmem>> -> memref<1x64x128xf32, #tpu.memory_space<vmem>>
        %dma_wait3A_373 = tpu.memref_squeeze %dma_wait3A_372 : memref<1x64x128xf32, #tpu.memory_space<vmem>> -> memref<64x128xf32, #tpu.memory_space<vmem>>
        %dma_wait3A_374 = arith.constant 0 : i32
        %dma_wait3A_375 = tpu.memref_slice %arg8[%add3A_282, %dma_wait3A_374] : memref<40x64xi32, #tpu.memory_space<vmem>> -> memref<1x64xi32, #tpu.memory_space<vmem>>
        %dma_wait3A_376 = tpu.memref_squeeze %dma_wait3A_375 : memref<1x64xi32, #tpu.memory_space<vmem>> -> memref<64xi32, #tpu.memory_space<vmem>>
        %dma_wait3A_377 = arith.constant 0 : i32
        %dma_wait3A_378 = arith.constant 0 : i32
        %dma_wait3A_379 = tpu.memref_slice %arg6[%dma_wait3A_377, %dma_wait3A_378] : memref<10008x128xf32, #tpu.memory_space<vmem_shared>> -> memref<10008x128xf32, #tpu.memory_space<vmem_shared>>
        tpu.wait_indirect_dma semaphore(%run_scoped3A_359 : memref<!tpu.dma_semaphore, #tpu.memory_space<semaphore_mem>>) src(%dma_wait3A_373 : memref<64x128xf32, #tpu.memory_space<vmem>>) dst(%dma_wait3A_379 : memref<10008x128xf32, #tpu.memory_space<vmem_shared>>)
        tpu.yield
      }) : () -> ()
      %add3A_307 = arith.constant 2 : i32
      %add3A_308 = arith.addi %add3A_258, %add3A_307 : i32
      %dma_wait3A_309 = arith.constant 2 : i32
      %dma_wait3A_310 = arith.constant 2 : i32
      %dma_wait3A_311 = arith.constant 0 : i32
      %dma_wait3A_312 = arith.constant 0 : i32
      %dma_wait3A_313 = tpu.memref_slice %arg9[%dma_wait3A_309, %dma_wait3A_311, %dma_wait3A_312] : memref<4x64x128xf32, #tpu.memory_space<vmem>> -> memref<1x64x128xf32, #tpu.memory_space<vmem>>
      %dma_wait3A_314 = tpu.memref_squeeze %dma_wait3A_313 : memref<1x64x128xf32, #tpu.memory_space<vmem>> -> memref<64x128xf32, #tpu.memory_space<vmem>>
      %dma_wait3A_315 = arith.constant 0 : i32
      %dma_wait3A_316 = tpu.memref_slice %arg7[%add3A_308, %dma_wait3A_315] : memref<40x64xi32, #tpu.memory_space<vmem>> -> memref<1x64xi32, #tpu.memory_space<vmem>>
      %dma_wait3A_317 = tpu.memref_squeeze %dma_wait3A_316 : memref<1x64xi32, #tpu.memory_space<vmem>> -> memref<64xi32, #tpu.memory_space<vmem>>
      %dma_wait3A_318 = arith.constant 0 : i32
      %dma_wait3A_319 = arith.constant 0 : i32
      %dma_wait3A_320 = tpu.memref_slice %arg2[%dma_wait3A_318, %dma_wait3A_319] : memref<20000x128xf32, #tpu.memory_space<hbm>> -> memref<20000x128xf32, #tpu.memory_space<hbm>>
      %dma_wait3A_321 = tpu.memref_slice %arg10[%dma_wait3A_310] : memref<4x!tpu.dma_semaphore, #tpu.memory_space<semaphore_mem>> -> memref<1x!tpu.dma_semaphore, #tpu.memory_space<semaphore_mem>>
      %dma_wait3A_322 = tpu.memref_squeeze %dma_wait3A_321 : memref<1x!tpu.dma_semaphore, #tpu.memory_space<semaphore_mem>> -> memref<!tpu.dma_semaphore, #tpu.memory_space<semaphore_mem>>
      tpu.wait_indirect_dma semaphore(%dma_wait3A_322 : memref<!tpu.dma_semaphore, #tpu.memory_space<semaphore_mem>>) src(%dma_wait3A_320 : memref<20000x128xf32, #tpu.memory_space<hbm>>) dst(%dma_wait3A_314 : memref<64x128xf32, #tpu.memory_space<vmem>>)
      %add3A_323 = arith.constant 4 : i32
      %add3A_324 = arith.addi %add3A_308, %add3A_323 : i32
      %sub3A_325 = arith.constant 1 : i32
      %sub3A_326 = arith.subi %add3A_324, %sub3A_325 : i32
      %lt3A_327 = arith.constant 40 : i32
      %lt3A_328 = arith.cmpi slt, %sub3A_326, %lt3A_327 : i32
      %convert_element_type3A_329 = arith.extui %lt3A_328 : i1 to i32
      %cond3A_330 = arith.constant 0 : i32
      %cond3A_331 = arith.cmpi ne, %convert_element_type3A_329, %cond3A_330 : i32
      scf.if %cond3A_331 {
        %add3A_359 = arith.constant 4 : i32
        %add3A_360 = arith.addi %add3A_308, %add3A_359 : i32
        %sub3A_361 = arith.constant 1 : i32
        %sub3A_362 = arith.subi %add3A_360, %sub3A_361 : i32
        %dma_start3A_363 = arith.constant 1 : i32
        %dma_start3A_364 = arith.constant 1 : i32
        %dma_start3A_365 = arith.constant 0 : i32
        %dma_start3A_366 = arith.constant 0 : i32
        %dma_start3A_367 = tpu.memref_slice %arg9[%dma_start3A_363, %dma_start3A_365, %dma_start3A_366] : memref<4x64x128xf32, #tpu.memory_space<vmem>> -> memref<1x64x128xf32, #tpu.memory_space<vmem>>
        %dma_start3A_368 = tpu.memref_squeeze %dma_start3A_367 : memref<1x64x128xf32, #tpu.memory_space<vmem>> -> memref<64x128xf32, #tpu.memory_space<vmem>>
        %dma_start3A_369 = arith.constant 0 : i32
        %dma_start3A_370 = tpu.memref_slice %arg7[%sub3A_362, %dma_start3A_369] : memref<40x64xi32, #tpu.memory_space<vmem>> -> memref<1x64xi32, #tpu.memory_space<vmem>>
        %dma_start3A_371 = tpu.memref_squeeze %dma_start3A_370 : memref<1x64xi32, #tpu.memory_space<vmem>> -> memref<64xi32, #tpu.memory_space<vmem>>
        %dma_start3A_372 = arith.constant 0 : i32
        %dma_start3A_373 = arith.constant 0 : i32
        %dma_start3A_374 = tpu.memref_slice %arg2[%dma_start3A_372, %dma_start3A_373] : memref<20000x128xf32, #tpu.memory_space<hbm>> -> memref<20000x128xf32, #tpu.memory_space<hbm>>
        %dma_start3A_375 = tpu.memref_slice %arg10[%dma_start3A_364] : memref<4x!tpu.dma_semaphore, #tpu.memory_space<semaphore_mem>> -> memref<1x!tpu.dma_semaphore, #tpu.memory_space<semaphore_mem>>
        %dma_start3A_376 = tpu.memref_squeeze %dma_start3A_375 : memref<1x!tpu.dma_semaphore, #tpu.memory_space<semaphore_mem>> -> memref<!tpu.dma_semaphore, #tpu.memory_space<semaphore_mem>>
        tpu.enqueue_indirect_dma source(%dma_start3A_374 : memref<20000x128xf32, #tpu.memory_space<hbm>>) target(%dma_start3A_368 : memref<64x128xf32, #tpu.memory_space<vmem>>) offsets(%dma_start3A_371 : memref<64xi32, #tpu.memory_space<vmem>>) semaphore(%dma_start3A_376 : memref<!tpu.dma_semaphore, #tpu.memory_space<semaphore_mem>>)
      } else {
      }
      %run_scoped3A_332 = arith.constant 2 : i32
      "tpu.region"() ({
        %run_scoped3A_359 = tpu.sem_alloc : memref<!tpu.dma_semaphore, #tpu.memory_space<semaphore_mem>>
        %dma_start3A_360 = arith.constant 0 : i32
        %dma_start3A_361 = arith.constant 0 : i32
        %dma_start3A_362 = tpu.memref_slice %arg9[%run_scoped3A_332, %dma_start3A_360, %dma_start3A_361] : memref<4x64x128xf32, #tpu.memory_space<vmem>> -> memref<1x64x128xf32, #tpu.memory_space<vmem>>
        %dma_start3A_363 = tpu.memref_squeeze %dma_start3A_362 : memref<1x64x128xf32, #tpu.memory_space<vmem>> -> memref<64x128xf32, #tpu.memory_space<vmem>>
        %dma_start3A_364 = arith.constant 0 : i32
        %dma_start3A_365 = tpu.memref_slice %arg8[%add3A_308, %dma_start3A_364] : memref<40x64xi32, #tpu.memory_space<vmem>> -> memref<1x64xi32, #tpu.memory_space<vmem>>
        %dma_start3A_366 = tpu.memref_squeeze %dma_start3A_365 : memref<1x64xi32, #tpu.memory_space<vmem>> -> memref<64xi32, #tpu.memory_space<vmem>>
        %dma_start3A_367 = arith.constant 0 : i32
        %dma_start3A_368 = arith.constant 0 : i32
        %dma_start3A_369 = tpu.memref_slice %arg6[%dma_start3A_367, %dma_start3A_368] : memref<10008x128xf32, #tpu.memory_space<vmem_shared>> -> memref<10008x128xf32, #tpu.memory_space<vmem_shared>>
        tpu.enqueue_indirect_dma source(%dma_start3A_363 : memref<64x128xf32, #tpu.memory_space<vmem>>) target(%dma_start3A_369 : memref<10008x128xf32, #tpu.memory_space<vmem_shared>>) offsets(%dma_start3A_366 : memref<64xi32, #tpu.memory_space<vmem>>) semaphore(%run_scoped3A_359 : memref<!tpu.dma_semaphore, #tpu.memory_space<semaphore_mem>>) {add = true}
        %dma_wait3A_370 = arith.constant 0 : i32
        %dma_wait3A_371 = arith.constant 0 : i32
        %dma_wait3A_372 = tpu.memref_slice %arg9[%run_scoped3A_332, %dma_wait3A_370, %dma_wait3A_371] : memref<4x64x128xf32, #tpu.memory_space<vmem>> -> memref<1x64x128xf32, #tpu.memory_space<vmem>>
        %dma_wait3A_373 = tpu.memref_squeeze %dma_wait3A_372 : memref<1x64x128xf32, #tpu.memory_space<vmem>> -> memref<64x128xf32, #tpu.memory_space<vmem>>
        %dma_wait3A_374 = arith.constant 0 : i32
        %dma_wait3A_375 = tpu.memref_slice %arg8[%add3A_308, %dma_wait3A_374] : memref<40x64xi32, #tpu.memory_space<vmem>> -> memref<1x64xi32, #tpu.memory_space<vmem>>
        %dma_wait3A_376 = tpu.memref_squeeze %dma_wait3A_375 : memref<1x64xi32, #tpu.memory_space<vmem>> -> memref<64xi32, #tpu.memory_space<vmem>>
        %dma_wait3A_377 = arith.constant 0 : i32
        %dma_wait3A_378 = arith.constant 0 : i32
        %dma_wait3A_379 = tpu.memref_slice %arg6[%dma_wait3A_377, %dma_wait3A_378] : memref<10008x128xf32, #tpu.memory_space<vmem_shared>> -> memref<10008x128xf32, #tpu.memory_space<vmem_shared>>
        tpu.wait_indirect_dma semaphore(%run_scoped3A_359 : memref<!tpu.dma_semaphore, #tpu.memory_space<semaphore_mem>>) src(%dma_wait3A_373 : memref<64x128xf32, #tpu.memory_space<vmem>>) dst(%dma_wait3A_379 : memref<10008x128xf32, #tpu.memory_space<vmem_shared>>)
        tpu.yield
      }) : () -> ()
      %add3A_333 = arith.constant 3 : i32
      %add3A_334 = arith.addi %add3A_258, %add3A_333 : i32
      %dma_wait3A_335 = arith.constant 3 : i32
      %dma_wait3A_336 = arith.constant 3 : i32
      %dma_wait3A_337 = arith.constant 0 : i32
      %dma_wait3A_338 = arith.constant 0 : i32
      %dma_wait3A_339 = tpu.memref_slice %arg9[%dma_wait3A_335, %dma_wait3A_337, %dma_wait3A_338] : memref<4x64x128xf32, #tpu.memory_space<vmem>> -> memref<1x64x128xf32, #tpu.memory_space<vmem>>
      %dma_wait3A_340 = tpu.memref_squeeze %dma_wait3A_339 : memref<1x64x128xf32, #tpu.memory_space<vmem>> -> memref<64x128xf32, #tpu.memory_space<vmem>>
      %dma_wait3A_341 = arith.constant 0 : i32
      %dma_wait3A_342 = tpu.memref_slice %arg7[%add3A_334, %dma_wait3A_341] : memref<40x64xi32, #tpu.memory_space<vmem>> -> memref<1x64xi32, #tpu.memory_space<vmem>>
      %dma_wait3A_343 = tpu.memref_squeeze %dma_wait3A_342 : memref<1x64xi32, #tpu.memory_space<vmem>> -> memref<64xi32, #tpu.memory_space<vmem>>
      %dma_wait3A_344 = arith.constant 0 : i32
      %dma_wait3A_345 = arith.constant 0 : i32
      %dma_wait3A_346 = tpu.memref_slice %arg2[%dma_wait3A_344, %dma_wait3A_345] : memref<20000x128xf32, #tpu.memory_space<hbm>> -> memref<20000x128xf32, #tpu.memory_space<hbm>>
      %dma_wait3A_347 = tpu.memref_slice %arg10[%dma_wait3A_336] : memref<4x!tpu.dma_semaphore, #tpu.memory_space<semaphore_mem>> -> memref<1x!tpu.dma_semaphore, #tpu.memory_space<semaphore_mem>>
      %dma_wait3A_348 = tpu.memref_squeeze %dma_wait3A_347 : memref<1x!tpu.dma_semaphore, #tpu.memory_space<semaphore_mem>> -> memref<!tpu.dma_semaphore, #tpu.memory_space<semaphore_mem>>
      tpu.wait_indirect_dma semaphore(%dma_wait3A_348 : memref<!tpu.dma_semaphore, #tpu.memory_space<semaphore_mem>>) src(%dma_wait3A_346 : memref<20000x128xf32, #tpu.memory_space<hbm>>) dst(%dma_wait3A_340 : memref<64x128xf32, #tpu.memory_space<vmem>>)
      %add3A_349 = arith.constant 4 : i32
      %add3A_350 = arith.addi %add3A_334, %add3A_349 : i32
      %sub3A_351 = arith.constant 1 : i32
      %sub3A_352 = arith.subi %add3A_350, %sub3A_351 : i32
      %lt3A_353 = arith.constant 40 : i32
      %lt3A_354 = arith.cmpi slt, %sub3A_352, %lt3A_353 : i32
      %convert_element_type3A_355 = arith.extui %lt3A_354 : i1 to i32
      %cond3A_356 = arith.constant 0 : i32
      %cond3A_357 = arith.cmpi ne, %convert_element_type3A_355, %cond3A_356 : i32
      scf.if %cond3A_357 {
        %add3A_359 = arith.constant 4 : i32
        %add3A_360 = arith.addi %add3A_334, %add3A_359 : i32
        %sub3A_361 = arith.constant 1 : i32
        %sub3A_362 = arith.subi %add3A_360, %sub3A_361 : i32
        %dma_start3A_363 = arith.constant 2 : i32
        %dma_start3A_364 = arith.constant 2 : i32
        %dma_start3A_365 = arith.constant 0 : i32
        %dma_start3A_366 = arith.constant 0 : i32
        %dma_start3A_367 = tpu.memref_slice %arg9[%dma_start3A_363, %dma_start3A_365, %dma_start3A_366] : memref<4x64x128xf32, #tpu.memory_space<vmem>> -> memref<1x64x128xf32, #tpu.memory_space<vmem>>
        %dma_start3A_368 = tpu.memref_squeeze %dma_start3A_367 : memref<1x64x128xf32, #tpu.memory_space<vmem>> -> memref<64x128xf32, #tpu.memory_space<vmem>>
        %dma_start3A_369 = arith.constant 0 : i32
        %dma_start3A_370 = tpu.memref_slice %arg7[%sub3A_362, %dma_start3A_369] : memref<40x64xi32, #tpu.memory_space<vmem>> -> memref<1x64xi32, #tpu.memory_space<vmem>>
        %dma_start3A_371 = tpu.memref_squeeze %dma_start3A_370 : memref<1x64xi32, #tpu.memory_space<vmem>> -> memref<64xi32, #tpu.memory_space<vmem>>
        %dma_start3A_372 = arith.constant 0 : i32
        %dma_start3A_373 = arith.constant 0 : i32
        %dma_start3A_374 = tpu.memref_slice %arg2[%dma_start3A_372, %dma_start3A_373] : memref<20000x128xf32, #tpu.memory_space<hbm>> -> memref<20000x128xf32, #tpu.memory_space<hbm>>
        %dma_start3A_375 = tpu.memref_slice %arg10[%dma_start3A_364] : memref<4x!tpu.dma_semaphore, #tpu.memory_space<semaphore_mem>> -> memref<1x!tpu.dma_semaphore, #tpu.memory_space<semaphore_mem>>
        %dma_start3A_376 = tpu.memref_squeeze %dma_start3A_375 : memref<1x!tpu.dma_semaphore, #tpu.memory_space<semaphore_mem>> -> memref<!tpu.dma_semaphore, #tpu.memory_space<semaphore_mem>>
        tpu.enqueue_indirect_dma source(%dma_start3A_374 : memref<20000x128xf32, #tpu.memory_space<hbm>>) target(%dma_start3A_368 : memref<64x128xf32, #tpu.memory_space<vmem>>) offsets(%dma_start3A_371 : memref<64xi32, #tpu.memory_space<vmem>>) semaphore(%dma_start3A_376 : memref<!tpu.dma_semaphore, #tpu.memory_space<semaphore_mem>>)
      } else {
      }
      %run_scoped3A_358 = arith.constant 3 : i32
      "tpu.region"() ({
        %run_scoped3A_359 = tpu.sem_alloc : memref<!tpu.dma_semaphore, #tpu.memory_space<semaphore_mem>>
        %dma_start3A_360 = arith.constant 0 : i32
        %dma_start3A_361 = arith.constant 0 : i32
        %dma_start3A_362 = tpu.memref_slice %arg9[%run_scoped3A_358, %dma_start3A_360, %dma_start3A_361] : memref<4x64x128xf32, #tpu.memory_space<vmem>> -> memref<1x64x128xf32, #tpu.memory_space<vmem>>
        %dma_start3A_363 = tpu.memref_squeeze %dma_start3A_362 : memref<1x64x128xf32, #tpu.memory_space<vmem>> -> memref<64x128xf32, #tpu.memory_space<vmem>>
        %dma_start3A_364 = arith.constant 0 : i32
        %dma_start3A_365 = tpu.memref_slice %arg8[%add3A_334, %dma_start3A_364] : memref<40x64xi32, #tpu.memory_space<vmem>> -> memref<1x64xi32, #tpu.memory_space<vmem>>
        %dma_start3A_366 = tpu.memref_squeeze %dma_start3A_365 : memref<1x64xi32, #tpu.memory_space<vmem>> -> memref<64xi32, #tpu.memory_space<vmem>>
        %dma_start3A_367 = arith.constant 0 : i32
        %dma_start3A_368 = arith.constant 0 : i32
        %dma_start3A_369 = tpu.memref_slice %arg6[%dma_start3A_367, %dma_start3A_368] : memref<10008x128xf32, #tpu.memory_space<vmem_shared>> -> memref<10008x128xf32, #tpu.memory_space<vmem_shared>>
        tpu.enqueue_indirect_dma source(%dma_start3A_363 : memref<64x128xf32, #tpu.memory_space<vmem>>) target(%dma_start3A_369 : memref<10008x128xf32, #tpu.memory_space<vmem_shared>>) offsets(%dma_start3A_366 : memref<64xi32, #tpu.memory_space<vmem>>) semaphore(%run_scoped3A_359 : memref<!tpu.dma_semaphore, #tpu.memory_space<semaphore_mem>>) {add = true}
        %dma_wait3A_370 = arith.constant 0 : i32
        %dma_wait3A_371 = arith.constant 0 : i32
        %dma_wait3A_372 = tpu.memref_slice %arg9[%run_scoped3A_358, %dma_wait3A_370, %dma_wait3A_371] : memref<4x64x128xf32, #tpu.memory_space<vmem>> -> memref<1x64x128xf32, #tpu.memory_space<vmem>>
        %dma_wait3A_373 = tpu.memref_squeeze %dma_wait3A_372 : memref<1x64x128xf32, #tpu.memory_space<vmem>> -> memref<64x128xf32, #tpu.memory_space<vmem>>
        %dma_wait3A_374 = arith.constant 0 : i32
        %dma_wait3A_375 = tpu.memref_slice %arg8[%add3A_334, %dma_wait3A_374] : memref<40x64xi32, #tpu.memory_space<vmem>> -> memref<1x64xi32, #tpu.memory_space<vmem>>
        %dma_wait3A_376 = tpu.memref_squeeze %dma_wait3A_375 : memref<1x64xi32, #tpu.memory_space<vmem>> -> memref<64xi32, #tpu.memory_space<vmem>>
        %dma_wait3A_377 = arith.constant 0 : i32
        %dma_wait3A_378 = arith.constant 0 : i32
        %dma_wait3A_379 = tpu.memref_slice %arg6[%dma_wait3A_377, %dma_wait3A_378] : memref<10008x128xf32, #tpu.memory_space<vmem_shared>> -> memref<10008x128xf32, #tpu.memory_space<vmem_shared>>
        tpu.wait_indirect_dma semaphore(%run_scoped3A_359 : memref<!tpu.dma_semaphore, #tpu.memory_space<semaphore_mem>>) src(%dma_wait3A_373 : memref<64x128xf32, #tpu.memory_space<vmem>>) dst(%dma_wait3A_379 : memref<10008x128xf32, #tpu.memory_space<vmem_shared>>)
        tpu.yield
      }) : () -> ()
    }
    %scan3A_181 = arith.constant 10 : i32
    %mul3A_182 = arith.constant 2560 : i32
    %mul3A_183 = arith.muli %arg0, %mul3A_182 : i32
    %mul3A_184 = arith.constant 160 : i32
    %mul3A_185 = arith.muli %arg1, %mul3A_184 : i32
    %add3A_186 = arith.addi %mul3A_183, %mul3A_185 : i32
    %add3A_187 = arith.constant 120 : i32
    %add3A_188 = arith.addi %add3A_186, %add3A_187 : i32
    "tpu.region"() ({
      %run_scoped3A = tpu.sem_alloc : memref<!tpu.dma_semaphore, #tpu.memory_space<semaphore_mem>>
      %dma_start3A_254 = arith.constant 0 : i32
      %dma_start3A_255 = tpu.memref_slice %arg3[%add3A_188, %dma_start3A_254] : memref<5120x64xi32, #tpu.memory_space<hbm>> -> memref<40x64xi32, #tpu.memory_space<hbm>>
      %dma_start3A_256 = arith.constant 0 : i32
      %dma_start3A_257 = tpu.memref_slice %arg3[%add3A_188, %dma_start3A_256] : memref<5120x64xi32, #tpu.memory_space<hbm>> -> memref<40x64xi32, #tpu.memory_space<hbm>>
      tpu.enqueue_dma source(%dma_start3A_257 : memref<40x64xi32, #tpu.memory_space<hbm>>) target(%arg7 : memref<40x64xi32, #tpu.memory_space<vmem>>) target_semaphore(%run_scoped3A : memref<!tpu.dma_semaphore, #tpu.memory_space<semaphore_mem>>)
      %dma_wait3A = arith.constant 0 : i32
      %dma_wait3A_258 = tpu.memref_slice %arg3[%add3A_188, %dma_wait3A] : memref<5120x64xi32, #tpu.memory_space<hbm>> -> memref<40x64xi32, #tpu.memory_space<hbm>>
      %dma_wait3A_259 = arith.constant 0 : i32
      %dma_wait3A_260 = tpu.memref_slice %arg3[%add3A_188, %dma_wait3A_259] : memref<5120x64xi32, #tpu.memory_space<hbm>> -> memref<40x64xi32, #tpu.memory_space<hbm>>
      tpu.wait_dma2 semaphore(%run_scoped3A : memref<!tpu.dma_semaphore, #tpu.memory_space<semaphore_mem>>) src(%dma_wait3A_260 : memref<40x64xi32, #tpu.memory_space<hbm>>) dst(%arg7 : memref<40x64xi32, #tpu.memory_space<vmem>>)
      tpu.yield
    }) : () -> ()
    %mul3A_189 = arith.constant 160 : i32
    %mul3A_190 = arith.muli %arg1, %mul3A_189 : i32
    %add3A_191 = arith.constant 120 : i32
    %add3A_192 = arith.addi %mul3A_190, %add3A_191 : i32
    "tpu.region"() ({
      %run_scoped3A = tpu.sem_alloc : memref<!tpu.dma_semaphore, #tpu.memory_space<semaphore_mem>>
      %dma_start3A_254 = arith.constant 0 : i32
      %dma_start3A_255 = tpu.memref_slice %arg4[%add3A_192, %dma_start3A_254] : memref<2560x64xi32, #tpu.memory_space<hbm>> -> memref<40x64xi32, #tpu.memory_space<hbm>>
      %dma_start3A_256 = arith.constant 0 : i32
      %dma_start3A_257 = tpu.memref_slice %arg4[%add3A_192, %dma_start3A_256] : memref<2560x64xi32, #tpu.memory_space<hbm>> -> memref<40x64xi32, #tpu.memory_space<hbm>>
      tpu.enqueue_dma source(%dma_start3A_257 : memref<40x64xi32, #tpu.memory_space<hbm>>) target(%arg8 : memref<40x64xi32, #tpu.memory_space<vmem>>) target_semaphore(%run_scoped3A : memref<!tpu.dma_semaphore, #tpu.memory_space<semaphore_mem>>)
      %dma_wait3A = arith.constant 0 : i32
      %dma_wait3A_258 = tpu.memref_slice %arg4[%add3A_192, %dma_wait3A] : memref<2560x64xi32, #tpu.memory_space<hbm>> -> memref<40x64xi32, #tpu.memory_space<hbm>>
      %dma_wait3A_259 = arith.constant 0 : i32
      %dma_wait3A_260 = tpu.memref_slice %arg4[%add3A_192, %dma_wait3A_259] : memref<2560x64xi32, #tpu.memory_space<hbm>> -> memref<40x64xi32, #tpu.memory_space<hbm>>
      tpu.wait_dma2 semaphore(%run_scoped3A : memref<!tpu.dma_semaphore, #tpu.memory_space<semaphore_mem>>) src(%dma_wait3A_260 : memref<40x64xi32, #tpu.memory_space<hbm>>) dst(%arg8 : memref<40x64xi32, #tpu.memory_space<vmem>>)
      tpu.yield
    }) : () -> ()
    %dma_start3A_193 = arith.constant 0 : i32
    %dma_start3A_194 = arith.constant 0 : i32
    %dma_start3A_195 = arith.constant 0 : i32
    %dma_start3A_196 = arith.constant 0 : i32
    %dma_start3A_197 = arith.constant 0 : i32
    %dma_start3A_198 = tpu.memref_slice %arg9[%dma_start3A_194, %dma_start3A_196, %dma_start3A_197] : memref<4x64x128xf32, #tpu.memory_space<vmem>> -> memref<1x64x128xf32, #tpu.memory_space<vmem>>
    %dma_start3A_199 = tpu.memref_squeeze %dma_start3A_198 : memref<1x64x128xf32, #tpu.memory_space<vmem>> -> memref<64x128xf32, #tpu.memory_space<vmem>>
    %dma_start3A_200 = arith.constant 0 : i32
    %dma_start3A_201 = tpu.memref_slice %arg7[%dma_start3A_193, %dma_start3A_200] : memref<40x64xi32, #tpu.memory_space<vmem>> -> memref<1x64xi32, #tpu.memory_space<vmem>>
    %dma_start3A_202 = tpu.memref_squeeze %dma_start3A_201 : memref<1x64xi32, #tpu.memory_space<vmem>> -> memref<64xi32, #tpu.memory_space<vmem>>
    %dma_start3A_203 = arith.constant 0 : i32
    %dma_start3A_204 = arith.constant 0 : i32
    %dma_start3A_205 = tpu.memref_slice %arg2[%dma_start3A_203, %dma_start3A_204] : memref<20000x128xf32, #tpu.memory_space<hbm>> -> memref<20000x128xf32, #tpu.memory_space<hbm>>
    %dma_start3A_206 = tpu.memref_slice %arg10[%dma_start3A_195] : memref<4x!tpu.dma_semaphore, #tpu.memory_space<semaphore_mem>> -> memref<1x!tpu.dma_semaphore, #tpu.memory_space<semaphore_mem>>
    %dma_start3A_207 = tpu.memref_squeeze %dma_start3A_206 : memref<1x!tpu.dma_semaphore, #tpu.memory_space<semaphore_mem>> -> memref<!tpu.dma_semaphore, #tpu.memory_space<semaphore_mem>>
    tpu.enqueue_indirect_dma source(%dma_start3A_205 : memref<20000x128xf32, #tpu.memory_space<hbm>>) target(%dma_start3A_199 : memref<64x128xf32, #tpu.memory_space<vmem>>) offsets(%dma_start3A_202 : memref<64xi32, #tpu.memory_space<vmem>>) semaphore(%dma_start3A_207 : memref<!tpu.dma_semaphore, #tpu.memory_space<semaphore_mem>>)
    %dma_start3A_208 = arith.constant 1 : i32
    %dma_start3A_209 = arith.constant 1 : i32
    %dma_start3A_210 = arith.constant 1 : i32
    %dma_start3A_211 = arith.constant 0 : i32
    %dma_start3A_212 = arith.constant 0 : i32
    %dma_start3A_213 = tpu.memref_slice %arg9[%dma_start3A_209, %dma_start3A_211, %dma_start3A_212] : memref<4x64x128xf32, #tpu.memory_space<vmem>> -> memref<1x64x128xf32, #tpu.memory_space<vmem>>
    %dma_start3A_214 = tpu.memref_squeeze %dma_start3A_213 : memref<1x64x128xf32, #tpu.memory_space<vmem>> -> memref<64x128xf32, #tpu.memory_space<vmem>>
    %dma_start3A_215 = arith.constant 0 : i32
    %dma_start3A_216 = tpu.memref_slice %arg7[%dma_start3A_208, %dma_start3A_215] : memref<40x64xi32, #tpu.memory_space<vmem>> -> memref<1x64xi32, #tpu.memory_space<vmem>>
    %dma_start3A_217 = tpu.memref_squeeze %dma_start3A_216 : memref<1x64xi32, #tpu.memory_space<vmem>> -> memref<64xi32, #tpu.memory_space<vmem>>
    %dma_start3A_218 = arith.constant 0 : i32
    %dma_start3A_219 = arith.constant 0 : i32
    %dma_start3A_220 = tpu.memref_slice %arg2[%dma_start3A_218, %dma_start3A_219] : memref<20000x128xf32, #tpu.memory_space<hbm>> -> memref<20000x128xf32, #tpu.memory_space<hbm>>
    %dma_start3A_221 = tpu.memref_slice %arg10[%dma_start3A_210] : memref<4x!tpu.dma_semaphore, #tpu.memory_space<semaphore_mem>> -> memref<1x!tpu.dma_semaphore, #tpu.memory_space<semaphore_mem>>
    %dma_start3A_222 = tpu.memref_squeeze %dma_start3A_221 : memref<1x!tpu.dma_semaphore, #tpu.memory_space<semaphore_mem>> -> memref<!tpu.dma_semaphore, #tpu.memory_space<semaphore_mem>>
    tpu.enqueue_indirect_dma source(%dma_start3A_220 : memref<20000x128xf32, #tpu.memory_space<hbm>>) target(%dma_start3A_214 : memref<64x128xf32, #tpu.memory_space<vmem>>) offsets(%dma_start3A_217 : memref<64xi32, #tpu.memory_space<vmem>>) semaphore(%dma_start3A_222 : memref<!tpu.dma_semaphore, #tpu.memory_space<semaphore_mem>>)
    %dma_start3A_223 = arith.constant 2 : i32
    %dma_start3A_224 = arith.constant 2 : i32
    %dma_start3A_225 = arith.constant 2 : i32
    %dma_start3A_226 = arith.constant 0 : i32
    %dma_start3A_227 = arith.constant 0 : i32
    %dma_start3A_228 = tpu.memref_slice %arg9[%dma_start3A_224, %dma_start3A_226, %dma_start3A_227] : memref<4x64x128xf32, #tpu.memory_space<vmem>> -> memref<1x64x128xf32, #tpu.memory_space<vmem>>
    %dma_start3A_229 = tpu.memref_squeeze %dma_start3A_228 : memref<1x64x128xf32, #tpu.memory_space<vmem>> -> memref<64x128xf32, #tpu.memory_space<vmem>>
    %dma_start3A_230 = arith.constant 0 : i32
    %dma_start3A_231 = tpu.memref_slice %arg7[%dma_start3A_223, %dma_start3A_230] : memref<40x64xi32, #tpu.memory_space<vmem>> -> memref<1x64xi32, #tpu.memory_space<vmem>>
    %dma_start3A_232 = tpu.memref_squeeze %dma_start3A_231 : memref<1x64xi32, #tpu.memory_space<vmem>> -> memref<64xi32, #tpu.memory_space<vmem>>
    %dma_start3A_233 = arith.constant 0 : i32
    %dma_start3A_234 = arith.constant 0 : i32
    %dma_start3A_235 = tpu.memref_slice %arg2[%dma_start3A_233, %dma_start3A_234] : memref<20000x128xf32, #tpu.memory_space<hbm>> -> memref<20000x128xf32, #tpu.memory_space<hbm>>
    %dma_start3A_236 = tpu.memref_slice %arg10[%dma_start3A_225] : memref<4x!tpu.dma_semaphore, #tpu.memory_space<semaphore_mem>> -> memref<1x!tpu.dma_semaphore, #tpu.memory_space<semaphore_mem>>
    %dma_start3A_237 = tpu.memref_squeeze %dma_start3A_236 : memref<1x!tpu.dma_semaphore, #tpu.memory_space<semaphore_mem>> -> memref<!tpu.dma_semaphore, #tpu.memory_space<semaphore_mem>>
    tpu.enqueue_indirect_dma source(%dma_start3A_235 : memref<20000x128xf32, #tpu.memory_space<hbm>>) target(%dma_start3A_229 : memref<64x128xf32, #tpu.memory_space<vmem>>) offsets(%dma_start3A_232 : memref<64xi32, #tpu.memory_space<vmem>>) semaphore(%dma_start3A_237 : memref<!tpu.dma_semaphore, #tpu.memory_space<semaphore_mem>>)
    %scan3A_238 = arith.constant 0 : i32
    %scan3A_239 = arith.constant 10 : i32
    %scan3A_240 = arith.addi %scan3A_238, %scan3A_239 : i32
    %scan3A_241 = arith.constant 1 : i32
    scf.for %scan3A_254 = %scan3A_238 to %scan3A_240 step %scan3A_241  : i32 {
      %mul3A_255 = arith.constant 4 : i32
      %mul3A_256 = arith.muli %scan3A_254, %mul3A_255 : i32
      %add3A_257 = arith.constant 0 : i32
      %add3A_258 = arith.addi %add3A_257, %mul3A_256 : i32
      %add3A_259 = arith.constant 0 : i32
      %add3A_260 = arith.addi %add3A_258, %add3A_259 : i32
      %dma_wait3A = arith.constant 0 : i32
      %dma_wait3A_261 = arith.constant 0 : i32
      %dma_wait3A_262 = arith.constant 0 : i32
      %dma_wait3A_263 = arith.constant 0 : i32
      %dma_wait3A_264 = tpu.memref_slice %arg9[%dma_wait3A, %dma_wait3A_262, %dma_wait3A_263] : memref<4x64x128xf32, #tpu.memory_space<vmem>> -> memref<1x64x128xf32, #tpu.memory_space<vmem>>
      %dma_wait3A_265 = tpu.memref_squeeze %dma_wait3A_264 : memref<1x64x128xf32, #tpu.memory_space<vmem>> -> memref<64x128xf32, #tpu.memory_space<vmem>>
      %dma_wait3A_266 = arith.constant 0 : i32
      %dma_wait3A_267 = tpu.memref_slice %arg7[%add3A_260, %dma_wait3A_266] : memref<40x64xi32, #tpu.memory_space<vmem>> -> memref<1x64xi32, #tpu.memory_space<vmem>>
      %dma_wait3A_268 = tpu.memref_squeeze %dma_wait3A_267 : memref<1x64xi32, #tpu.memory_space<vmem>> -> memref<64xi32, #tpu.memory_space<vmem>>
      %dma_wait3A_269 = arith.constant 0 : i32
      %dma_wait3A_270 = arith.constant 0 : i32
      %dma_wait3A_271 = tpu.memref_slice %arg2[%dma_wait3A_269, %dma_wait3A_270] : memref<20000x128xf32, #tpu.memory_space<hbm>> -> memref<20000x128xf32, #tpu.memory_space<hbm>>
      %dma_wait3A_272 = tpu.memref_slice %arg10[%dma_wait3A_261] : memref<4x!tpu.dma_semaphore, #tpu.memory_space<semaphore_mem>> -> memref<1x!tpu.dma_semaphore, #tpu.memory_space<semaphore_mem>>
      %dma_wait3A_273 = tpu.memref_squeeze %dma_wait3A_272 : memref<1x!tpu.dma_semaphore, #tpu.memory_space<semaphore_mem>> -> memref<!tpu.dma_semaphore, #tpu.memory_space<semaphore_mem>>
      tpu.wait_indirect_dma semaphore(%dma_wait3A_273 : memref<!tpu.dma_semaphore, #tpu.memory_space<semaphore_mem>>) src(%dma_wait3A_271 : memref<20000x128xf32, #tpu.memory_space<hbm>>) dst(%dma_wait3A_265 : memref<64x128xf32, #tpu.memory_space<vmem>>)
      %add3A_274 = arith.constant 4 : i32
      %add3A_275 = arith.addi %add3A_260, %add3A_274 : i32
      %sub3A = arith.constant 1 : i32
      %sub3A_276 = arith.subi %add3A_275, %sub3A : i32
      %lt3A = arith.constant 40 : i32
      %lt3A_277 = arith.cmpi slt, %sub3A_276, %lt3A : i32
      %convert_element_type3A_278 = arith.extui %lt3A_277 : i1 to i32
      %cond3A_279 = arith.constant 0 : i32
      %cond3A_280 = arith.cmpi ne, %convert_element_type3A_278, %cond3A_279 : i32
      scf.if %cond3A_280 {
        %add3A_359 = arith.constant 4 : i32
        %add3A_360 = arith.addi %add3A_260, %add3A_359 : i32
        %sub3A_361 = arith.constant 1 : i32
        %sub3A_362 = arith.subi %add3A_360, %sub3A_361 : i32
        %dma_start3A_363 = arith.constant 3 : i32
        %dma_start3A_364 = arith.constant 3 : i32
        %dma_start3A_365 = arith.constant 0 : i32
        %dma_start3A_366 = arith.constant 0 : i32
        %dma_start3A_367 = tpu.memref_slice %arg9[%dma_start3A_363, %dma_start3A_365, %dma_start3A_366] : memref<4x64x128xf32, #tpu.memory_space<vmem>> -> memref<1x64x128xf32, #tpu.memory_space<vmem>>
        %dma_start3A_368 = tpu.memref_squeeze %dma_start3A_367 : memref<1x64x128xf32, #tpu.memory_space<vmem>> -> memref<64x128xf32, #tpu.memory_space<vmem>>
        %dma_start3A_369 = arith.constant 0 : i32
        %dma_start3A_370 = tpu.memref_slice %arg7[%sub3A_362, %dma_start3A_369] : memref<40x64xi32, #tpu.memory_space<vmem>> -> memref<1x64xi32, #tpu.memory_space<vmem>>
        %dma_start3A_371 = tpu.memref_squeeze %dma_start3A_370 : memref<1x64xi32, #tpu.memory_space<vmem>> -> memref<64xi32, #tpu.memory_space<vmem>>
        %dma_start3A_372 = arith.constant 0 : i32
        %dma_start3A_373 = arith.constant 0 : i32
        %dma_start3A_374 = tpu.memref_slice %arg2[%dma_start3A_372, %dma_start3A_373] : memref<20000x128xf32, #tpu.memory_space<hbm>> -> memref<20000x128xf32, #tpu.memory_space<hbm>>
        %dma_start3A_375 = tpu.memref_slice %arg10[%dma_start3A_364] : memref<4x!tpu.dma_semaphore, #tpu.memory_space<semaphore_mem>> -> memref<1x!tpu.dma_semaphore, #tpu.memory_space<semaphore_mem>>
        %dma_start3A_376 = tpu.memref_squeeze %dma_start3A_375 : memref<1x!tpu.dma_semaphore, #tpu.memory_space<semaphore_mem>> -> memref<!tpu.dma_semaphore, #tpu.memory_space<semaphore_mem>>
        tpu.enqueue_indirect_dma source(%dma_start3A_374 : memref<20000x128xf32, #tpu.memory_space<hbm>>) target(%dma_start3A_368 : memref<64x128xf32, #tpu.memory_space<vmem>>) offsets(%dma_start3A_371 : memref<64xi32, #tpu.memory_space<vmem>>) semaphore(%dma_start3A_376 : memref<!tpu.dma_semaphore, #tpu.memory_space<semaphore_mem>>)
      } else {
      }
      %run_scoped3A = arith.constant 0 : i32
      "tpu.region"() ({
        %run_scoped3A_359 = tpu.sem_alloc : memref<!tpu.dma_semaphore, #tpu.memory_space<semaphore_mem>>
        %dma_start3A_360 = arith.constant 0 : i32
        %dma_start3A_361 = arith.constant 0 : i32
        %dma_start3A_362 = tpu.memref_slice %arg9[%run_scoped3A, %dma_start3A_360, %dma_start3A_361] : memref<4x64x128xf32, #tpu.memory_space<vmem>> -> memref<1x64x128xf32, #tpu.memory_space<vmem>>
        %dma_start3A_363 = tpu.memref_squeeze %dma_start3A_362 : memref<1x64x128xf32, #tpu.memory_space<vmem>> -> memref<64x128xf32, #tpu.memory_space<vmem>>
        %dma_start3A_364 = arith.constant 0 : i32
        %dma_start3A_365 = tpu.memref_slice %arg8[%add3A_260, %dma_start3A_364] : memref<40x64xi32, #tpu.memory_space<vmem>> -> memref<1x64xi32, #tpu.memory_space<vmem>>
        %dma_start3A_366 = tpu.memref_squeeze %dma_start3A_365 : memref<1x64xi32, #tpu.memory_space<vmem>> -> memref<64xi32, #tpu.memory_space<vmem>>
        %dma_start3A_367 = arith.constant 0 : i32
        %dma_start3A_368 = arith.constant 0 : i32
        %dma_start3A_369 = tpu.memref_slice %arg6[%dma_start3A_367, %dma_start3A_368] : memref<10008x128xf32, #tpu.memory_space<vmem_shared>> -> memref<10008x128xf32, #tpu.memory_space<vmem_shared>>
        tpu.enqueue_indirect_dma source(%dma_start3A_363 : memref<64x128xf32, #tpu.memory_space<vmem>>) target(%dma_start3A_369 : memref<10008x128xf32, #tpu.memory_space<vmem_shared>>) offsets(%dma_start3A_366 : memref<64xi32, #tpu.memory_space<vmem>>) semaphore(%run_scoped3A_359 : memref<!tpu.dma_semaphore, #tpu.memory_space<semaphore_mem>>) {add = true}
        %dma_wait3A_370 = arith.constant 0 : i32
        %dma_wait3A_371 = arith.constant 0 : i32
        %dma_wait3A_372 = tpu.memref_slice %arg9[%run_scoped3A, %dma_wait3A_370, %dma_wait3A_371] : memref<4x64x128xf32, #tpu.memory_space<vmem>> -> memref<1x64x128xf32, #tpu.memory_space<vmem>>
        %dma_wait3A_373 = tpu.memref_squeeze %dma_wait3A_372 : memref<1x64x128xf32, #tpu.memory_space<vmem>> -> memref<64x128xf32, #tpu.memory_space<vmem>>
        %dma_wait3A_374 = arith.constant 0 : i32
        %dma_wait3A_375 = tpu.memref_slice %arg8[%add3A_260, %dma_wait3A_374] : memref<40x64xi32, #tpu.memory_space<vmem>> -> memref<1x64xi32, #tpu.memory_space<vmem>>
        %dma_wait3A_376 = tpu.memref_squeeze %dma_wait3A_375 : memref<1x64xi32, #tpu.memory_space<vmem>> -> memref<64xi32, #tpu.memory_space<vmem>>
        %dma_wait3A_377 = arith.constant 0 : i32
        %dma_wait3A_378 = arith.constant 0 : i32
        %dma_wait3A_379 = tpu.memref_slice %arg6[%dma_wait3A_377, %dma_wait3A_378] : memref<10008x128xf32, #tpu.memory_space<vmem_shared>> -> memref<10008x128xf32, #tpu.memory_space<vmem_shared>>
        tpu.wait_indirect_dma semaphore(%run_scoped3A_359 : memref<!tpu.dma_semaphore, #tpu.memory_space<semaphore_mem>>) src(%dma_wait3A_373 : memref<64x128xf32, #tpu.memory_space<vmem>>) dst(%dma_wait3A_379 : memref<10008x128xf32, #tpu.memory_space<vmem_shared>>)
        tpu.yield
      }) : () -> ()
      %add3A_281 = arith.constant 1 : i32
      %add3A_282 = arith.addi %add3A_258, %add3A_281 : i32
      %dma_wait3A_283 = arith.constant 1 : i32
      %dma_wait3A_284 = arith.constant 1 : i32
      %dma_wait3A_285 = arith.constant 0 : i32
      %dma_wait3A_286 = arith.constant 0 : i32
      %dma_wait3A_287 = tpu.memref_slice %arg9[%dma_wait3A_283, %dma_wait3A_285, %dma_wait3A_286] : memref<4x64x128xf32, #tpu.memory_space<vmem>> -> memref<1x64x128xf32, #tpu.memory_space<vmem>>
      %dma_wait3A_288 = tpu.memref_squeeze %dma_wait3A_287 : memref<1x64x128xf32, #tpu.memory_space<vmem>> -> memref<64x128xf32, #tpu.memory_space<vmem>>
      %dma_wait3A_289 = arith.constant 0 : i32
      %dma_wait3A_290 = tpu.memref_slice %arg7[%add3A_282, %dma_wait3A_289] : memref<40x64xi32, #tpu.memory_space<vmem>> -> memref<1x64xi32, #tpu.memory_space<vmem>>
      %dma_wait3A_291 = tpu.memref_squeeze %dma_wait3A_290 : memref<1x64xi32, #tpu.memory_space<vmem>> -> memref<64xi32, #tpu.memory_space<vmem>>
      %dma_wait3A_292 = arith.constant 0 : i32
      %dma_wait3A_293 = arith.constant 0 : i32
      %dma_wait3A_294 = tpu.memref_slice %arg2[%dma_wait3A_292, %dma_wait3A_293] : memref<20000x128xf32, #tpu.memory_space<hbm>> -> memref<20000x128xf32, #tpu.memory_space<hbm>>
      %dma_wait3A_295 = tpu.memref_slice %arg10[%dma_wait3A_284] : memref<4x!tpu.dma_semaphore, #tpu.memory_space<semaphore_mem>> -> memref<1x!tpu.dma_semaphore, #tpu.memory_space<semaphore_mem>>
      %dma_wait3A_296 = tpu.memref_squeeze %dma_wait3A_295 : memref<1x!tpu.dma_semaphore, #tpu.memory_space<semaphore_mem>> -> memref<!tpu.dma_semaphore, #tpu.memory_space<semaphore_mem>>
      tpu.wait_indirect_dma semaphore(%dma_wait3A_296 : memref<!tpu.dma_semaphore, #tpu.memory_space<semaphore_mem>>) src(%dma_wait3A_294 : memref<20000x128xf32, #tpu.memory_space<hbm>>) dst(%dma_wait3A_288 : memref<64x128xf32, #tpu.memory_space<vmem>>)
      %add3A_297 = arith.constant 4 : i32
      %add3A_298 = arith.addi %add3A_282, %add3A_297 : i32
      %sub3A_299 = arith.constant 1 : i32
      %sub3A_300 = arith.subi %add3A_298, %sub3A_299 : i32
      %lt3A_301 = arith.constant 40 : i32
      %lt3A_302 = arith.cmpi slt, %sub3A_300, %lt3A_301 : i32
      %convert_element_type3A_303 = arith.extui %lt3A_302 : i1 to i32
      %cond3A_304 = arith.constant 0 : i32
      %cond3A_305 = arith.cmpi ne, %convert_element_type3A_303, %cond3A_304 : i32
      scf.if %cond3A_305 {
        %add3A_359 = arith.constant 4 : i32
        %add3A_360 = arith.addi %add3A_282, %add3A_359 : i32
        %sub3A_361 = arith.constant 1 : i32
        %sub3A_362 = arith.subi %add3A_360, %sub3A_361 : i32
        %dma_start3A_363 = arith.constant 0 : i32
        %dma_start3A_364 = arith.constant 0 : i32
        %dma_start3A_365 = arith.constant 0 : i32
        %dma_start3A_366 = arith.constant 0 : i32
        %dma_start3A_367 = tpu.memref_slice %arg9[%dma_start3A_363, %dma_start3A_365, %dma_start3A_366] : memref<4x64x128xf32, #tpu.memory_space<vmem>> -> memref<1x64x128xf32, #tpu.memory_space<vmem>>
        %dma_start3A_368 = tpu.memref_squeeze %dma_start3A_367 : memref<1x64x128xf32, #tpu.memory_space<vmem>> -> memref<64x128xf32, #tpu.memory_space<vmem>>
        %dma_start3A_369 = arith.constant 0 : i32
        %dma_start3A_370 = tpu.memref_slice %arg7[%sub3A_362, %dma_start3A_369] : memref<40x64xi32, #tpu.memory_space<vmem>> -> memref<1x64xi32, #tpu.memory_space<vmem>>
        %dma_start3A_371 = tpu.memref_squeeze %dma_start3A_370 : memref<1x64xi32, #tpu.memory_space<vmem>> -> memref<64xi32, #tpu.memory_space<vmem>>
        %dma_start3A_372 = arith.constant 0 : i32
        %dma_start3A_373 = arith.constant 0 : i32
        %dma_start3A_374 = tpu.memref_slice %arg2[%dma_start3A_372, %dma_start3A_373] : memref<20000x128xf32, #tpu.memory_space<hbm>> -> memref<20000x128xf32, #tpu.memory_space<hbm>>
        %dma_start3A_375 = tpu.memref_slice %arg10[%dma_start3A_364] : memref<4x!tpu.dma_semaphore, #tpu.memory_space<semaphore_mem>> -> memref<1x!tpu.dma_semaphore, #tpu.memory_space<semaphore_mem>>
        %dma_start3A_376 = tpu.memref_squeeze %dma_start3A_375 : memref<1x!tpu.dma_semaphore, #tpu.memory_space<semaphore_mem>> -> memref<!tpu.dma_semaphore, #tpu.memory_space<semaphore_mem>>
        tpu.enqueue_indirect_dma source(%dma_start3A_374 : memref<20000x128xf32, #tpu.memory_space<hbm>>) target(%dma_start3A_368 : memref<64x128xf32, #tpu.memory_space<vmem>>) offsets(%dma_start3A_371 : memref<64xi32, #tpu.memory_space<vmem>>) semaphore(%dma_start3A_376 : memref<!tpu.dma_semaphore, #tpu.memory_space<semaphore_mem>>)
      } else {
      }
      %run_scoped3A_306 = arith.constant 1 : i32
      "tpu.region"() ({
        %run_scoped3A_359 = tpu.sem_alloc : memref<!tpu.dma_semaphore, #tpu.memory_space<semaphore_mem>>
        %dma_start3A_360 = arith.constant 0 : i32
        %dma_start3A_361 = arith.constant 0 : i32
        %dma_start3A_362 = tpu.memref_slice %arg9[%run_scoped3A_306, %dma_start3A_360, %dma_start3A_361] : memref<4x64x128xf32, #tpu.memory_space<vmem>> -> memref<1x64x128xf32, #tpu.memory_space<vmem>>
        %dma_start3A_363 = tpu.memref_squeeze %dma_start3A_362 : memref<1x64x128xf32, #tpu.memory_space<vmem>> -> memref<64x128xf32, #tpu.memory_space<vmem>>
        %dma_start3A_364 = arith.constant 0 : i32
        %dma_start3A_365 = tpu.memref_slice %arg8[%add3A_282, %dma_start3A_364] : memref<40x64xi32, #tpu.memory_space<vmem>> -> memref<1x64xi32, #tpu.memory_space<vmem>>
        %dma_start3A_366 = tpu.memref_squeeze %dma_start3A_365 : memref<1x64xi32, #tpu.memory_space<vmem>> -> memref<64xi32, #tpu.memory_space<vmem>>
        %dma_start3A_367 = arith.constant 0 : i32
        %dma_start3A_368 = arith.constant 0 : i32
        %dma_start3A_369 = tpu.memref_slice %arg6[%dma_start3A_367, %dma_start3A_368] : memref<10008x128xf32, #tpu.memory_space<vmem_shared>> -> memref<10008x128xf32, #tpu.memory_space<vmem_shared>>
        tpu.enqueue_indirect_dma source(%dma_start3A_363 : memref<64x128xf32, #tpu.memory_space<vmem>>) target(%dma_start3A_369 : memref<10008x128xf32, #tpu.memory_space<vmem_shared>>) offsets(%dma_start3A_366 : memref<64xi32, #tpu.memory_space<vmem>>) semaphore(%run_scoped3A_359 : memref<!tpu.dma_semaphore, #tpu.memory_space<semaphore_mem>>) {add = true}
        %dma_wait3A_370 = arith.constant 0 : i32
        %dma_wait3A_371 = arith.constant 0 : i32
        %dma_wait3A_372 = tpu.memref_slice %arg9[%run_scoped3A_306, %dma_wait3A_370, %dma_wait3A_371] : memref<4x64x128xf32, #tpu.memory_space<vmem>> -> memref<1x64x128xf32, #tpu.memory_space<vmem>>
        %dma_wait3A_373 = tpu.memref_squeeze %dma_wait3A_372 : memref<1x64x128xf32, #tpu.memory_space<vmem>> -> memref<64x128xf32, #tpu.memory_space<vmem>>
        %dma_wait3A_374 = arith.constant 0 : i32
        %dma_wait3A_375 = tpu.memref_slice %arg8[%add3A_282, %dma_wait3A_374] : memref<40x64xi32, #tpu.memory_space<vmem>> -> memref<1x64xi32, #tpu.memory_space<vmem>>
        %dma_wait3A_376 = tpu.memref_squeeze %dma_wait3A_375 : memref<1x64xi32, #tpu.memory_space<vmem>> -> memref<64xi32, #tpu.memory_space<vmem>>
        %dma_wait3A_377 = arith.constant 0 : i32
        %dma_wait3A_378 = arith.constant 0 : i32
        %dma_wait3A_379 = tpu.memref_slice %arg6[%dma_wait3A_377, %dma_wait3A_378] : memref<10008x128xf32, #tpu.memory_space<vmem_shared>> -> memref<10008x128xf32, #tpu.memory_space<vmem_shared>>
        tpu.wait_indirect_dma semaphore(%run_scoped3A_359 : memref<!tpu.dma_semaphore, #tpu.memory_space<semaphore_mem>>) src(%dma_wait3A_373 : memref<64x128xf32, #tpu.memory_space<vmem>>) dst(%dma_wait3A_379 : memref<10008x128xf32, #tpu.memory_space<vmem_shared>>)
        tpu.yield
      }) : () -> ()
      %add3A_307 = arith.constant 2 : i32
      %add3A_308 = arith.addi %add3A_258, %add3A_307 : i32
      %dma_wait3A_309 = arith.constant 2 : i32
      %dma_wait3A_310 = arith.constant 2 : i32
      %dma_wait3A_311 = arith.constant 0 : i32
      %dma_wait3A_312 = arith.constant 0 : i32
      %dma_wait3A_313 = tpu.memref_slice %arg9[%dma_wait3A_309, %dma_wait3A_311, %dma_wait3A_312] : memref<4x64x128xf32, #tpu.memory_space<vmem>> -> memref<1x64x128xf32, #tpu.memory_space<vmem>>
      %dma_wait3A_314 = tpu.memref_squeeze %dma_wait3A_313 : memref<1x64x128xf32, #tpu.memory_space<vmem>> -> memref<64x128xf32, #tpu.memory_space<vmem>>
      %dma_wait3A_315 = arith.constant 0 : i32
      %dma_wait3A_316 = tpu.memref_slice %arg7[%add3A_308, %dma_wait3A_315] : memref<40x64xi32, #tpu.memory_space<vmem>> -> memref<1x64xi32, #tpu.memory_space<vmem>>
      %dma_wait3A_317 = tpu.memref_squeeze %dma_wait3A_316 : memref<1x64xi32, #tpu.memory_space<vmem>> -> memref<64xi32, #tpu.memory_space<vmem>>
      %dma_wait3A_318 = arith.constant 0 : i32
      %dma_wait3A_319 = arith.constant 0 : i32
      %dma_wait3A_320 = tpu.memref_slice %arg2[%dma_wait3A_318, %dma_wait3A_319] : memref<20000x128xf32, #tpu.memory_space<hbm>> -> memref<20000x128xf32, #tpu.memory_space<hbm>>
      %dma_wait3A_321 = tpu.memref_slice %arg10[%dma_wait3A_310] : memref<4x!tpu.dma_semaphore, #tpu.memory_space<semaphore_mem>> -> memref<1x!tpu.dma_semaphore, #tpu.memory_space<semaphore_mem>>
      %dma_wait3A_322 = tpu.memref_squeeze %dma_wait3A_321 : memref<1x!tpu.dma_semaphore, #tpu.memory_space<semaphore_mem>> -> memref<!tpu.dma_semaphore, #tpu.memory_space<semaphore_mem>>
      tpu.wait_indirect_dma semaphore(%dma_wait3A_322 : memref<!tpu.dma_semaphore, #tpu.memory_space<semaphore_mem>>) src(%dma_wait3A_320 : memref<20000x128xf32, #tpu.memory_space<hbm>>) dst(%dma_wait3A_314 : memref<64x128xf32, #tpu.memory_space<vmem>>)
      %add3A_323 = arith.constant 4 : i32
      %add3A_324 = arith.addi %add3A_308, %add3A_323 : i32
      %sub3A_325 = arith.constant 1 : i32
      %sub3A_326 = arith.subi %add3A_324, %sub3A_325 : i32
      %lt3A_327 = arith.constant 40 : i32
      %lt3A_328 = arith.cmpi slt, %sub3A_326, %lt3A_327 : i32
      %convert_element_type3A_329 = arith.extui %lt3A_328 : i1 to i32
      %cond3A_330 = arith.constant 0 : i32
      %cond3A_331 = arith.cmpi ne, %convert_element_type3A_329, %cond3A_330 : i32
      scf.if %cond3A_331 {
        %add3A_359 = arith.constant 4 : i32
        %add3A_360 = arith.addi %add3A_308, %add3A_359 : i32
        %sub3A_361 = arith.constant 1 : i32
        %sub3A_362 = arith.subi %add3A_360, %sub3A_361 : i32
        %dma_start3A_363 = arith.constant 1 : i32
        %dma_start3A_364 = arith.constant 1 : i32
        %dma_start3A_365 = arith.constant 0 : i32
        %dma_start3A_366 = arith.constant 0 : i32
        %dma_start3A_367 = tpu.memref_slice %arg9[%dma_start3A_363, %dma_start3A_365, %dma_start3A_366] : memref<4x64x128xf32, #tpu.memory_space<vmem>> -> memref<1x64x128xf32, #tpu.memory_space<vmem>>
        %dma_start3A_368 = tpu.memref_squeeze %dma_start3A_367 : memref<1x64x128xf32, #tpu.memory_space<vmem>> -> memref<64x128xf32, #tpu.memory_space<vmem>>
        %dma_start3A_369 = arith.constant 0 : i32
        %dma_start3A_370 = tpu.memref_slice %arg7[%sub3A_362, %dma_start3A_369] : memref<40x64xi32, #tpu.memory_space<vmem>> -> memref<1x64xi32, #tpu.memory_space<vmem>>
        %dma_start3A_371 = tpu.memref_squeeze %dma_start3A_370 : memref<1x64xi32, #tpu.memory_space<vmem>> -> memref<64xi32, #tpu.memory_space<vmem>>
        %dma_start3A_372 = arith.constant 0 : i32
        %dma_start3A_373 = arith.constant 0 : i32
        %dma_start3A_374 = tpu.memref_slice %arg2[%dma_start3A_372, %dma_start3A_373] : memref<20000x128xf32, #tpu.memory_space<hbm>> -> memref<20000x128xf32, #tpu.memory_space<hbm>>
        %dma_start3A_375 = tpu.memref_slice %arg10[%dma_start3A_364] : memref<4x!tpu.dma_semaphore, #tpu.memory_space<semaphore_mem>> -> memref<1x!tpu.dma_semaphore, #tpu.memory_space<semaphore_mem>>
        %dma_start3A_376 = tpu.memref_squeeze %dma_start3A_375 : memref<1x!tpu.dma_semaphore, #tpu.memory_space<semaphore_mem>> -> memref<!tpu.dma_semaphore, #tpu.memory_space<semaphore_mem>>
        tpu.enqueue_indirect_dma source(%dma_start3A_374 : memref<20000x128xf32, #tpu.memory_space<hbm>>) target(%dma_start3A_368 : memref<64x128xf32, #tpu.memory_space<vmem>>) offsets(%dma_start3A_371 : memref<64xi32, #tpu.memory_space<vmem>>) semaphore(%dma_start3A_376 : memref<!tpu.dma_semaphore, #tpu.memory_space<semaphore_mem>>)
      } else {
      }
      %run_scoped3A_332 = arith.constant 2 : i32
      "tpu.region"() ({
        %run_scoped3A_359 = tpu.sem_alloc : memref<!tpu.dma_semaphore, #tpu.memory_space<semaphore_mem>>
        %dma_start3A_360 = arith.constant 0 : i32
        %dma_start3A_361 = arith.constant 0 : i32
        %dma_start3A_362 = tpu.memref_slice %arg9[%run_scoped3A_332, %dma_start3A_360, %dma_start3A_361] : memref<4x64x128xf32, #tpu.memory_space<vmem>> -> memref<1x64x128xf32, #tpu.memory_space<vmem>>
        %dma_start3A_363 = tpu.memref_squeeze %dma_start3A_362 : memref<1x64x128xf32, #tpu.memory_space<vmem>> -> memref<64x128xf32, #tpu.memory_space<vmem>>
        %dma_start3A_364 = arith.constant 0 : i32
        %dma_start3A_365 = tpu.memref_slice %arg8[%add3A_308, %dma_start3A_364] : memref<40x64xi32, #tpu.memory_space<vmem>> -> memref<1x64xi32, #tpu.memory_space<vmem>>
        %dma_start3A_366 = tpu.memref_squeeze %dma_start3A_365 : memref<1x64xi32, #tpu.memory_space<vmem>> -> memref<64xi32, #tpu.memory_space<vmem>>
        %dma_start3A_367 = arith.constant 0 : i32
        %dma_start3A_368 = arith.constant 0 : i32
        %dma_start3A_369 = tpu.memref_slice %arg6[%dma_start3A_367, %dma_start3A_368] : memref<10008x128xf32, #tpu.memory_space<vmem_shared>> -> memref<10008x128xf32, #tpu.memory_space<vmem_shared>>
        tpu.enqueue_indirect_dma source(%dma_start3A_363 : memref<64x128xf32, #tpu.memory_space<vmem>>) target(%dma_start3A_369 : memref<10008x128xf32, #tpu.memory_space<vmem_shared>>) offsets(%dma_start3A_366 : memref<64xi32, #tpu.memory_space<vmem>>) semaphore(%run_scoped3A_359 : memref<!tpu.dma_semaphore, #tpu.memory_space<semaphore_mem>>) {add = true}
        %dma_wait3A_370 = arith.constant 0 : i32
        %dma_wait3A_371 = arith.constant 0 : i32
        %dma_wait3A_372 = tpu.memref_slice %arg9[%run_scoped3A_332, %dma_wait3A_370, %dma_wait3A_371] : memref<4x64x128xf32, #tpu.memory_space<vmem>> -> memref<1x64x128xf32, #tpu.memory_space<vmem>>
        %dma_wait3A_373 = tpu.memref_squeeze %dma_wait3A_372 : memref<1x64x128xf32, #tpu.memory_space<vmem>> -> memref<64x128xf32, #tpu.memory_space<vmem>>
        %dma_wait3A_374 = arith.constant 0 : i32
        %dma_wait3A_375 = tpu.memref_slice %arg8[%add3A_308, %dma_wait3A_374] : memref<40x64xi32, #tpu.memory_space<vmem>> -> memref<1x64xi32, #tpu.memory_space<vmem>>
        %dma_wait3A_376 = tpu.memref_squeeze %dma_wait3A_375 : memref<1x64xi32, #tpu.memory_space<vmem>> -> memref<64xi32, #tpu.memory_space<vmem>>
        %dma_wait3A_377 = arith.constant 0 : i32
        %dma_wait3A_378 = arith.constant 0 : i32
        %dma_wait3A_379 = tpu.memref_slice %arg6[%dma_wait3A_377, %dma_wait3A_378] : memref<10008x128xf32, #tpu.memory_space<vmem_shared>> -> memref<10008x128xf32, #tpu.memory_space<vmem_shared>>
        tpu.wait_indirect_dma semaphore(%run_scoped3A_359 : memref<!tpu.dma_semaphore, #tpu.memory_space<semaphore_mem>>) src(%dma_wait3A_373 : memref<64x128xf32, #tpu.memory_space<vmem>>) dst(%dma_wait3A_379 : memref<10008x128xf32, #tpu.memory_space<vmem_shared>>)
        tpu.yield
      }) : () -> ()
      %add3A_333 = arith.constant 3 : i32
      %add3A_334 = arith.addi %add3A_258, %add3A_333 : i32
      %dma_wait3A_335 = arith.constant 3 : i32
      %dma_wait3A_336 = arith.constant 3 : i32
      %dma_wait3A_337 = arith.constant 0 : i32
      %dma_wait3A_338 = arith.constant 0 : i32
      %dma_wait3A_339 = tpu.memref_slice %arg9[%dma_wait3A_335, %dma_wait3A_337, %dma_wait3A_338] : memref<4x64x128xf32, #tpu.memory_space<vmem>> -> memref<1x64x128xf32, #tpu.memory_space<vmem>>
      %dma_wait3A_340 = tpu.memref_squeeze %dma_wait3A_339 : memref<1x64x128xf32, #tpu.memory_space<vmem>> -> memref<64x128xf32, #tpu.memory_space<vmem>>
      %dma_wait3A_341 = arith.constant 0 : i32
      %dma_wait3A_342 = tpu.memref_slice %arg7[%add3A_334, %dma_wait3A_341] : memref<40x64xi32, #tpu.memory_space<vmem>> -> memref<1x64xi32, #tpu.memory_space<vmem>>
      %dma_wait3A_343 = tpu.memref_squeeze %dma_wait3A_342 : memref<1x64xi32, #tpu.memory_space<vmem>> -> memref<64xi32, #tpu.memory_space<vmem>>
      %dma_wait3A_344 = arith.constant 0 : i32
      %dma_wait3A_345 = arith.constant 0 : i32
      %dma_wait3A_346 = tpu.memref_slice %arg2[%dma_wait3A_344, %dma_wait3A_345] : memref<20000x128xf32, #tpu.memory_space<hbm>> -> memref<20000x128xf32, #tpu.memory_space<hbm>>
      %dma_wait3A_347 = tpu.memref_slice %arg10[%dma_wait3A_336] : memref<4x!tpu.dma_semaphore, #tpu.memory_space<semaphore_mem>> -> memref<1x!tpu.dma_semaphore, #tpu.memory_space<semaphore_mem>>
      %dma_wait3A_348 = tpu.memref_squeeze %dma_wait3A_347 : memref<1x!tpu.dma_semaphore, #tpu.memory_space<semaphore_mem>> -> memref<!tpu.dma_semaphore, #tpu.memory_space<semaphore_mem>>
      tpu.wait_indirect_dma semaphore(%dma_wait3A_348 : memref<!tpu.dma_semaphore, #tpu.memory_space<semaphore_mem>>) src(%dma_wait3A_346 : memref<20000x128xf32, #tpu.memory_space<hbm>>) dst(%dma_wait3A_340 : memref<64x128xf32, #tpu.memory_space<vmem>>)
      %add3A_349 = arith.constant 4 : i32
      %add3A_350 = arith.addi %add3A_334, %add3A_349 : i32
      %sub3A_351 = arith.constant 1 : i32
      %sub3A_352 = arith.subi %add3A_350, %sub3A_351 : i32
      %lt3A_353 = arith.constant 40 : i32
      %lt3A_354 = arith.cmpi slt, %sub3A_352, %lt3A_353 : i32
      %convert_element_type3A_355 = arith.extui %lt3A_354 : i1 to i32
      %cond3A_356 = arith.constant 0 : i32
      %cond3A_357 = arith.cmpi ne, %convert_element_type3A_355, %cond3A_356 : i32
      scf.if %cond3A_357 {
        %add3A_359 = arith.constant 4 : i32
        %add3A_360 = arith.addi %add3A_334, %add3A_359 : i32
        %sub3A_361 = arith.constant 1 : i32
        %sub3A_362 = arith.subi %add3A_360, %sub3A_361 : i32
        %dma_start3A_363 = arith.constant 2 : i32
        %dma_start3A_364 = arith.constant 2 : i32
        %dma_start3A_365 = arith.constant 0 : i32
        %dma_start3A_366 = arith.constant 0 : i32
        %dma_start3A_367 = tpu.memref_slice %arg9[%dma_start3A_363, %dma_start3A_365, %dma_start3A_366] : memref<4x64x128xf32, #tpu.memory_space<vmem>> -> memref<1x64x128xf32, #tpu.memory_space<vmem>>
        %dma_start3A_368 = tpu.memref_squeeze %dma_start3A_367 : memref<1x64x128xf32, #tpu.memory_space<vmem>> -> memref<64x128xf32, #tpu.memory_space<vmem>>
        %dma_start3A_369 = arith.constant 0 : i32
        %dma_start3A_370 = tpu.memref_slice %arg7[%sub3A_362, %dma_start3A_369] : memref<40x64xi32, #tpu.memory_space<vmem>> -> memref<1x64xi32, #tpu.memory_space<vmem>>
        %dma_start3A_371 = tpu.memref_squeeze %dma_start3A_370 : memref<1x64xi32, #tpu.memory_space<vmem>> -> memref<64xi32, #tpu.memory_space<vmem>>
        %dma_start3A_372 = arith.constant 0 : i32
        %dma_start3A_373 = arith.constant 0 : i32
        %dma_start3A_374 = tpu.memref_slice %arg2[%dma_start3A_372, %dma_start3A_373] : memref<20000x128xf32, #tpu.memory_space<hbm>> -> memref<20000x128xf32, #tpu.memory_space<hbm>>
        %dma_start3A_375 = tpu.memref_slice %arg10[%dma_start3A_364] : memref<4x!tpu.dma_semaphore, #tpu.memory_space<semaphore_mem>> -> memref<1x!tpu.dma_semaphore, #tpu.memory_space<semaphore_mem>>
        %dma_start3A_376 = tpu.memref_squeeze %dma_start3A_375 : memref<1x!tpu.dma_semaphore, #tpu.memory_space<semaphore_mem>> -> memref<!tpu.dma_semaphore, #tpu.memory_space<semaphore_mem>>
        tpu.enqueue_indirect_dma source(%dma_start3A_374 : memref<20000x128xf32, #tpu.memory_space<hbm>>) target(%dma_start3A_368 : memref<64x128xf32, #tpu.memory_space<vmem>>) offsets(%dma_start3A_371 : memref<64xi32, #tpu.memory_space<vmem>>) semaphore(%dma_start3A_376 : memref<!tpu.dma_semaphore, #tpu.memory_space<semaphore_mem>>)
      } else {
      }
      %run_scoped3A_358 = arith.constant 3 : i32
      "tpu.region"() ({
        %run_scoped3A_359 = tpu.sem_alloc : memref<!tpu.dma_semaphore, #tpu.memory_space<semaphore_mem>>
        %dma_start3A_360 = arith.constant 0 : i32
        %dma_start3A_361 = arith.constant 0 : i32
        %dma_start3A_362 = tpu.memref_slice %arg9[%run_scoped3A_358, %dma_start3A_360, %dma_start3A_361] : memref<4x64x128xf32, #tpu.memory_space<vmem>> -> memref<1x64x128xf32, #tpu.memory_space<vmem>>
        %dma_start3A_363 = tpu.memref_squeeze %dma_start3A_362 : memref<1x64x128xf32, #tpu.memory_space<vmem>> -> memref<64x128xf32, #tpu.memory_space<vmem>>
        %dma_start3A_364 = arith.constant 0 : i32
        %dma_start3A_365 = tpu.memref_slice %arg8[%add3A_334, %dma_start3A_364] : memref<40x64xi32, #tpu.memory_space<vmem>> -> memref<1x64xi32, #tpu.memory_space<vmem>>
        %dma_start3A_366 = tpu.memref_squeeze %dma_start3A_365 : memref<1x64xi32, #tpu.memory_space<vmem>> -> memref<64xi32, #tpu.memory_space<vmem>>
        %dma_start3A_367 = arith.constant 0 : i32
        %dma_start3A_368 = arith.constant 0 : i32
        %dma_start3A_369 = tpu.memref_slice %arg6[%dma_start3A_367, %dma_start3A_368] : memref<10008x128xf32, #tpu.memory_space<vmem_shared>> -> memref<10008x128xf32, #tpu.memory_space<vmem_shared>>
        tpu.enqueue_indirect_dma source(%dma_start3A_363 : memref<64x128xf32, #tpu.memory_space<vmem>>) target(%dma_start3A_369 : memref<10008x128xf32, #tpu.memory_space<vmem_shared>>) offsets(%dma_start3A_366 : memref<64xi32, #tpu.memory_space<vmem>>) semaphore(%run_scoped3A_359 : memref<!tpu.dma_semaphore, #tpu.memory_space<semaphore_mem>>) {add = true}
        %dma_wait3A_370 = arith.constant 0 : i32
        %dma_wait3A_371 = arith.constant 0 : i32
        %dma_wait3A_372 = tpu.memref_slice %arg9[%run_scoped3A_358, %dma_wait3A_370, %dma_wait3A_371] : memref<4x64x128xf32, #tpu.memory_space<vmem>> -> memref<1x64x128xf32, #tpu.memory_space<vmem>>
        %dma_wait3A_373 = tpu.memref_squeeze %dma_wait3A_372 : memref<1x64x128xf32, #tpu.memory_space<vmem>> -> memref<64x128xf32, #tpu.memory_space<vmem>>
        %dma_wait3A_374 = arith.constant 0 : i32
        %dma_wait3A_375 = tpu.memref_slice %arg8[%add3A_334, %dma_wait3A_374] : memref<40x64xi32, #tpu.memory_space<vmem>> -> memref<1x64xi32, #tpu.memory_space<vmem>>
        %dma_wait3A_376 = tpu.memref_squeeze %dma_wait3A_375 : memref<1x64xi32, #tpu.memory_space<vmem>> -> memref<64xi32, #tpu.memory_space<vmem>>
        %dma_wait3A_377 = arith.constant 0 : i32
        %dma_wait3A_378 = arith.constant 0 : i32
        %dma_wait3A_379 = tpu.memref_slice %arg6[%dma_wait3A_377, %dma_wait3A_378] : memref<10008x128xf32, #tpu.memory_space<vmem_shared>> -> memref<10008x128xf32, #tpu.memory_space<vmem_shared>>
        tpu.wait_indirect_dma semaphore(%run_scoped3A_359 : memref<!tpu.dma_semaphore, #tpu.memory_space<semaphore_mem>>) src(%dma_wait3A_373 : memref<64x128xf32, #tpu.memory_space<vmem>>) dst(%dma_wait3A_379 : memref<10008x128xf32, #tpu.memory_space<vmem_shared>>)
        tpu.yield
      }) : () -> ()
    }
    %scan3A_242 = arith.constant 10 : i32
    %barrier3A_243 = arith.constant 0 : index
    tpu.barrier barrier_id(%barrier3A_243)
    %mul3A_244 = arith.constant 624 : i32
    %mul3A_245 = arith.muli %arg1, %mul3A_244 : i32
    %mul3A_246 = arith.constant 10000 : i32
    %mul3A_247 = arith.muli %arg0, %mul3A_246 : i32
    %add3A_248 = arith.addi %mul3A_247, %mul3A_245 : i32
    "tpu.region"() ({
      %run_scoped3A = tpu.sem_alloc : memref<!tpu.dma_semaphore, #tpu.memory_space<semaphore_mem>>
      %dma_start3A_254 = arith.constant 0 : i32
      %dma_start3A_255 = tpu.memref_slice %arg5[%add3A_248, %dma_start3A_254] : memref<20000x128xf32, #tpu.memory_space<hbm>> -> memref<624x128xf32, #tpu.memory_space<hbm>>
      %dma_start3A_256 = arith.constant 0 : i32
      %dma_start3A_257 = tpu.memref_slice %arg6[%mul3A_245, %dma_start3A_256] : memref<10008x128xf32, #tpu.memory_space<vmem_shared>> -> memref<624x128xf32, #tpu.memory_space<vmem_shared>>
      tpu.enqueue_dma source(%dma_start3A_257 : memref<624x128xf32, #tpu.memory_space<vmem_shared>>) target(%dma_start3A_255 : memref<624x128xf32, #tpu.memory_space<hbm>>) target_semaphore(%run_scoped3A : memref<!tpu.dma_semaphore, #tpu.memory_space<semaphore_mem>>)
      %dma_wait3A = arith.constant 0 : i32
      %dma_wait3A_258 = tpu.memref_slice %arg5[%add3A_248, %dma_wait3A] : memref<20000x128xf32, #tpu.memory_space<hbm>> -> memref<624x128xf32, #tpu.memory_space<hbm>>
      %dma_wait3A_259 = arith.constant 0 : i32
      %dma_wait3A_260 = tpu.memref_slice %arg6[%mul3A_245, %dma_wait3A_259] : memref<10008x128xf32, #tpu.memory_space<vmem_shared>> -> memref<624x128xf32, #tpu.memory_space<vmem_shared>>
      tpu.wait_dma2 semaphore(%run_scoped3A : memref<!tpu.dma_semaphore, #tpu.memory_space<semaphore_mem>>) src(%dma_wait3A_260 : memref<624x128xf32, #tpu.memory_space<vmem_shared>>) dst(%dma_wait3A_258 : memref<624x128xf32, #tpu.memory_space<hbm>>)
      tpu.yield
    }) : () -> ()
    %eq3A_249 = arith.constant 15 : i32
    %eq3A_250 = arith.cmpi eq, %arg1, %eq3A_249 : i32
    %convert_element_type3A_251 = arith.extui %eq3A_250 : i1 to i32
    %cond3A_252 = arith.constant 0 : i32
    %cond3A_253 = arith.cmpi ne, %convert_element_type3A_251, %cond3A_252 : i32
    scf.if %cond3A_253 {
      %mul3A_254 = arith.constant 10000 : i32
      %mul3A_255 = arith.muli %arg0, %mul3A_254 : i32
      %add3A_256 = arith.constant 9984 : i32
      %add3A_257 = arith.addi %mul3A_255, %add3A_256 : i32
      "tpu.region"() ({
        %run_scoped3A = tpu.sem_alloc : memref<!tpu.dma_semaphore, #tpu.memory_space<semaphore_mem>>
        %dma_start3A_258 = arith.constant 0 : i32
        %dma_start3A_259 = tpu.memref_slice %arg5[%add3A_257, %dma_start3A_258] : memref<20000x128xf32, #tpu.memory_space<hbm>> -> memref<16x128xf32, #tpu.memory_space<hbm>>
        %dma_start3A_260 = arith.constant 9984 : i32
        %dma_start3A_261 = arith.constant 0 : i32
        %dma_start3A_262 = tpu.memref_slice %arg6[%dma_start3A_260, %dma_start3A_261] : memref<10008x128xf32, #tpu.memory_space<vmem_shared>> -> memref<16x128xf32, #tpu.memory_space<vmem_shared>>
        tpu.enqueue_dma source(%dma_start3A_262 : memref<16x128xf32, #tpu.memory_space<vmem_shared>>) target(%dma_start3A_259 : memref<16x128xf32, #tpu.memory_space<hbm>>) target_semaphore(%run_scoped3A : memref<!tpu.dma_semaphore, #tpu.memory_space<semaphore_mem>>)
        %dma_wait3A = arith.constant 0 : i32
        %dma_wait3A_263 = tpu.memref_slice %arg5[%add3A_257, %dma_wait3A] : memref<20000x128xf32, #tpu.memory_space<hbm>> -> memref<16x128xf32, #tpu.memory_space<hbm>>
        %dma_wait3A_264 = arith.constant 9984 : i32
        %dma_wait3A_265 = arith.constant 0 : i32
        %dma_wait3A_266 = tpu.memref_slice %arg6[%dma_wait3A_264, %dma_wait3A_265] : memref<10008x128xf32, #tpu.memory_space<vmem_shared>> -> memref<16x128xf32, #tpu.memory_space<vmem_shared>>
        tpu.wait_dma2 semaphore(%run_scoped3A : memref<!tpu.dma_semaphore, #tpu.memory_space<semaphore_mem>>) src(%dma_wait3A_266 : memref<16x128xf32, #tpu.memory_space<vmem_shared>>) dst(%dma_wait3A_263 : memref<16x128xf32, #tpu.memory_space<hbm>>)
        tpu.yield
      }) : () -> ()
    } else {
    }
    return
  }
}

</mosaic_0001>

<sc_bundles>
// kernel: _sc_agg.3.cloned.1.call-start
scs
__scs_entry_jumppad:
0x0: {  	(pc) =	sbr.rel $0x88, $3  }
0x1: {  	(tag) =	ssettag $0x0;
	lr =	simm.s32 $0x1  }
0x2: {  	[smem:$0x3F9E] =	sst lr;
	_ =	strace $0xD0000000  }
0x3: {  	_ = 	snop  }
0x4: {  	_ = 	snop  }
0x5: {  	_ = 	snop  }
0x6: {  	_ = 	snop  }
0x7: {  	_ = 	snop  }
__scs_overlays_trampoline_lowered:
0x8: {  	[smem:$0x3FAD] =	sst s0  }
0x9: {  	[smem:$0x3FAE] =	sst s1  }
0xa: {  	[smem:$0x3FAF] =	sst s2  }
0xb: {  	[smem:$0x3FB0] =	sst s3  }
0xc: {  	[smem:$0x3FB1] =	sst s4  }
0xd: {  	[smem:$0x3FB2] =	sst s5  }
0xe: {  	[smem:$0x3FB3] =	sst s6  }
0xf: {  	[smem:$0x3FB4] =	sst s7  }
0x10: {  	[smem:$0x3FB5] =	sst s8  }
0x11: {  	[smem:$0x3FB6] =	sst s9;
	s0 =	simm.s32 @!p0 $0x0  }
0x12: {  	s1 =	sld [smem:$0x3F9C];
	s0 =	simm.s32 @p0 $0x1  }
0x13: {  	[smem:$0x3FB7] =	sst s0;
	s0 =	simm.s32 @!p1 $0x0  }
0x14: {  	s2 =	sld [smem:$0x3F9B];
	s0 =	simm.s32 @p1 $0x1  }
0x15: {  	[smem:$0x3FB8] =	sst s0;
	s0 =	simm.s32 @!p2 $0x0  }
0x16: {  	s3 =	sld [smem:$0x3FDB];
	s0 =	simm.s32 @p2 $0x1  }
0x17: {  	s4 =	simm.s32 $0x1BF5;
	[smem:$0x3FBA] =	sst s0  }
0x18: {  	s0 =	sld [smem:$0x3F9D];
	_ =	swait.ge [sflag:s4], $0x0  }
0x19: {  	s7 =	sld [smem:$0x3F9E]  }
0x1a: {  	s8 =	sadd.s32 $0xFFFFE003, lr  }
0x1b: {  	s9 =	sadd.s32 $0xFFFFFEF7, lr;
	s5 =	simm.s32 $0xFFFFFFFF;
	p2 =	slt.u32 s8, $0xFFFFF086  }
0x1c: {  	p1 =	slt.u32 s9, $0xF7A;
	s5 =	simm.s32 @!p2 $0x0  }
0x1d: {  	s5 =	simm.s32 @p1 $0x1;
	p0 =	seq.s32 s7, s2  }
0x1e: {  	s7 =	smul.u32 @!p0 $0xF7A, s2;
	p2 =	seq.s32 @!p0 s5, $0x0  }
0x1f: {  	s9 =	smul.u32 $0xF7A, s1;
	s8 =	simm.s32 @!p0 $0x1BF5;
	p2 =	por !p2, p0  }
0x20: {  	[sflag:s8] =	ssyncset.s32 @!p0 $0xFFFFF086;
	s6 =	sadd.s32 @!p0 s3, s7;
	s7 =	simm.s32 @!p0 $0x108  }
0x21: {  	s3 =	sadd.s32 s3, s9;
	s6 =	sadd.s32 @!p0 $0x88, s6;
	s7 =	simm.s32 @p2 $0x1082  }
0x22: {  	[simem:s7], [sflag:s8] =	dma.local @!p0 [hbm:s6], $0xF7A  }
0x23: {  	s9 =	sor.u32 $0xD0000000, s2;
	s6 =	simm.s32 $0x108;
	_ =	swait.ge @!p0 [sflag:s8], $0x0  }
0x24: {  	s3 =	sadd.s32 $0x88, s3;
	s6 =	simm.s32 @!p1 $0x1082;
	[sflag:s4] =	ssyncset.s32 $0xFFFFF086  }
0x25: {  	[simem:s6], [sflag:s4] =	dma.local [hbm:s3], $0xF7A  }
0x26: {  	[smem:$0x3F9E] =	sst s1;
	(tag) =	ssettag s2;
	_ =	strace s9  }
0x27: {  	s1 =	sld [smem:$0x3FAE]  }
0x28: {  	s2 =	sld [smem:$0x3FAF]  }
0x29: {  	s4 =	sld [smem:$0x3FB1]  }
0x2a: {  	p0 =	seq.s32 s5, $0x0;
	s5 =	sld [smem:$0x3FB2]  }
0x2b: {  	s6 =	sld [smem:$0x3FB3]  }
0x2c: {  	s7 =	sld [smem:$0x3FB4]  }
0x2d: {  	s3 =	simm.s32 $0x108;
	s8 =	sld [smem:$0x3FB5]  }
0x2e: {  	s3 =	simm.s32 @!p0 $0x1082;
	s9 =	sld [smem:$0x3FB6]  }
0x2f: {  	lr =	sadd.s32 s0, s3;
	s0 =	sld [smem:$0x3FAD]  }
0x30: {  	s3 =	sld [smem:$0x3FB0]  }
0x31: {  	[smem:$0x3FB9] =	sst s10  }
0x32: {  	s10 =	sld [smem:$0x3FB7];
	_ =	sdelay $0x3  }
0x33: {  	p0 =	seq.s32 s10, $0x1;
	s10 =	sld [smem:$0x3FB9];
	_ =	sdelay $0x3  }
0x34: {  	[smem:$0x3FB9] =	sst s10  }
0x35: {  	s10 =	sld [smem:$0x3FB8];
	_ =	sdelay $0x3  }
0x36: {  	p1 =	seq.s32 s10, $0x1;
	s10 =	sld [smem:$0x3FB9];
	_ =	sdelay $0x3  }
0x37: {  	[smem:$0x3FB9] =	sst s10  }
0x38: {  	s10 =	sld [smem:$0x3FBA]  }
0x39: {  	_ = 	snop;
	(pc) =	sbr.ind lr, $3  }
0x3a: {  	_ = 	snop  }
0x3b: {  	_ = 	snop  }
0x3c: {  	p2 =	seq.s32 s10, $0x1;
	s10 =	sld [smem:$0x3FB9]  }
0x3d: {  	_ =	shalt  }
0x3e: {  	_ =	shalt  }
0x3f: {  	_ =	shalt  }
0x40: {  	_ =	shalt  }
0x41: {  	_ =	shalt  }
0x42: {  	_ =	shalt  }
0x43: {  	_ =	shalt  }
0x44: {  	_ =	shalt  }
0x45: {  	_ =	shalt  }
0x46: {  	_ =	shalt  }
0x47: {  	_ =	shalt  }
0x48: {  	_ =	shalt  }
0x49: {  	_ =	shalt  }
0x4a: {  	_ =	shalt  }
0x4b: {  	_ =	shalt  }
0x4c: {  	_ =	shalt  }
0x4d: {  	_ =	shalt  }
0x4e: {  	_ =	shalt  }
0x4f: {  	_ =	shalt  }
0x50: {  	_ =	shalt  }
0x51: {  	_ =	shalt  }
0x52: {  	_ =	shalt  }
0x53: {  	_ =	shalt  }
0x54: {  	_ =	shalt  }
0x55: {  	_ =	shalt  }
0x56: {  	_ =	shalt  }
0x57: {  	_ =	shalt  }
0x58: {  	_ =	shalt  }
0x59: {  	_ =	shalt  }
0x5a: {  	_ =	shalt  }
0x5b: {  	_ =	shalt  }
0x5c: {  	_ =	shalt  }
0x5d: {  	_ =	shalt  }
0x5e: {  	_ =	shalt  }
0x5f: {  	_ =	shalt  }
0x60: {  	_ =	shalt  }
0x61: {  	_ =	shalt  }
0x62: {  	_ =	shalt  }
0x63: {  	_ =	shalt  }
0x64: {  	_ =	shalt  }
0x65: {  	_ =	shalt  }
0x66: {  	_ =	shalt  }
0x67: {  	_ =	shalt  }
0x68: {  	_ =	shalt  }
0x69: {  	_ =	shalt  }
0x6a: {  	_ =	shalt  }
0x6b: {  	_ =	shalt  }
0x6c: {  	_ =	shalt  }
0x6d: {  	_ =	shalt  }
0x6e: {  	_ =	shalt  }
0x6f: {  	_ =	shalt  }
0x70: {  	_ =	shalt  }
0x71: {  	_ =	shalt  }
0x72: {  	_ =	shalt  }
0x73: {  	_ =	shalt  }
0x74: {  	_ =	shalt  }
0x75: {  	_ =	shalt  }
0x76: {  	_ =	shalt  }
0x77: {  	_ =	shalt  }
0x78: {  	_ =	shalt  }
0x79: {  	_ =	shalt  }
0x7a: {  	_ =	shalt  }
0x7b: {  	_ =	shalt  }
0x7c: {  	_ =	shalt  }
0x7d: {  	_ =	shalt  }
0x7e: {  	_ =	shalt  }
0x7f: {  	_ =	shalt  }
0x80: {  	_ =	shalt  }
0x81: {  	_ =	shalt  }
0x82: {  	_ =	shalt  }
0x83: {  	_ =	shalt  }
0x84: {  	_ =	shalt  }
0x85: {  	_ =	shalt  }
0x86: {  	_ =	shalt  }
0x87: {  	_ =	shalt  }
.Lfunc_end0:
.L_simem_size_0:
called_computation_lowered:
.L_overlay_start_0:
0x88: {  	s2 =	sld [smem:$0x3FD9]  }
0x89: {  	s3 =	sld [smem:$0x3FFE];
	_ =	sdelay $0x1  }
0x8a: {  	s1 =	srdreg.scid  }
0x8b: {  	s0 =	sand.u32 $0x1, s1  }
0x8c: {  	s17 =	sshll.u32 s0, $0xA;
	s2 =	sadd.s32 s3, s2  }
0x8d: {  	s2 =	sadd.s32 s2, s17  }
0x8e: {  	[smem:$0x3FC5] =	sst s2  }
0x8f: {  	_ = 	snop  }
0x90: {  	s2 =	sld [smem:$0x3FC9]  }
0x91: {  	s18 =	sld [smem:$0x3FD0];
	(tm) =	ssettm $0x1  }
0x92: {  	s4 =	sld [smem:$0x3FFB];
	_ =	sdelay $0x3  }
0x93: {  	_ =	strace s4  }
0x94: {  	s4 =	sld [smem:$0x3FFC];
	_ =	sdelay $0x3  }
0x95: {  	_ =	strace s4  }
0x96: {  	s4 =	sld [smem:$0x3FFD];
	_ =	sdelay $0x3  }
0x97: {  	_ =	strace s4  }
0x98: {  	_ =	strace $0x8FFFFFFF  }
0x99: {  	s19 =	sld [smem:$0x3FDB];
	_ =	sdelay $0x1  }
0x9a: {  	s5 =	simm.s32 $_scs_section_size  }
0x9b: {  	s6 =	simm.s32 $_size__tile_overlayer_lowered;
	s7 =	simm.s32 $_tile_overlayer_lowered  }
0x9c: {  	s22 =	simm.s32 $0x1BFF;
	s21 =	sshll.u32 s7, $0x1;
	s4 =	sadd.s32 s5, s19  }
0x9d: {  	s8 =	simm.s32 $0x0;
	s20 =	sshll.u32 s6, $0x1;
	s6 =	sadd.s32 s21, s4  }
0x9e: {  	[timem:s8], [sflag:s22] =	dma.local [hbm:s6], s20  }
0x9f: {  	_ =	swait.ge [sflag:s22], s20  }
0xa0: {  	s5 =	ssub.s32 $0x0, s20;
	[sflag:s22] =	ssyncset.done $0x0  }
0xa1: {  	[sflag:s22] =	ssyncadd.s32 s5;
	_ =	sdelay $0x1  }
0xa2: {  	s23 =	simm.s32 $0x1B8B  }
0xa3: {  	_ =	swait.ge [sflag:s23], $0x1  }
0xa4: {  	[sflag:s23] =	ssyncset.done $0x0  }
0xa5: {  	s25 =	simm.s32 $0x1B8E;
	s24 =	sld [smem:$0x3FFE];
	[sflag:s23] =	ssyncadd.s32 $0xFFFFFFFF  }
0xa6: {  	s26 =	simm.s32 $execute0_lowered;
	[smem:$0x3FD2] =	sst s25  }
0xa7: {  	s6 =	sshll.u32 s26, $0x1;
	_ =	strace $0x80000046;
	[dreg:$0x1] =	wrdreg $0xFFFFFFFF  }
0xa8: {  	s28 =	simm.s32 $_size_execute0_lowered;
	s4 =	sadd.s32 s4, s6;
	[dreg:$0x0] =	wrdreg $0x0  }
0xa9: {  	s6 =	sshll.u32 s28, $0x1;
	[dreg:$0x2] =	wrdreg s4  }
0xaa: {  	[dreg:$0x3] =	wrdreg s6  }
0xab: {  	[dreg:$0x4] =	wrdreg $0xC0  }
0xac: {  	_ =	task [dreg:s8], $0x5FFFF  }
0xad: {  	[dreg:$0x1] =	wrdreg $0xFFFFFFFF  }
0xae: {  	[dreg:$0x0] =	wrdreg $0x60  }
0xaf: {  	[dreg:$0x2] =	wrdreg s2  }
0xb0: {  	[dreg:$0x3] =	wrdreg s24  }
0xb1: {  	[dreg:$0x4] =	wrdreg s18  }
0xb2: {  	[dreg:$0x5] =	wrdreg $0x0  }
0xb3: {  	[dreg:$0x6] =	wrdreg $0x9  }
0xb4: {  	_ =	task.clear_ibuf [dreg:s8], $0x7FFFF;
	_ =	strace $0x90000046  }
0xb5: {  	s29 =	simm.s32 $0x9;
	_ =	strace $0x80000048  }
0xb6: {  	_ =	swait.ge [sflag:s29], $0x1  }
0xb7: {  	[sflag:s29] =	ssyncadd.s32 $0xFFFFFFFF  }
0xb8: {  	_ =	strace $0x90000048  }
0xb9: {  	_ =	sfence  }
0xba: {  	s30 =	sld [smem:$0x0];
	_ =	sdelay $0x2  }
0xbb: {  	s31 =	sshll.u32 s1, $0xD;
	s1 =	sshrl.u32 s1, $0x2  }
0xbc: {  	s3 =	sand.u32 $0x4000, s31;
	s1 =	sadd.s32 s1, s30  }
0xbd: {  	s0 =	sor.u32 s3, s0;
	s1 =	sshll.u32 s1, $0x11  }
0xbe: {  	s0 =	sor.u32 s1, s0  }
0xbf: {  	s0 =	sadd.s32 $0x8F2B, s0  }
0xc0: {  	[sflag:s0] =	ssyncadd.remote.s32 $0x1  }
0xc1: {  	_ =	sfence.sel $0xFFFF  }
0xc2: {  	[dreg:$0x0] =	wrdreg $0xFFFFFFFF;
	(pc) =	sbr.abs _section_cstart, $3  }
0xc3: {  	[dreg:$0x1] =	wrdreg $0xFFFFFFFF  }
0xc4: {  	_ =	task.clear_ibuf [dreg:s8], $0x2FFFF;
	_ =	strace $0x9FFFFFFF  }
0xc5: {  	(tm) =	ssettm $0x7FFFFFFF  }
tec
execute0_lowered:
.L_overlay_start_1:
0x0: {  	(tag) =	ssettag $0x1  }
0x1: {  	s0 =	rddreg [dreg:$0x0]  }
0x2: {  	s1 =	rddreg [dreg:$0x1]  }
0x3: {  	s2 =	rddreg [dreg:$0x2];
	s11 =	stileid.u32  }
0x4: {  	s4 =	srdreg.scid;
	s6 =	smul.u32 $0xA0, s11  }
0x5: {  	s3 =	rddreg [dreg:$0x3];
	s13 =	smul.u32 $0xA00, s11  }
0x6: {  	s7 =	simm.s32 $0x0;
	s28 =	simm.s32 $0x139C0;
	s8 =	smul.u32 $0x4E000, s11  }
0x7: {  	s29 =	simm.s32 $0x1A0C0;
	s30 =	simm.s32 $0x1;
	s15 =	smul.u32 $0x270, s11  }
0x8: {  	s31 =	simm.s32 $0x1C0C0;
	s4 =	sand.u32 $0x1, s4;
	s18 =	smul.u32 $0x5000, s11  }
0x9: {  	[smem:$0x7FF] =	sst s7;
	s21 =	sadd.s32 $0x138000, s3;
	s5 =	smul.u32 $0xA00, s4  }
0xa: {  	p0 =	sne.s32 s11, $0xF;
	_ =	strace $0x80000047;
	s10 =	smul.u32 $0x2710, s4  }
0xb: {  	s14 =	ssub.s32 $0x2, s4;
	s4 =	smul.u32 $0x138800, s4;
	[dreg:$0x9] =	wrdreg s21  }
0xc: {  	s21 =	simm.s32 $0x5;
	s9 =	sshrl.u32 s14, $0x1;
	s16 =	sshrl.u32 s8, $0x2  }
0xd: {  	s20 =	sshrl.u32 s18, $0x3;
	s5 =	sadd.s32 s6, s5;
	s7 =	ssub.s32 s14, s9  }
0xe: {  	s17 =	sadd.s32 s15, s10;
	s4 =	sshrl.u32 s4, $0x3;
	s9 =	simm.s32 $0x16040  }
0xf: {  	s10 =	simm.s32 $0x0;
	s5 =	sshll.u32 s5, $0x4;
	s19 =	sshll.u32 s17, $0x4  }
0x10: {  	s4 =	sadd.s32 $0x27000, s4;
	s5 =	sadd.s32 s5, s1;
	s1 =	sadd.s32 $0x600, s1  }
0x11: {  	s8 =	sadd.s32 s0, s19;
	s22 =	sadd.s32 s0, s4;
	s17 =	sadd.s32 s2, s19  }
0x12: {  	s18 =	sadd.s32 s2, s4;
	s19 =	smax.u32 s7, $0x1;
	[dreg:$0x8] =	wrdreg s8  }
0x13: {  	s2 =	simm.s32 $0x3;
	s12 =	sadd.s32 $0xA600, s5;
	[dreg:$0xa] =	wrdreg s22  }
0x14: {  	s4 =	simm.s32 $0x4;
	s6 =	sadd.s32 s1, s13;
	[dreg:$0x5] =	wrdreg s12  }
0x15: {  	s7 =	simm.s32 $0x15F40;
	s23 =	sadd.s32 $0xA880, s5;
	[dreg:$0x6] =	wrdreg s6  }
0x16: {  	s1 =	sadd.s32 s1, s20;
	s25 =	sadd.s32 $0xAB00, s5;
	[dreg:$0xb] =	wrdreg s23  }
0x17: {  	s5 =	sadd.s32 $0xAD80, s5;
	s20 =	simm.s32 $0x138C0;
	[dreg:$0xd] =	wrdreg s25  }
0x18: {  	s22 =	simm.s32 $0x14CC0;
	s6 =	sadd.s32 s16, s3;
	[dreg:$0xf] =	wrdreg s5  }
0x19: {  	s8 =	simm.s32 $0x15FC0;
	s24 =	sadd.s32 $0x280, s1;
	[dreg:$0x7] =	wrdreg s6  }
0x1a: {  	s26 =	sadd.s32 $0x500, s1;
	s1 =	sadd.s32 $0x780, s1;
	[dreg:$0xc] =	wrdreg s24  }
0x1b: {  	s23 =	simm.s32 $0x40;
	s25 =	simm.s32 $0x13940;
	[dreg:$0xe] =	wrdreg s26  }
0x1c: {  	s5 =	simm.s32 $0x14C40;
	[dreg:$0x10] =	wrdreg s1;
	s24 =	simm.s32 $0x160C0  }
0x1d: {  	s26 =	simm.s32 $0x180C0;
	s1 =	simm.s32 $0x2;
	s6 =	simm.s32 $0x15EC0  }
.LBB2_1:
0x1e: {  	s11 =	simm.s32 $0x0;
	s12 =	rddreg [dreg:$0x5]  }
0x1f: {  	[tilespmem:s20], [sflag:$0x5] =	stream.linear.gather [hbm4b:s12+s11], $0x1400, $0x38;
	[tilespmem:$0x1E0C0] =	vst v63  }
0x20: {  	_ =	swait.ge [sflag:s21], $0x1400  }
0x21: {  	[sflag:s21] =	ssyncset.done $0x0  }
0x22: {  	s16 =	rddreg [dreg:$0x6];
	[sflag:s21] =	ssyncadd.s32 $0xFFFFEC00  }
0x23: {  	[tilespmem:s22], [sflag:$0x5] =	stream.linear.gather [hbm4b:s16+s11], $0x1400, $0x38;
	[tilespmem:$0x1E0C0] =	vst v63  }
0x24: {  	_ =	swait.ge [sflag:s21], $0x1400  }
0x25: {  	[sflag:s21] =	ssyncset.done $0x0  }
0x26: {  	s13 =	stileid.u32;
	[sflag:s21] =	ssyncadd.s32 $0xFFFFEC00  }
0x27: {  	[tilespmem:s24], [sflag:$0x1] =	stream.indirect.gather [hbm4b:s0+s23], $0x80, s20, s23, $0xb8;
	[tilespmem:$0x1E0C0] =	vst v63  }
0x28: {  	s11 =	sshll.u32 s13, $0x6;
	s14 =	rddreg [dreg:$0x7]  }
0x29: {  	[tilespmem:s26], [sflag:$0x2] =	stream.indirect.gather [hbm4b:s0+s23], $0x80, s25, s23, $0xb8;
	[tilespmem:$0x1E0C0] =	vst v63  }
0x2a: {  	s11 =	sor.u32 $0x1C05, s11;
	s13 =	rddreg [dreg:$0x8];
	s12 =	sshrl.u32 s14, $0x3  }
0x2b: {  	[tilespmem:s29], [sflag:$0x3] =	stream.indirect.gather [hbm4b:s0+s23], $0x80, s28, s23, $0xb8;
	[tilespmem:$0x1E0C0] =	vst v63  }
0x2c: {  	[spmem:s12], [sflag:s11] =	dma.local [hbm:s13], $0x2700  }
0x2d: {  	_ =	swait.ge [sflag:s21], $0x2700  }
0x2e: {  	[sflag:s21] =	ssyncset.done $0x0;
	s13 =	rddreg [dreg:$0x9]  }
0x2f: {  	s14 =	rddreg [dreg:$0xa];
	[sflag:s21] =	ssyncadd.s32 $0xFFFFD900;
	s13 =	sshrl.u32 @!p0 s13, $0x3  }
0x30: {  	[spmem:s13], [sflag:s11] =	dma.local @!p0 [hbm:s14], $0x100  }
0x31: {  	s14 =	simm.s32 @!p0 $0x5  }
0x32: {  	_ =	swait.ge @!p0 [sflag:s14], $0x100  }
0x33: {  	[sflag:s14] =	ssyncset.done @!p0 $0x0  }
0x34: {  	[sflag:s14] =	ssyncadd.s32 @!p0 $0xFFFFFF00  }
0x35: {  	[bflag:$0x0] =	sbarrier.arrive $0xFFFF  }
0x36: {  	_ =	swait.ge [sflag:s30], $0x2000  }
0x37: {  	[sflag:s30] =	ssyncset.done $0x0  }
0x38: {  	s15 =	simm.s32 $0x13A40;
	[sflag:s30] =	ssyncadd.s32 $0xFFFFE000  }
0x39: {  	[tilespmem:s31], [sflag:$0x4] =	stream.indirect.gather [hbm4b:s0+s23], $0x80, s15, s23, $0xb8;
	[tilespmem:$0x1E0C0] =	vst v63  }
0x3a: {  	s16 =	simm.s32 $0x14CC0  }
0x3b: {  	[spmem:s3] =	stream.indirect.scatter.add.f32 [tilespmem:s24], [sflag:$0x5], $0x80, s16, s23, $0xb8;
	[tilespmem:$0x1E0C0] =	vst v63  }
0x3c: {  	_ =	swait.ge [sflag:s21], $0x2000  }
0x3d: {  	[sflag:s21] =	ssyncset.done $0x0  }
0x3e: {  	[sflag:s21] =	ssyncadd.s32 $0xFFFFE000  }
0x3f: {  	_ =	swait.ge [sflag:s1], $0x2000  }
0x40: {  	[sflag:s1] =	ssyncset.done $0x0  }
0x41: {  	s15 =	simm.s32 $0x13AC0;
	[sflag:s1] =	ssyncadd.s32 $0xFFFFE000  }
0x42: {  	[tilespmem:s24], [sflag:$0x1] =	stream.indirect.gather [hbm4b:s0+s23], $0x80, s15, s23, $0xb8;
	[tilespmem:$0x1E0C0] =	vst v63  }
0x43: {  	s16 =	simm.s32 $0x14D40  }
0x44: {  	[spmem:s3] =	stream.indirect.scatter.add.f32 [tilespmem:s26], [sflag:$0x5], $0x80, s16, s23, $0xb8;
	[tilespmem:$0x1E0C0] =	vst v63  }
0x45: {  	_ =	swait.ge [sflag:s21], $0x2000  }
0x46: {  	[sflag:s21] =	ssyncset.done $0x0  }
0x47: {  	[sflag:s21] =	ssyncadd.s32 $0xFFFFE000  }
0x48: {  	_ =	swait.ge [sflag:s2], $0x2000  }
0x49: {  	[sflag:s2] =	ssyncset.done $0x0  }
0x4a: {  	s15 =	simm.s32 $0x13B40;
	[sflag:s2] =	ssyncadd.s32 $0xFFFFE000  }
0x4b: {  	[tilespmem:s26], [sflag:$0x2] =	stream.indirect.gather [hbm4b:s0+s23], $0x80, s15, s23, $0xb8;
	[tilespmem:$0x1E0C0] =	vst v63  }
0x4c: {  	s16 =	simm.s32 $0x14DC0  }
0x4d: {  	[spmem:s3] =	stream.indirect.scatter.add.f32 [tilespmem:s29], [sflag:$0x5], $0x80, s16, s23, $0xb8;
	[tilespmem:$0x1E0C0] =	vst v63  }
0x4e: {  	_ =	swait.ge [sflag:s21], $0x2000  }
0x4f: {  	[sflag:s21] =	ssyncset.done $0x0  }
0x50: {  	[sflag:s21] =	ssyncadd.s32 $0xFFFFE000  }
0x51: {  	_ =	swait.ge [sflag:s4], $0x2000  }
0x52: {  	[sflag:s4] =	ssyncset.done $0x0  }
0x53: {  	s15 =	simm.s32 $0x13BC0;
	[sflag:s4] =	ssyncadd.s32 $0xFFFFE000  }
0x54: {  	[tilespmem:s29], [sflag:$0x3] =	stream.indirect.gather [hbm4b:s0+s23], $0x80, s15, s23, $0xb8;
	[tilespmem:$0x1E0C0] =	vst v63  }
0x55: {  	s16 =	simm.s32 $0x14E40  }
0x56: {  	[spmem:s3] =	stream.indirect.scatter.add.f32 [tilespmem:s31], [sflag:$0x5], $0x80, s16, s23, $0xb8;
	[tilespmem:$0x1E0C0] =	vst v63  }
0x57: {  	_ =	swait.ge [sflag:s21], $0x2000  }
0x58: {  	s14 =	simm.s32 $0x800;
	[sflag:s21] =	ssyncset.done $0x0  }
.LBB2_2:
0x59: {  	p1 =	sne.s32 s14, $0x4000  }
0x5a: {  	[sflag:s21] =	ssyncadd.s32 $0xFFFFE000;
	s15 =	smov.u32 s14;
	s14 =	sadd.s32 $0x800, s14  }
0x5b: {  	_ = 	snop  }
0x5c: {  	_ =	swait.ge [sflag:s30], $0x2000  }
0x5d: {  	s15 =	sshra.s32 s15, $0x2;
	[sflag:s30] =	ssyncset.done $0x0  }
0x5e: {  	s16 =	sadd.s32 $0x13A40, s15;
	[sflag:s30] =	ssyncadd.s32 $0xFFFFE000  }
0x5f: {  	[tilespmem:s31], [sflag:$0x4] =	stream.indirect.gather [hbm4b:s0+s23], $0x80, s16, s23, $0xb8;
	[tilespmem:$0x1E0C0] =	vst v63  }
0x60: {  	s16 =	sadd.s32 $0x14CC0, s15  }
0x61: {  	[spmem:s3] =	stream.indirect.scatter.add.f32 [tilespmem:s24], [sflag:$0x5], $0x80, s16, s23, $0xb8;
	[tilespmem:$0x1E0C0] =	vst v63  }
0x62: {  	_ =	swait.ge [sflag:s21], $0x2000  }
0x63: {  	[sflag:s21] =	ssyncset.done $0x0  }
0x64: {  	[sflag:s21] =	ssyncadd.s32 $0xFFFFE000  }
0x65: {  	_ =	swait.ge [sflag:s1], $0x2000  }
0x66: {  	[sflag:s1] =	ssyncset.done $0x0  }
0x67: {  	s16 =	sadd.s32 $0x13AC0, s15;
	[sflag:s1] =	ssyncadd.s32 $0xFFFFE000  }
0x68: {  	[tilespmem:s24], [sflag:$0x1] =	stream.indirect.gather [hbm4b:s0+s23], $0x80, s16, s23, $0xb8;
	[tilespmem:$0x1E0C0] =	vst v63  }
0x69: {  	s16 =	sadd.s32 $0x14D40, s15  }
0x6a: {  	[spmem:s3] =	stream.indirect.scatter.add.f32 [tilespmem:s26], [sflag:$0x5], $0x80, s16, s23, $0xb8;
	[tilespmem:$0x1E0C0] =	vst v63  }
0x6b: {  	_ =	swait.ge [sflag:s21], $0x2000  }
0x6c: {  	[sflag:s21] =	ssyncset.done $0x0  }
0x6d: {  	[sflag:s21] =	ssyncadd.s32 $0xFFFFE000  }
0x6e: {  	_ =	swait.ge [sflag:s2], $0x2000  }
0x6f: {  	[sflag:s2] =	ssyncset.done $0x0  }
0x70: {  	s16 =	sadd.s32 $0x13B40, s15;
	[sflag:s2] =	ssyncadd.s32 $0xFFFFE000  }
0x71: {  	[tilespmem:s26], [sflag:$0x2] =	stream.indirect.gather [hbm4b:s0+s23], $0x80, s16, s23, $0xb8;
	[tilespmem:$0x1E0C0] =	vst v63  }
0x72: {  	s16 =	sadd.s32 $0x14DC0, s15  }
0x73: {  	[spmem:s3] =	stream.indirect.scatter.add.f32 [tilespmem:s29], [sflag:$0x5], $0x80, s16, s23, $0xb8;
	[tilespmem:$0x1E0C0] =	vst v63  }
0x74: {  	_ =	swait.ge [sflag:s21], $0x2000  }
0x75: {  	[sflag:s21] =	ssyncset.done $0x0  }
0x76: {  	[sflag:s21] =	ssyncadd.s32 $0xFFFFE000  }
0x77: {  	_ =	swait.ge [sflag:s4], $0x2000  }
0x78: {  	[sflag:s4] =	ssyncset.done $0x0  }
0x79: {  	s16 =	sadd.s32 $0x13BC0, s15;
	[sflag:s4] =	ssyncadd.s32 $0xFFFFE000  }
0x7a: {  	[tilespmem:s29], [sflag:$0x3] =	stream.indirect.gather [hbm4b:s0+s23], $0x80, s16, s23, $0xb8;
	[tilespmem:$0x1E0C0] =	vst v63  }
.Ltmp0:
0x7b: {  	_ = 	snop;
	(pc) =	sbr.rel @p1 .LBB2_2-.Ltmp0, $4  }
0x7c: {  	s15 =	sadd.s32 $0x14E40, s15  }
0x7d: {  	[spmem:s3] =	stream.indirect.scatter.add.f32 [tilespmem:s31], [sflag:$0x5], $0x80, s15, s23, $0xb8;
	[tilespmem:$0x1E0C0] =	vst v63  }
0x7e: {  	_ =	swait.ge [sflag:s21], $0x2000  }
0x7f: {  	[sflag:s21] =	ssyncset.done $0x0  }
0x80: {  	[sflag:s21] =	ssyncadd.s32 $0xFFFFE000  }
0x81: {  	_ =	swait.ge [sflag:s30], $0x2000  }
0x82: {  	[sflag:s30] =	ssyncset.done $0x0  }
0x83: {  	[sflag:s30] =	ssyncadd.s32 $0xFFFFE000  }
0x84: {  	[tilespmem:s31], [sflag:$0x4] =	stream.indirect.gather [hbm4b:s0+s23], $0x80, s5, s23, $0xb8;
	[tilespmem:$0x1E0C0] =	vst v63  }
0x85: {  	_ = 	snop  }
0x86: {  	[spmem:s3] =	stream.indirect.scatter.add.f32 [tilespmem:s24], [sflag:$0x5], $0x80, s6, s23, $0xb8;
	[tilespmem:$0x1E0C0] =	vst v63  }
0x87: {  	_ =	swait.ge [sflag:s21], $0x2000  }
0x88: {  	[sflag:s21] =	ssyncset.done $0x0  }
0x89: {  	[sflag:s21] =	ssyncadd.s32 $0xFFFFE000  }
0x8a: {  	_ =	swait.ge [sflag:s1], $0x2000  }
0x8b: {  	[sflag:s1] =	ssyncset.done $0x0  }
0x8c: {  	[sflag:s1] =	ssyncadd.s32 $0xFFFFE000  }
0x8d: {  	[spmem:s3] =	stream.indirect.scatter.add.f32 [tilespmem:s26], [sflag:$0x5], $0x80, s7, s23, $0xb8;
	[tilespmem:$0x1E0C0] =	vst v63  }
0x8e: {  	_ =	swait.ge [sflag:s21], $0x2000  }
0x8f: {  	[sflag:s21] =	ssyncset.done $0x0  }
0x90: {  	[sflag:s21] =	ssyncadd.s32 $0xFFFFE000  }
0x91: {  	_ =	swait.ge [sflag:s2], $0x2000  }
0x92: {  	[sflag:s2] =	ssyncset.done $0x0  }
0x93: {  	[sflag:s2] =	ssyncadd.s32 $0xFFFFE000  }
0x94: {  	[spmem:s3] =	stream.indirect.scatter.add.f32 [tilespmem:s29], [sflag:$0x5], $0x80, s8, s23, $0xb8;
	[tilespmem:$0x1E0C0] =	vst v63  }
0x95: {  	_ =	swait.ge [sflag:s21], $0x2000  }
0x96: {  	[sflag:s21] =	ssyncset.done $0x0  }
0x97: {  	[sflag:s21] =	ssyncadd.s32 $0xFFFFE000  }
0x98: {  	_ =	swait.ge [sflag:s4], $0x2000  }
0x99: {  	[sflag:s4] =	ssyncset.done $0x0  }
0x9a: {  	[sflag:s4] =	ssyncadd.s32 $0xFFFFE000  }
0x9b: {  	[spmem:s3] =	stream.indirect.scatter.add.f32 [tilespmem:s31], [sflag:$0x5], $0x80, s9, s23, $0xb8;
	[tilespmem:$0x1E0C0] =	vst v63  }
0x9c: {  	_ =	swait.ge [sflag:s21], $0x2000  }
0x9d: {  	[sflag:s21] =	ssyncset.done $0x0  }
0x9e: {  	s14 =	simm.s32 $0x0;
	s15 =	rddreg [dreg:$0xb];
	[sflag:s21] =	ssyncadd.s32 $0xFFFFE000  }
0x9f: {  	[tilespmem:s20], [sflag:$0x5] =	stream.linear.gather [hbm4b:s15+s14], $0x1400, $0x38;
	[tilespmem:$0x1E0C0] =	vst v63  }
0xa0: {  	_ =	swait.ge [sflag:s21], $0x1400  }
0xa1: {  	[sflag:s21] =	ssyncset.done $0x0  }
0xa2: {  	s16 =	rddreg [dreg:$0xc];
	[sflag:s21] =	ssyncadd.s32 $0xFFFFEC00  }
0xa3: {  	[tilespmem:s22], [sflag:$0x5] =	stream.linear.gather [hbm4b:s16+s14], $0x1400, $0x38;
	[tilespmem:$0x1E0C0] =	vst v63  }
0xa4: {  	_ =	swait.ge [sflag:s21], $0x1400  }
0xa5: {  	[sflag:s21] =	ssyncset.done $0x0  }
0xa6: {  	[sflag:s21] =	ssyncadd.s32 $0xFFFFEC00  }
0xa7: {  	[tilespmem:s24], [sflag:$0x1] =	stream.indirect.gather [hbm4b:s0+s23], $0x80, s20, s23, $0xb8;
	[tilespmem:$0x1E0C0] =	vst v63  }
0xa8: {  	_ = 	snop  }
0xa9: {  	[tilespmem:s26], [sflag:$0x2] =	stream.indirect.gather [hbm4b:s0+s23], $0x80, s25, s23, $0xb8;
	[tilespmem:$0x1E0C0] =	vst v63  }
0xaa: {  	_ = 	snop  }
0xab: {  	[tilespmem:s29], [sflag:$0x3] =	stream.indirect.gather [hbm4b:s0+s23], $0x80, s28, s23, $0xb8;
	[tilespmem:$0x1E0C0] =	vst v63  }
0xac: {  	_ =	swait.ge [sflag:s30], $0x2000  }
0xad: {  	[sflag:s30] =	ssyncset.done $0x0  }
0xae: {  	s15 =	simm.s32 $0x13A40;
	[sflag:s30] =	ssyncadd.s32 $0xFFFFE000  }
0xaf: {  	[tilespmem:s31], [sflag:$0x4] =	stream.indirect.gather [hbm4b:s0+s23], $0x80, s15, s23, $0xb8;
	[tilespmem:$0x1E0C0] =	vst v63  }
0xb0: {  	s16 =	simm.s32 $0x14CC0  }
0xb1: {  	[spmem:s3] =	stream.indirect.scatter.add.f32 [tilespmem:s24], [sflag:$0x5], $0x80, s16, s23, $0xb8;
	[tilespmem:$0x1E0C0] =	vst v63  }
0xb2: {  	_ =	swait.ge [sflag:s21], $0x2000  }
0xb3: {  	[sflag:s21] =	ssyncset.done $0x0  }
0xb4: {  	[sflag:s21] =	ssyncadd.s32 $0xFFFFE000  }
0xb5: {  	_ =	swait.ge [sflag:s1], $0x2000  }
0xb6: {  	[sflag:s1] =	ssyncset.done $0x0  }
0xb7: {  	s15 =	simm.s32 $0x13AC0;
	[sflag:s1] =	ssyncadd.s32 $0xFFFFE000  }
0xb8: {  	[tilespmem:s24], [sflag:$0x1] =	stream.indirect.gather [hbm4b:s0+s23], $0x80, s15, s23, $0xb8;
	[tilespmem:$0x1E0C0] =	vst v63  }
0xb9: {  	s16 =	simm.s32 $0x14D40  }
0xba: {  	[spmem:s3] =	stream.indirect.scatter.add.f32 [tilespmem:s26], [sflag:$0x5], $0x80, s16, s23, $0xb8;
	[tilespmem:$0x1E0C0] =	vst v63  }
0xbb: {  	_ =	swait.ge [sflag:s21], $0x2000  }
0xbc: {  	[sflag:s21] =	ssyncset.done $0x0  }
0xbd: {  	[sflag:s21] =	ssyncadd.s32 $0xFFFFE000  }
0xbe: {  	_ =	swait.ge [sflag:s2], $0x2000  }
0xbf: {  	[sflag:s2] =	ssyncset.done $0x0  }
0xc0: {  	s15 =	simm.s32 $0x13B40;
	[sflag:s2] =	ssyncadd.s32 $0xFFFFE000  }
0xc1: {  	[tilespmem:s26], [sflag:$0x2] =	stream.indirect.gather [hbm4b:s0+s23], $0x80, s15, s23, $0xb8;
	[tilespmem:$0x1E0C0] =	vst v63  }
0xc2: {  	s16 =	simm.s32 $0x14DC0  }
0xc3: {  	[spmem:s3] =	stream.indirect.scatter.add.f32 [tilespmem:s29], [sflag:$0x5], $0x80, s16, s23, $0xb8;
	[tilespmem:$0x1E0C0] =	vst v63  }
0xc4: {  	_ =	swait.ge [sflag:s21], $0x2000  }
0xc5: {  	[sflag:s21] =	ssyncset.done $0x0  }
0xc6: {  	[sflag:s21] =	ssyncadd.s32 $0xFFFFE000  }
0xc7: {  	_ =	swait.ge [sflag:s4], $0x2000  }
0xc8: {  	[sflag:s4] =	ssyncset.done $0x0  }
0xc9: {  	s15 =	simm.s32 $0x13BC0;
	[sflag:s4] =	ssyncadd.s32 $0xFFFFE000  }
0xca: {  	[tilespmem:s29], [sflag:$0x3] =	stream.indirect.gather [hbm4b:s0+s23], $0x80, s15, s23, $0xb8;
	[tilespmem:$0x1E0C0] =	vst v63  }
0xcb: {  	s16 =	simm.s32 $0x14E40  }
0xcc: {  	[spmem:s3] =	stream.indirect.scatter.add.f32 [tilespmem:s31], [sflag:$0x5], $0x80, s16, s23, $0xb8;
	[tilespmem:$0x1E0C0] =	vst v63  }
0xcd: {  	_ =	swait.ge [sflag:s21], $0x2000  }
0xce: {  	s14 =	simm.s32 $0x800;
	[sflag:s21] =	ssyncset.done $0x0  }
.LBB2_4:
0xcf: {  	p1 =	sne.s32 s14, $0x4000  }
0xd0: {  	[sflag:s21] =	ssyncadd.s32 $0xFFFFE000;
	s15 =	smov.u32 s14;
	s14 =	sadd.s32 $0x800, s14  }
0xd1: {  	_ = 	snop  }
0xd2: {  	_ =	swait.ge [sflag:s30], $0x2000  }
0xd3: {  	s15 =	sshra.s32 s15, $0x2;
	[sflag:s30] =	ssyncset.done $0x0  }
0xd4: {  	s16 =	sadd.s32 $0x13A40, s15;
	[sflag:s30] =	ssyncadd.s32 $0xFFFFE000  }
0xd5: {  	[tilespmem:s31], [sflag:$0x4] =	stream.indirect.gather [hbm4b:s0+s23], $0x80, s16, s23, $0xb8;
	[tilespmem:$0x1E0C0] =	vst v63  }
0xd6: {  	s16 =	sadd.s32 $0x14CC0, s15  }
0xd7: {  	[spmem:s3] =	stream.indirect.scatter.add.f32 [tilespmem:s24], [sflag:$0x5], $0x80, s16, s23, $0xb8;
	[tilespmem:$0x1E0C0] =	vst v63  }
0xd8: {  	_ =	swait.ge [sflag:s21], $0x2000  }
0xd9: {  	[sflag:s21] =	ssyncset.done $0x0  }
0xda: {  	[sflag:s21] =	ssyncadd.s32 $0xFFFFE000  }
0xdb: {  	_ =	swait.ge [sflag:s1], $0x2000  }
0xdc: {  	[sflag:s1] =	ssyncset.done $0x0  }
0xdd: {  	s16 =	sadd.s32 $0x13AC0, s15;
	[sflag:s1] =	ssyncadd.s32 $0xFFFFE000  }
0xde: {  	[tilespmem:s24], [sflag:$0x1] =	stream.indirect.gather [hbm4b:s0+s23], $0x80, s16, s23, $0xb8;
	[tilespmem:$0x1E0C0] =	vst v63  }
0xdf: {  	s16 =	sadd.s32 $0x14D40, s15  }
0xe0: {  	[spmem:s3] =	stream.indirect.scatter.add.f32 [tilespmem:s26], [sflag:$0x5], $0x80, s16, s23, $0xb8;
	[tilespmem:$0x1E0C0] =	vst v63  }
0xe1: {  	_ =	swait.ge [sflag:s21], $0x2000  }
0xe2: {  	[sflag:s21] =	ssyncset.done $0x0  }
0xe3: {  	[sflag:s21] =	ssyncadd.s32 $0xFFFFE000  }
0xe4: {  	_ =	swait.ge [sflag:s2], $0x2000  }
0xe5: {  	[sflag:s2] =	ssyncset.done $0x0  }
0xe6: {  	s16 =	sadd.s32 $0x13B40, s15;
	[sflag:s2] =	ssyncadd.s32 $0xFFFFE000  }
0xe7: {  	[tilespmem:s26], [sflag:$0x2] =	stream.indirect.gather [hbm4b:s0+s23], $0x80, s16, s23, $0xb8;
	[tilespmem:$0x1E0C0] =	vst v63  }
0xe8: {  	s16 =	sadd.s32 $0x14DC0, s15  }
0xe9: {  	[spmem:s3] =	stream.indirect.scatter.add.f32 [tilespmem:s29], [sflag:$0x5], $0x80, s16, s23, $0xb8;
	[tilespmem:$0x1E0C0] =	vst v63  }
0xea: {  	_ =	swait.ge [sflag:s21], $0x2000  }
0xeb: {  	[sflag:s21] =	ssyncset.done $0x0  }
0xec: {  	[sflag:s21] =	ssyncadd.s32 $0xFFFFE000  }
0xed: {  	_ =	swait.ge [sflag:s4], $0x2000  }
0xee: {  	[sflag:s4] =	ssyncset.done $0x0  }
0xef: {  	s16 =	sadd.s32 $0x13BC0, s15;
	[sflag:s4] =	ssyncadd.s32 $0xFFFFE000  }
0xf0: {  	[tilespmem:s29], [sflag:$0x3] =	stream.indirect.gather [hbm4b:s0+s23], $0x80, s16, s23, $0xb8;
	[tilespmem:$0x1E0C0] =	vst v63  }
.Ltmp1:
0xf1: {  	_ = 	snop;
	(pc) =	sbr.rel @p1 .LBB2_4-.Ltmp1, $4  }
0xf2: {  	s15 =	sadd.s32 $0x14E40, s15  }
0xf3: {  	[spmem:s3] =	stream.indirect.scatter.add.f32 [tilespmem:s31], [sflag:$0x5], $0x80, s15, s23, $0xb8;
	[tilespmem:$0x1E0C0] =	vst v63  }
0xf4: {  	_ =	swait.ge [sflag:s21], $0x2000  }
0xf5: {  	[sflag:s21] =	ssyncset.done $0x0  }
0xf6: {  	[sflag:s21] =	ssyncadd.s32 $0xFFFFE000  }
0xf7: {  	_ =	swait.ge [sflag:s30], $0x2000  }
0xf8: {  	[sflag:s30] =	ssyncset.done $0x0  }
0xf9: {  	[sflag:s30] =	ssyncadd.s32 $0xFFFFE000  }
0xfa: {  	[tilespmem:s31], [sflag:$0x4] =	stream.indirect.gather [hbm4b:s0+s23], $0x80, s5, s23, $0xb8;
	[tilespmem:$0x1E0C0] =	vst v63  }
0xfb: {  	_ = 	snop  }
0xfc: {  	[spmem:s3] =	stream.indirect.scatter.add.f32 [tilespmem:s24], [sflag:$0x5], $0x80, s6, s23, $0xb8;
	[tilespmem:$0x1E0C0] =	vst v63  }
0xfd: {  	_ =	swait.ge [sflag:s21], $0x2000  }
0xfe: {  	[sflag:s21] =	ssyncset.done $0x0  }
0xff: {  	[sflag:s21] =	ssyncadd.s32 $0xFFFFE000  }
0x100: {  	_ =	swait.ge [sflag:s1], $0x2000  }
0x101: {  	[sflag:s1] =	ssyncset.done $0x0  }
0x102: {  	[sflag:s1] =	ssyncadd.s32 $0xFFFFE000  }
0x103: {  	[spmem:s3] =	stream.indirect.scatter.add.f32 [tilespmem:s26], [sflag:$0x5], $0x80, s7, s23, $0xb8;
	[tilespmem:$0x1E0C0] =	vst v63  }
0x104: {  	_ =	swait.ge [sflag:s21], $0x2000  }
0x105: {  	[sflag:s21] =	ssyncset.done $0x0  }
0x106: {  	[sflag:s21] =	ssyncadd.s32 $0xFFFFE000  }
0x107: {  	_ =	swait.ge [sflag:s2], $0x2000  }
0x108: {  	[sflag:s2] =	ssyncset.done $0x0  }
0x109: {  	[sflag:s2] =	ssyncadd.s32 $0xFFFFE000  }
0x10a: {  	[spmem:s3] =	stream.indirect.scatter.add.f32 [tilespmem:s29], [sflag:$0x5], $0x80, s8, s23, $0xb8;
	[tilespmem:$0x1E0C0] =	vst v63  }
0x10b: {  	_ =	swait.ge [sflag:s21], $0x2000  }
0x10c: {  	[sflag:s21] =	ssyncset.done $0x0  }
0x10d: {  	[sflag:s21] =	ssyncadd.s32 $0xFFFFE000  }
0x10e: {  	_ =	swait.ge [sflag:s4], $0x2000  }
0x10f: {  	[sflag:s4] =	ssyncset.done $0x0  }
0x110: {  	[sflag:s4] =	ssyncadd.s32 $0xFFFFE000  }
0x111: {  	[spmem:s3] =	stream.indirect.scatter.add.f32 [tilespmem:s31], [sflag:$0x5], $0x80, s9, s23, $0xb8;
	[tilespmem:$0x1E0C0] =	vst v63  }
0x112: {  	_ =	swait.ge [sflag:s21], $0x2000  }
0x113: {  	[sflag:s21] =	ssyncset.done $0x0  }
0x114: {  	s14 =	simm.s32 $0x0;
	s15 =	rddreg [dreg:$0xd];
	[sflag:s21] =	ssyncadd.s32 $0xFFFFE000  }
0x115: {  	[tilespmem:s20], [sflag:$0x5] =	stream.linear.gather [hbm4b:s15+s14], $0x1400, $0x38;
	[tilespmem:$0x1E0C0] =	vst v63  }
0x116: {  	_ =	swait.ge [sflag:s21], $0x1400  }
0x117: {  	[sflag:s21] =	ssyncset.done $0x0  }
0x118: {  	s16 =	rddreg [dreg:$0xe];
	[sflag:s21] =	ssyncadd.s32 $0xFFFFEC00  }
0x119: {  	[tilespmem:s22], [sflag:$0x5] =	stream.linear.gather [hbm4b:s16+s14], $0x1400, $0x38;
	[tilespmem:$0x1E0C0] =	vst v63  }
0x11a: {  	_ =	swait.ge [sflag:s21], $0x1400  }
0x11b: {  	[sflag:s21] =	ssyncset.done $0x0  }
0x11c: {  	[sflag:s21] =	ssyncadd.s32 $0xFFFFEC00  }
0x11d: {  	[tilespmem:s24], [sflag:$0x1] =	stream.indirect.gather [hbm4b:s0+s23], $0x80, s20, s23, $0xb8;
	[tilespmem:$0x1E0C0] =	vst v63  }
0x11e: {  	_ = 	snop  }
0x11f: {  	[tilespmem:s26], [sflag:$0x2] =	stream.indirect.gather [hbm4b:s0+s23], $0x80, s25, s23, $0xb8;
	[tilespmem:$0x1E0C0] =	vst v63  }
0x120: {  	_ = 	snop  }
0x121: {  	[tilespmem:s29], [sflag:$0x3] =	stream.indirect.gather [hbm4b:s0+s23], $0x80, s28, s23, $0xb8;
	[tilespmem:$0x1E0C0] =	vst v63  }
0x122: {  	_ =	swait.ge [sflag:s30], $0x2000  }
0x123: {  	[sflag:s30] =	ssyncset.done $0x0  }
0x124: {  	s15 =	simm.s32 $0x13A40;
	[sflag:s30] =	ssyncadd.s32 $0xFFFFE000  }
0x125: {  	[tilespmem:s31], [sflag:$0x4] =	stream.indirect.gather [hbm4b:s0+s23], $0x80, s15, s23, $0xb8;
	[tilespmem:$0x1E0C0] =	vst v63  }
0x126: {  	s16 =	simm.s32 $0x14CC0  }
0x127: {  	[spmem:s3] =	stream.indirect.scatter.add.f32 [tilespmem:s24], [sflag:$0x5], $0x80, s16, s23, $0xb8;
	[tilespmem:$0x1E0C0] =	vst v63  }
0x128: {  	_ =	swait.ge [sflag:s21], $0x2000  }
0x129: {  	[sflag:s21] =	ssyncset.done $0x0  }
0x12a: {  	[sflag:s21] =	ssyncadd.s32 $0xFFFFE000  }
0x12b: {  	_ =	swait.ge [sflag:s1], $0x2000  }
0x12c: {  	[sflag:s1] =	ssyncset.done $0x0  }
0x12d: {  	s15 =	simm.s32 $0x13AC0;
	[sflag:s1] =	ssyncadd.s32 $0xFFFFE000  }
0x12e: {  	[tilespmem:s24], [sflag:$0x1] =	stream.indirect.gather [hbm4b:s0+s23], $0x80, s15, s23, $0xb8;
	[tilespmem:$0x1E0C0] =	vst v63  }
0x12f: {  	s16 =	simm.s32 $0x14D40  }
0x130: {  	[spmem:s3] =	stream.indirect.scatter.add.f32 [tilespmem:s26], [sflag:$0x5], $0x80, s16, s23, $0xb8;
	[tilespmem:$0x1E0C0] =	vst v63  }
0x131: {  	_ =	swait.ge [sflag:s21], $0x2000  }
0x132: {  	[sflag:s21] =	ssyncset.done $0x0  }
0x133: {  	[sflag:s21] =	ssyncadd.s32 $0xFFFFE000  }
0x134: {  	_ =	swait.ge [sflag:s2], $0x2000  }
0x135: {  	[sflag:s2] =	ssyncset.done $0x0  }
0x136: {  	s15 =	simm.s32 $0x13B40;
	[sflag:s2] =	ssyncadd.s32 $0xFFFFE000  }
0x137: {  	[tilespmem:s26], [sflag:$0x2] =	stream.indirect.gather [hbm4b:s0+s23], $0x80, s15, s23, $0xb8;
	[tilespmem:$0x1E0C0] =	vst v63  }
0x138: {  	s16 =	simm.s32 $0x14DC0  }
0x139: {  	[spmem:s3] =	stream.indirect.scatter.add.f32 [tilespmem:s29], [sflag:$0x5], $0x80, s16, s23, $0xb8;
	[tilespmem:$0x1E0C0] =	vst v63  }
0x13a: {  	_ =	swait.ge [sflag:s21], $0x2000  }
0x13b: {  	[sflag:s21] =	ssyncset.done $0x0  }
0x13c: {  	[sflag:s21] =	ssyncadd.s32 $0xFFFFE000  }
0x13d: {  	_ =	swait.ge [sflag:s4], $0x2000  }
0x13e: {  	[sflag:s4] =	ssyncset.done $0x0  }
0x13f: {  	s15 =	simm.s32 $0x13BC0;
	[sflag:s4] =	ssyncadd.s32 $0xFFFFE000  }
0x140: {  	[tilespmem:s29], [sflag:$0x3] =	stream.indirect.gather [hbm4b:s0+s23], $0x80, s15, s23, $0xb8;
	[tilespmem:$0x1E0C0] =	vst v63  }
0x141: {  	s16 =	simm.s32 $0x14E40  }
0x142: {  	[spmem:s3] =	stream.indirect.scatter.add.f32 [tilespmem:s31], [sflag:$0x5], $0x80, s16, s23, $0xb8;
	[tilespmem:$0x1E0C0] =	vst v63  }
0x143: {  	_ =	swait.ge [sflag:s21], $0x2000  }
0x144: {  	s14 =	simm.s32 $0x800;
	[sflag:s21] =	ssyncset.done $0x0  }
.LBB2_6:
0x145: {  	p1 =	sne.s32 s14, $0x4000  }
0x146: {  	[sflag:s21] =	ssyncadd.s32 $0xFFFFE000;
	s15 =	smov.u32 s14;
	s14 =	sadd.s32 $0x800, s14  }
0x147: {  	_ = 	snop  }
0x148: {  	_ =	swait.ge [sflag:s30], $0x2000  }
0x149: {  	s15 =	sshra.s32 s15, $0x2;
	[sflag:s30] =	ssyncset.done $0x0  }
0x14a: {  	s16 =	sadd.s32 $0x13A40, s15;
	[sflag:s30] =	ssyncadd.s32 $0xFFFFE000  }
0x14b: {  	[tilespmem:s31], [sflag:$0x4] =	stream.indirect.gather [hbm4b:s0+s23], $0x80, s16, s23, $0xb8;
	[tilespmem:$0x1E0C0] =	vst v63  }
0x14c: {  	s16 =	sadd.s32 $0x14CC0, s15  }
0x14d: {  	[spmem:s3] =	stream.indirect.scatter.add.f32 [tilespmem:s24], [sflag:$0x5], $0x80, s16, s23, $0xb8;
	[tilespmem:$0x1E0C0] =	vst v63  }
0x14e: {  	_ =	swait.ge [sflag:s21], $0x2000  }
0x14f: {  	[sflag:s21] =	ssyncset.done $0x0  }
0x150: {  	[sflag:s21] =	ssyncadd.s32 $0xFFFFE000  }
0x151: {  	_ =	swait.ge [sflag:s1], $0x2000  }
0x152: {  	[sflag:s1] =	ssyncset.done $0x0  }
0x153: {  	s16 =	sadd.s32 $0x13AC0, s15;
	[sflag:s1] =	ssyncadd.s32 $0xFFFFE000  }
0x154: {  	[tilespmem:s24], [sflag:$0x1] =	stream.indirect.gather [hbm4b:s0+s23], $0x80, s16, s23, $0xb8;
	[tilespmem:$0x1E0C0] =	vst v63  }
0x155: {  	s16 =	sadd.s32 $0x14D40, s15  }
0x156: {  	[spmem:s3] =	stream.indirect.scatter.add.f32 [tilespmem:s26], [sflag:$0x5], $0x80, s16, s23, $0xb8;
	[tilespmem:$0x1E0C0] =	vst v63  }
0x157: {  	_ =	swait.ge [sflag:s21], $0x2000  }
0x158: {  	[sflag:s21] =	ssyncset.done $0x0  }
0x159: {  	[sflag:s21] =	ssyncadd.s32 $0xFFFFE000  }
0x15a: {  	_ =	swait.ge [sflag:s2], $0x2000  }
0x15b: {  	[sflag:s2] =	ssyncset.done $0x0  }
0x15c: {  	s16 =	sadd.s32 $0x13B40, s15;
	[sflag:s2] =	ssyncadd.s32 $0xFFFFE000  }
0x15d: {  	[tilespmem:s26], [sflag:$0x2] =	stream.indirect.gather [hbm4b:s0+s23], $0x80, s16, s23, $0xb8;
	[tilespmem:$0x1E0C0] =	vst v63  }
0x15e: {  	s16 =	sadd.s32 $0x14DC0, s15  }
0x15f: {  	[spmem:s3] =	stream.indirect.scatter.add.f32 [tilespmem:s29], [sflag:$0x5], $0x80, s16, s23, $0xb8;
	[tilespmem:$0x1E0C0] =	vst v63  }
0x160: {  	_ =	swait.ge [sflag:s21], $0x2000  }
0x161: {  	[sflag:s21] =	ssyncset.done $0x0  }
0x162: {  	[sflag:s21] =	ssyncadd.s32 $0xFFFFE000  }
0x163: {  	_ =	swait.ge [sflag:s4], $0x2000  }
0x164: {  	[sflag:s4] =	ssyncset.done $0x0  }
0x165: {  	s16 =	sadd.s32 $0x13BC0, s15;
	[sflag:s4] =	ssyncadd.s32 $0xFFFFE000  }
0x166: {  	[tilespmem:s29], [sflag:$0x3] =	stream.indirect.gather [hbm4b:s0+s23], $0x80, s16, s23, $0xb8;
	[tilespmem:$0x1E0C0] =	vst v63  }
.Ltmp2:
0x167: {  	_ = 	snop;
	(pc) =	sbr.rel @p1 .LBB2_6-.Ltmp2, $4  }
0x168: {  	s15 =	sadd.s32 $0x14E40, s15  }
0x169: {  	[spmem:s3] =	stream.indirect.scatter.add.f32 [tilespmem:s31], [sflag:$0x5], $0x80, s15, s23, $0xb8;
	[tilespmem:$0x1E0C0] =	vst v63  }
0x16a: {  	_ =	swait.ge [sflag:s21], $0x2000  }
0x16b: {  	[sflag:s21] =	ssyncset.done $0x0  }
0x16c: {  	[sflag:s21] =	ssyncadd.s32 $0xFFFFE000  }
0x16d: {  	_ =	swait.ge [sflag:s30], $0x2000  }
0x16e: {  	[sflag:s30] =	ssyncset.done $0x0  }
0x16f: {  	[sflag:s30] =	ssyncadd.s32 $0xFFFFE000  }
0x170: {  	[tilespmem:s31], [sflag:$0x4] =	stream.indirect.gather [hbm4b:s0+s23], $0x80, s5, s23, $0xb8;
	[tilespmem:$0x1E0C0] =	vst v63  }
0x171: {  	_ = 	snop  }
0x172: {  	[spmem:s3] =	stream.indirect.scatter.add.f32 [tilespmem:s24], [sflag:$0x5], $0x80, s6, s23, $0xb8;
	[tilespmem:$0x1E0C0] =	vst v63  }
0x173: {  	_ =	swait.ge [sflag:s21], $0x2000  }
0x174: {  	[sflag:s21] =	ssyncset.done $0x0  }
0x175: {  	[sflag:s21] =	ssyncadd.s32 $0xFFFFE000  }
0x176: {  	_ =	swait.ge [sflag:s1], $0x2000  }
0x177: {  	[sflag:s1] =	ssyncset.done $0x0  }
0x178: {  	[sflag:s1] =	ssyncadd.s32 $0xFFFFE000  }
0x179: {  	[spmem:s3] =	stream.indirect.scatter.add.f32 [tilespmem:s26], [sflag:$0x5], $0x80, s7, s23, $0xb8;
	[tilespmem:$0x1E0C0] =	vst v63  }
0x17a: {  	_ =	swait.ge [sflag:s21], $0x2000  }
0x17b: {  	[sflag:s21] =	ssyncset.done $0x0  }
0x17c: {  	[sflag:s21] =	ssyncadd.s32 $0xFFFFE000  }
0x17d: {  	_ =	swait.ge [sflag:s2], $0x2000  }
0x17e: {  	[sflag:s2] =	ssyncset.done $0x0  }
0x17f: {  	[sflag:s2] =	ssyncadd.s32 $0xFFFFE000  }
0x180: {  	[spmem:s3] =	stream.indirect.scatter.add.f32 [tilespmem:s29], [sflag:$0x5], $0x80, s8, s23, $0xb8;
	[tilespmem:$0x1E0C0] =	vst v63  }
0x181: {  	_ =	swait.ge [sflag:s21], $0x2000  }
0x182: {  	[sflag:s21] =	ssyncset.done $0x0  }
0x183: {  	[sflag:s21] =	ssyncadd.s32 $0xFFFFE000  }
0x184: {  	_ =	swait.ge [sflag:s4], $0x2000  }
0x185: {  	[sflag:s4] =	ssyncset.done $0x0  }
0x186: {  	[sflag:s4] =	ssyncadd.s32 $0xFFFFE000  }
0x187: {  	[spmem:s3] =	stream.indirect.scatter.add.f32 [tilespmem:s31], [sflag:$0x5], $0x80, s9, s23, $0xb8;
	[tilespmem:$0x1E0C0] =	vst v63  }
0x188: {  	_ =	swait.ge [sflag:s21], $0x2000  }
0x189: {  	[sflag:s21] =	ssyncset.done $0x0  }
0x18a: {  	s14 =	simm.s32 $0x0;
	s15 =	rddreg [dreg:$0xf];
	[sflag:s21] =	ssyncadd.s32 $0xFFFFE000  }
0x18b: {  	[tilespmem:s20], [sflag:$0x5] =	stream.linear.gather [hbm4b:s15+s14], $0x1400, $0x38;
	[tilespmem:$0x1E0C0] =	vst v63  }
0x18c: {  	_ =	swait.ge [sflag:s21], $0x1400  }
0x18d: {  	[sflag:s21] =	ssyncset.done $0x0  }
0x18e: {  	s16 =	rddreg [dreg:$0x10];
	[sflag:s21] =	ssyncadd.s32 $0xFFFFEC00  }
0x18f: {  	[tilespmem:s22], [sflag:$0x5] =	stream.linear.gather [hbm4b:s16+s14], $0x1400, $0x38;
	[tilespmem:$0x1E0C0] =	vst v63  }
0x190: {  	_ =	swait.ge [sflag:s21], $0x1400  }
0x191: {  	[sflag:s21] =	ssyncset.done $0x0  }
0x192: {  	[sflag:s21] =	ssyncadd.s32 $0xFFFFEC00  }
0x193: {  	[tilespmem:s24], [sflag:$0x1] =	stream.indirect.gather [hbm4b:s0+s23], $0x80, s20, s23, $0xb8;
	[tilespmem:$0x1E0C0] =	vst v63  }
0x194: {  	_ = 	snop  }
0x195: {  	[tilespmem:s26], [sflag:$0x2] =	stream.indirect.gather [hbm4b:s0+s23], $0x80, s25, s23, $0xb8;
	[tilespmem:$0x1E0C0] =	vst v63  }
0x196: {  	_ = 	snop  }
0x197: {  	[tilespmem:s29], [sflag:$0x3] =	stream.indirect.gather [hbm4b:s0+s23], $0x80, s28, s23, $0xb8;
	[tilespmem:$0x1E0C0] =	vst v63  }
0x198: {  	_ =	swait.ge [sflag:s30], $0x2000  }
0x199: {  	[sflag:s30] =	ssyncset.done $0x0  }
0x19a: {  	s15 =	simm.s32 $0x13A40;
	[sflag:s30] =	ssyncadd.s32 $0xFFFFE000  }
0x19b: {  	[tilespmem:s31], [sflag:$0x4] =	stream.indirect.gather [hbm4b:s0+s23], $0x80, s15, s23, $0xb8;
	[tilespmem:$0x1E0C0] =	vst v63  }
0x19c: {  	s16 =	simm.s32 $0x14CC0  }
0x19d: {  	[spmem:s3] =	stream.indirect.scatter.add.f32 [tilespmem:s24], [sflag:$0x5], $0x80, s16, s23, $0xb8;
	[tilespmem:$0x1E0C0] =	vst v63  }
0x19e: {  	_ =	swait.ge [sflag:s21], $0x2000  }
0x19f: {  	[sflag:s21] =	ssyncset.done $0x0  }
0x1a0: {  	[sflag:s21] =	ssyncadd.s32 $0xFFFFE000  }
0x1a1: {  	_ =	swait.ge [sflag:s1], $0x2000  }
0x1a2: {  	[sflag:s1] =	ssyncset.done $0x0  }
0x1a3: {  	s15 =	simm.s32 $0x13AC0;
	[sflag:s1] =	ssyncadd.s32 $0xFFFFE000  }
0x1a4: {  	[tilespmem:s24], [sflag:$0x1] =	stream.indirect.gather [hbm4b:s0+s23], $0x80, s15, s23, $0xb8;
	[tilespmem:$0x1E0C0] =	vst v63  }
0x1a5: {  	s16 =	simm.s32 $0x14D40  }
0x1a6: {  	[spmem:s3] =	stream.indirect.scatter.add.f32 [tilespmem:s26], [sflag:$0x5], $0x80, s16, s23, $0xb8;
	[tilespmem:$0x1E0C0] =	vst v63  }
0x1a7: {  	_ =	swait.ge [sflag:s21], $0x2000  }
0x1a8: {  	[sflag:s21] =	ssyncset.done $0x0  }
0x1a9: {  	[sflag:s21] =	ssyncadd.s32 $0xFFFFE000  }
0x1aa: {  	_ =	swait.ge [sflag:s2], $0x2000  }
0x1ab: {  	[sflag:s2] =	ssyncset.done $0x0  }
0x1ac: {  	s15 =	simm.s32 $0x13B40;
	[sflag:s2] =	ssyncadd.s32 $0xFFFFE000  }
0x1ad: {  	[tilespmem:s26], [sflag:$0x2] =	stream.indirect.gather [hbm4b:s0+s23], $0x80, s15, s23, $0xb8;
	[tilespmem:$0x1E0C0] =	vst v63  }
0x1ae: {  	s16 =	simm.s32 $0x14DC0  }
0x1af: {  	[spmem:s3] =	stream.indirect.scatter.add.f32 [tilespmem:s29], [sflag:$0x5], $0x80, s16, s23, $0xb8;
	[tilespmem:$0x1E0C0] =	vst v63  }
0x1b0: {  	_ =	swait.ge [sflag:s21], $0x2000  }
0x1b1: {  	[sflag:s21] =	ssyncset.done $0x0  }
0x1b2: {  	[sflag:s21] =	ssyncadd.s32 $0xFFFFE000  }
0x1b3: {  	_ =	swait.ge [sflag:s4], $0x2000  }
0x1b4: {  	[sflag:s4] =	ssyncset.done $0x0  }
0x1b5: {  	s15 =	simm.s32 $0x13BC0;
	[sflag:s4] =	ssyncadd.s32 $0xFFFFE000  }
0x1b6: {  	[tilespmem:s29], [sflag:$0x3] =	stream.indirect.gather [hbm4b:s0+s23], $0x80, s15, s23, $0xb8;
	[tilespmem:$0x1E0C0] =	vst v63  }
0x1b7: {  	s16 =	simm.s32 $0x14E40  }
0x1b8: {  	[spmem:s3] =	stream.indirect.scatter.add.f32 [tilespmem:s31], [sflag:$0x5], $0x80, s16, s23, $0xb8;
	[tilespmem:$0x1E0C0] =	vst v63  }
0x1b9: {  	_ =	swait.ge [sflag:s21], $0x2000  }
0x1ba: {  	s14 =	simm.s32 $0x800;
	[sflag:s21] =	ssyncset.done $0x0  }
.LBB2_8:
0x1bb: {  	p1 =	sne.s32 s14, $0x4000  }
0x1bc: {  	[sflag:s21] =	ssyncadd.s32 $0xFFFFE000;
	s15 =	smov.u32 s14;
	s14 =	sadd.s32 $0x800, s14  }
0x1bd: {  	_ = 	snop  }
0x1be: {  	_ =	swait.ge [sflag:s30], $0x2000  }
0x1bf: {  	s15 =	sshra.s32 s15, $0x2;
	[sflag:s30] =	ssyncset.done $0x0  }
0x1c0: {  	s16 =	sadd.s32 $0x13A40, s15;
	[sflag:s30] =	ssyncadd.s32 $0xFFFFE000  }
0x1c1: {  	[tilespmem:s31], [sflag:$0x4] =	stream.indirect.gather [hbm4b:s0+s23], $0x80, s16, s23, $0xb8;
	[tilespmem:$0x1E0C0] =	vst v63  }
0x1c2: {  	s16 =	sadd.s32 $0x14CC0, s15  }
0x1c3: {  	[spmem:s3] =	stream.indirect.scatter.add.f32 [tilespmem:s24], [sflag:$0x5], $0x80, s16, s23, $0xb8;
	[tilespmem:$0x1E0C0] =	vst v63  }
0x1c4: {  	_ =	swait.ge [sflag:s21], $0x2000  }
0x1c5: {  	[sflag:s21] =	ssyncset.done $0x0  }
0x1c6: {  	[sflag:s21] =	ssyncadd.s32 $0xFFFFE000  }
0x1c7: {  	_ =	swait.ge [sflag:s1], $0x2000  }
0x1c8: {  	[sflag:s1] =	ssyncset.done $0x0  }
0x1c9: {  	s16 =	sadd.s32 $0x13AC0, s15;
	[sflag:s1] =	ssyncadd.s32 $0xFFFFE000  }
0x1ca: {  	[tilespmem:s24], [sflag:$0x1] =	stream.indirect.gather [hbm4b:s0+s23], $0x80, s16, s23, $0xb8;
	[tilespmem:$0x1E0C0] =	vst v63  }
0x1cb: {  	s16 =	sadd.s32 $0x14D40, s15  }
0x1cc: {  	[spmem:s3] =	stream.indirect.scatter.add.f32 [tilespmem:s26], [sflag:$0x5], $0x80, s16, s23, $0xb8;
	[tilespmem:$0x1E0C0] =	vst v63  }
0x1cd: {  	_ =	swait.ge [sflag:s21], $0x2000  }
0x1ce: {  	[sflag:s21] =	ssyncset.done $0x0  }
0x1cf: {  	[sflag:s21] =	ssyncadd.s32 $0xFFFFE000  }
0x1d0: {  	_ =	swait.ge [sflag:s2], $0x2000  }
0x1d1: {  	[sflag:s2] =	ssyncset.done $0x0  }
0x1d2: {  	s16 =	sadd.s32 $0x13B40, s15;
	[sflag:s2] =	ssyncadd.s32 $0xFFFFE000  }
0x1d3: {  	[tilespmem:s26], [sflag:$0x2] =	stream.indirect.gather [hbm4b:s0+s23], $0x80, s16, s23, $0xb8;
	[tilespmem:$0x1E0C0] =	vst v63  }
0x1d4: {  	s16 =	sadd.s32 $0x14DC0, s15  }
0x1d5: {  	[spmem:s3] =	stream.indirect.scatter.add.f32 [tilespmem:s29], [sflag:$0x5], $0x80, s16, s23, $0xb8;
	[tilespmem:$0x1E0C0] =	vst v63  }
0x1d6: {  	_ =	swait.ge [sflag:s21], $0x2000  }
0x1d7: {  	[sflag:s21] =	ssyncset.done $0x0  }
0x1d8: {  	[sflag:s21] =	ssyncadd.s32 $0xFFFFE000  }
0x1d9: {  	_ =	swait.ge [sflag:s4], $0x2000  }
0x1da: {  	[sflag:s4] =	ssyncset.done $0x0  }
0x1db: {  	s16 =	sadd.s32 $0x13BC0, s15;
	[sflag:s4] =	ssyncadd.s32 $0xFFFFE000  }
0x1dc: {  	[tilespmem:s29], [sflag:$0x3] =	stream.indirect.gather [hbm4b:s0+s23], $0x80, s16, s23, $0xb8;
	[tilespmem:$0x1E0C0] =	vst v63  }
.Ltmp3:
0x1dd: {  	_ = 	snop;
	(pc) =	sbr.rel @p1 .LBB2_8-.Ltmp3, $4  }
0x1de: {  	s15 =	sadd.s32 $0x14E40, s15  }
0x1df: {  	[spmem:s3] =	stream.indirect.scatter.add.f32 [tilespmem:s31], [sflag:$0x5], $0x80, s15, s23, $0xb8;
	[tilespmem:$0x1E0C0] =	vst v63  }
0x1e0: {  	_ =	swait.ge [sflag:s21], $0x2000  }
0x1e1: {  	[sflag:s21] =	ssyncset.done $0x0  }
0x1e2: {  	[sflag:s21] =	ssyncadd.s32 $0xFFFFE000  }
0x1e3: {  	_ =	swait.ge [sflag:s30], $0x2000  }
0x1e4: {  	[sflag:s30] =	ssyncset.done $0x0  }
0x1e5: {  	[sflag:s30] =	ssyncadd.s32 $0xFFFFE000  }
0x1e6: {  	[tilespmem:s31], [sflag:$0x4] =	stream.indirect.gather [hbm4b:s0+s23], $0x80, s5, s23, $0xb8;
	[tilespmem:$0x1E0C0] =	vst v63  }
0x1e7: {  	_ = 	snop  }
0x1e8: {  	[spmem:s3] =	stream.indirect.scatter.add.f32 [tilespmem:s24], [sflag:$0x5], $0x80, s6, s23, $0xb8;
	[tilespmem:$0x1E0C0] =	vst v63  }
0x1e9: {  	_ =	swait.ge [sflag:s21], $0x2000  }
0x1ea: {  	[sflag:s21] =	ssyncset.done $0x0  }
0x1eb: {  	[sflag:s21] =	ssyncadd.s32 $0xFFFFE000  }
0x1ec: {  	_ =	swait.ge [sflag:s1], $0x2000  }
0x1ed: {  	[sflag:s1] =	ssyncset.done $0x0  }
0x1ee: {  	[sflag:s1] =	ssyncadd.s32 $0xFFFFE000  }
0x1ef: {  	[spmem:s3] =	stream.indirect.scatter.add.f32 [tilespmem:s26], [sflag:$0x5], $0x80, s7, s23, $0xb8;
	[tilespmem:$0x1E0C0] =	vst v63  }
0x1f0: {  	_ =	swait.ge [sflag:s21], $0x2000  }
0x1f1: {  	[sflag:s21] =	ssyncset.done $0x0  }
0x1f2: {  	[sflag:s21] =	ssyncadd.s32 $0xFFFFE000  }
0x1f3: {  	_ =	swait.ge [sflag:s2], $0x2000  }
0x1f4: {  	[sflag:s2] =	ssyncset.done $0x0  }
0x1f5: {  	[sflag:s2] =	ssyncadd.s32 $0xFFFFE000  }
0x1f6: {  	[spmem:s3] =	stream.indirect.scatter.add.f32 [tilespmem:s29], [sflag:$0x5], $0x80, s8, s23, $0xb8;
	[tilespmem:$0x1E0C0] =	vst v63  }
0x1f7: {  	_ =	swait.ge [sflag:s21], $0x2000  }
0x1f8: {  	[sflag:s21] =	ssyncset.done $0x0  }
0x1f9: {  	[sflag:s21] =	ssyncadd.s32 $0xFFFFE000  }
0x1fa: {  	_ =	swait.ge [sflag:s4], $0x2000  }
0x1fb: {  	[sflag:s4] =	ssyncset.done $0x0  }
0x1fc: {  	[sflag:s4] =	ssyncadd.s32 $0xFFFFE000  }
0x1fd: {  	[spmem:s3] =	stream.indirect.scatter.add.f32 [tilespmem:s31], [sflag:$0x5], $0x80, s9, s23, $0xb8;
	[tilespmem:$0x1E0C0] =	vst v63  }
0x1fe: {  	_ =	swait.ge [sflag:s21], $0x2000  }
0x1ff: {  	[sflag:s21] =	ssyncset.done $0x0  }
0x200: {  	[sflag:s21] =	ssyncadd.s32 $0xFFFFE000  }
0x201: {  	[bflag:$0x0] =	sbarrier.arrive $0xFFFF  }
0x202: {  	[hbm:s17], [sflag:s11] =	dma.local [spmem:s12], $0x2700  }
0x203: {  	_ =	swait.ge [sflag:s21], $0x2700  }
0x204: {  	s10 =	sadd.s32 $0x1, s10;
	[sflag:s21] =	ssyncset.done $0x0  }
0x205: {  	p1 =	sne.s32 s10, s19;
	[sflag:s21] =	ssyncadd.s32 $0xFFFFD900  }
0x206: {  	[hbm:s18], [sflag:s11] =	dma.local @!p0 [spmem:s13], $0x100  }
.Ltmp4:
0x207: {  	_ = 	snop;
	(pc) =	sbr.rel @p1 .LBB2_1-.Ltmp4, $4  }
0x208: {  	s11 =	simm.s32 @!p0 $0x5  }
0x209: {  	_ =	swait.ge @!p0 [sflag:s11], $0x100  }
0x20a: {  	[sflag:s11] =	ssyncset.done @!p0 $0x0  }
0x20b: {  	[sflag:s11] =	ssyncadd.s32 @!p0 $0xFFFFFF00  }
0x20c: {  	_ =	sfence.sel $0x180000  }
0x20d: {  	[bflag:$0x0] =	sbarrier.arrive $0xFFFF  }
0x20e: {  	_ =	strace $0x90000047  }
0x20f: {  	s0 =	stileid.u32;
	[bflag:$0x2] =	sbarrier.arrive $0xFFFF  }
0x210: {  	p0 =	sne.s32 s0, $0x0;
	s0 =	rddreg [dreg:$0x4]  }
0x211: {  	s0 =	sadd.s32 @!p0 $0x100000, s0  }
0x212: {  	[sflag:s0] =	ssyncadd.tile.s32 @!p0 $0x1;
	_ =	shalt  }
.Lfunc_end2:
_tile_overlayer_lowered:
.L_overlay_start_2:
0x213: {  	(tag) =	ssettag $0x2  }
0x214: {  	s0 =	rddreg [dreg:$0x0];
	s2 =	stileid.u32  }
0x215: {  	s1 =	rddreg [dreg:$0x1];
	p0 =	sne.s32 s2, $0x0  }
0x216: {  	s3 =	rddreg [dreg:$0x2];
	[bflag:$0x3] =	sbarrier.arrive $0xFFFF;
	s2 =	simm.s32 @!p0 $0x1C05  }
0x217: {  	[timem:s3], [sflag:s2] =	dma.local @!p0 [hbm:s0], s1  }
0x218: {  	s0 =	simm.s32 @!p0 $0x5  }
0x219: {  	_ =	swait.ge @!p0 [sflag:s0], s1  }
0x21a: {  	s1 =	ssub.s32 @!p0 $0x0, s1;
	[sflag:s0] =	ssyncset.done @!p0 $0x0  }
0x21b: {  	[sflag:s0] =	ssyncadd.s32 @!p0 s1  }
0x21c: {  	[bflag:$0x3] =	sbarrier.arrive $0xFFFF  }
0x21d: {  	_ =	shalt  }

</sc_bundles>
